<compile_context>
chip_gen: v7x
topology: tpu7x:2x2x1
jax: 0.10.2.dev20260603
libtpu: 0.0.44.dev20260713+nightly
codegen_flags: <defaults>
</compile_context>

<pallas_src>
import jax
import jax.numpy as jnp
from jax import lax
from jax.experimental import pallas as pl
from jax.experimental.pallas import tpu as pltpu
from jax.experimental.pallas import tpu_sc as plsc

N = 10000
E = 320000
D = 128
H = 128
G = 64

NP = 10240
NC = 2
NS = 16
EPT = E // NS
CH = 80
NCH = EPT // CH
NBUF = 2
NGRP = NCH // NBUF
HALF = NP // NC
HALFP = HALF + 128
ZRT = HALFP // NS
RPT = HALF // NS
NPT = NP // NS

_MESH = plsc.VectorSubcoreMesh(core_axis_name="c", subcore_axis_name="s")


NW = NC * NS
WRT = NP // NW


def _hist_body(dst_hbm, hists_out, dst_v, hist_v, sem):
    c = lax.axis_index("c")
    s = lax.axis_index("s")

    pltpu.sync_copy(dst_hbm.at[s], dst_v)

    def z(i, carry):
        hist_v[pl.ds(i * 16, 16)] = jnp.zeros((16,), jnp.float32)
        return carry

    lax.fori_loop(0, NP // 16, z, 0)

    ones = jnp.ones((16,), jnp.float32)

    def row(r, carry):
        def col(cc, carry2):
            idx = dst_v[r, pl.ds(cc * 16, 16)]
            plsc.addupdate_scatter(hist_v, [idx], ones)
            return carry2
        return lax.fori_loop(0, CH // 16, col, carry)

    r0 = c * (NCH // 2)
    lax.fori_loop(r0, r0 + NCH // 2, row, 0)

    wid = s * NC + c
    for j in range(NW):
        pltpu.async_copy(hist_v.at[pl.ds(j * WRT, WRT)],
                         hists_out.at[pl.ds((j * NW) * WRT + wid * WRT, WRT)],
                         sem)
    for j in range(NW):
        pltpu.make_async_copy(
            hist_v.at[pl.ds(j * WRT, WRT)],
            hists_out.at[pl.ds((j * NW) * WRT + wid * WRT, WRT)],
            sem).wait()


_hist_call = pl.kernel(
    _hist_body,
    out_type=jax.ShapeDtypeStruct((NW * NP,), jnp.float32),
    mesh=_MESH,
    compiler_params=pltpu.CompilerParams(needs_layout_passes=False),
    scratch_types=[
        pltpu.VMEM((NCH, CH), jnp.int32),
        pltpu.VMEM((NP,), jnp.float32),
        pltpu.SemaphoreType.DMA,
    ],
)


def _red_body(hists_hbm, deg_out, red_v, out_v):
    c = lax.axis_index("c")
    s = lax.axis_index("s")
    wid = s * NC + c

    pltpu.sync_copy(hists_hbm.at[pl.ds(wid * NW * WRT, NW * WRT)], red_v)

    def red(i, carry):
        v = red_v[pl.ds(i * 16, 16)]
        for r in range(1, NW):
            v = v + red_v[pl.ds(r * WRT + i * 16, 16)]
        out_v[pl.ds(i * 16, 16)] = v
        return carry

    lax.fori_loop(0, WRT // 16, red, 0)
    pltpu.sync_copy(out_v, deg_out.at[pl.ds(wid * WRT, WRT)])


_red_call = pl.kernel(
    _red_body,
    out_type=jax.ShapeDtypeStruct((NP,), jnp.float32),
    mesh=_MESH,
    scratch_types=[
        pltpu.VMEM((NW * WRT,), jnp.float32),
        pltpu.VMEM((WRT,), jnp.float32),
    ],
)


def _edge_body(hp_hbm, src_hbm, dst_hbm, zeros_big, acc_out, src_v, dst_v,
               rows_v, acc_sh, gsem, ssem):
    c = lax.axis_index("c")
    s = lax.axis_index("s")
    base = c * HALF

    pltpu.sync_copy(src_hbm.at[s], src_v)
    pltpu.sync_copy(dst_hbm.at[s], dst_v)

    def trow(r, carry):
        def tcol(cc, carry2):
            v = dst_v[r, pl.ds(cc * 16, 16)]
            lv = v - base
            ok = (lv >= 0) & (lv < HALF)
            dst_v[r, pl.ds(cc * 16, 16)] = jnp.where(ok, lv, HALF)
            return carry2
        return lax.fori_loop(0, CH // 16, tcol, carry)

    lax.fori_loop(0, NCH, trow, 0)

    pltpu.sync_copy(zeros_big.at[pl.ds(s * ZRT, ZRT)],
                    acc_sh.at[pl.ds(s * ZRT, ZRT)])
    plsc.subcore_barrier()

    def start_gather(j, b):
        pltpu.async_copy(hp_hbm.at[src_v.at[j]], rows_v.at[b], gsem.at[b])

    for b in range(NBUF):
        start_gather(b, b)

    def group(g, carry):
        for b in range(NBUF):
            j = g * NBUF + b
            pltpu.make_async_copy(hp_hbm.at[src_v.at[j]], rows_v.at[b],
                                  gsem.at[b]).wait()
            pltpu.async_copy(rows_v.at[b], acc_sh.at[dst_v.at[j]],
                             ssem.at[b], add=True)
            pltpu.make_async_copy(rows_v.at[b], acc_sh.at[dst_v.at[j]],
                                  ssem.at[b]).wait()

            @pl.when(j + NBUF < NCH)
            def _():
                start_gather(j + NBUF, b)
        return carry

    lax.fori_loop(0, NGRP, group, 0)

    plsc.subcore_barrier()
    pltpu.sync_copy(acc_sh.at[pl.ds(s * RPT, RPT)],
                    acc_out.at[pl.ds(base + s * RPT, RPT)])


_edge_call = pl.kernel(
    _edge_body,
    out_type=jax.ShapeDtypeStruct((NP, H), jnp.float32),
    mesh=_MESH,
    scratch_types=[
        pltpu.VMEM((NCH, CH), jnp.int32),
        pltpu.VMEM((NCH, CH), jnp.int32),
        pltpu.VMEM((NBUF, CH, H), jnp.float32),
        pltpu.VMEM_SHARED((HALFP, H), jnp.float32),
        pltpu.SemaphoreType.DMA((NBUF,)),
        pltpu.SemaphoreType.DMA((NBUF,)),
    ],
)


BR = 1024

_COL_SPEC = pl.BlockSpec((BR, 1), lambda i: (i, 0))
_ROW_SPEC = pl.BlockSpec((BR, H), lambda i: (i, 0))


def _t1_body(d, x, w1, hp_out, dinv_out):
    deg = 1.0 + d[...]
    dinv = lax.rsqrt(deg)
    h = jnp.dot(x[...], w1[...], preferred_element_type=jnp.float32)
    hp_out[...] = h * dinv
    dinv_out[...] = dinv


def _t1_call(d, xp, W1):
    return pl.pallas_call(
        _t1_body,
        grid=(NP // BR,),
        in_specs=[
            _COL_SPEC,
            pl.BlockSpec((BR, D), lambda i: (i, 0)),
            pl.BlockSpec((D, H), lambda i: (0, 0)),
        ],
        out_specs=[_ROW_SPEC, _COL_SPEC],
        out_shape=[
            jax.ShapeDtypeStruct((NP, H), jnp.float32),
            jax.ShapeDtypeStruct((NP, 1), jnp.float32),
        ],
    )(d, xp, W1)


def _t2_body(acc, hp1, dinv, b1, w2, hp2_out):
    z = jnp.maximum(dinv[...] * (acc[...] + hp1[...]) + b1[...], 0.0)
    hp2_out[...] = jnp.dot(z, w2[...],
                           preferred_element_type=jnp.float32) * dinv[...]


def _t2_call(acc1, hp1, dinv, b1, W2):
    return pl.pallas_call(
        _t2_body,
        grid=(NP // BR,),
        in_specs=[
            _ROW_SPEC,
            _ROW_SPEC,
            _COL_SPEC,
            pl.BlockSpec((1, H), lambda i: (0, 0)),
            pl.BlockSpec((H, H), lambda i: (0, 0)),
        ],
        out_specs=_ROW_SPEC,
        out_shape=jax.ShapeDtypeStruct((NP, H), jnp.float32),
    )(acc1, hp1, dinv, b1, W2)


def _t3_body(acc, hp2, dinv, bt, b2, wp, bp, out, gsum, cnt):
    g = pl.program_id(0)

    @pl.when(g == 0)
    def _():
        gsum[...] = jnp.zeros_like(gsum)
        cnt[...] = jnp.zeros_like(cnt)

    zp = dinv[...] * (acc[...] + hp2[...])
    eq = (bt[...] == lax.broadcasted_iota(jnp.int32, (BR, G), 1)
          ).astype(jnp.float32)
    dn = (((0,), (0,)), ((), ()))
    gsum[...] += lax.dot_general(eq, zp, dn,
                                 preferred_element_type=jnp.float32)
    cnt[...] += lax.dot_general(eq, jnp.ones((BR, H), jnp.float32), dn,
                                preferred_element_type=jnp.float32)

    @pl.when(g == NP // BR - 1)
    def _():
        c = cnt[...]
        pooled = (gsum[...] + c * b2[...]) / jnp.maximum(c, 1.0)
        out[...] = jnp.dot(pooled, wp[...],
                           preferred_element_type=jnp.float32) + bp[0, 0]


def _t3_call(acc2, hp2, dinv, batch_p, b2, Wp, bp):
    return pl.pallas_call(
        _t3_body,
        grid=(NP // BR,),
        in_specs=[
            _ROW_SPEC,
            _ROW_SPEC,
            _COL_SPEC,
            _COL_SPEC,
            pl.BlockSpec((1, H), lambda i: (0, 0)),
            pl.BlockSpec((H, 1), lambda i: (0, 0)),
            pl.BlockSpec(memory_space=pltpu.SMEM),
        ],
        out_specs=pl.BlockSpec((G, 1), lambda i: (0, 0)),
        out_shape=jax.ShapeDtypeStruct((G, 1), jnp.float32),
        scratch_shapes=[
            pltpu.VMEM((G, H), jnp.float32),
            pltpu.VMEM((G, H), jnp.float32),
        ],
    )(acc2, hp2, dinv, batch_p, b2, Wp, bp)


@jax.jit
def kernel(x, edge_index, batch, W1, b1, W2, b2, Wp, bp):
    src = edge_index[0].reshape(NS, NCH, CH)
    dst = edge_index[1].reshape(NS, NCH, CH)
    xp = jnp.pad(x, ((0, NP - N), (0, 0)))
    batch_p = jnp.pad(batch, (0, NP - N), constant_values=G).reshape(NP, 1)
    zeros_big = jnp.zeros((HALFP, H), jnp.float32)

    hists = _hist_call(dst)
    deg = _red_call(hists)
    hp1, dinv = _t1_call(deg.reshape(NP, 1), xp, W1)

    acc1 = _edge_call(hp1, src, dst, zeros_big)
    hp2 = _t2_call(acc1, hp1, dinv, b1.reshape(1, H), W2)
    acc2 = _edge_call(hp2, src, dst, zeros_big)
    return _t3_call(acc2, hp2, dinv, batch_p,
                    b2.reshape(1, H), Wp, bp.reshape(1, 1))

# --- scband reference (transcript-rebuilt; emitter-appended) ---
"""Pipeline reference for scband-gnnwrapper-38062000177423 (READ-ONLY COPY).

The authoritative reference and input builder live on the scoring server;
editing this copy changes nothing except your own understanding.
"""

import jax, jax.numpy as jnp
import numpy as np

N = 10000
E = 320000
D = 128
H = 128
G = 64


def setup_inputs(seed: int = 0) -> dict:
    key = jax.random.key(seed)
    ks = jax.random.split(key, 10)
    x = jax.random.normal(ks[0], (N, D), dtype=jnp.float32)
    edge_index = jax.random.randint(ks[1], (2, E), 0, N, dtype=jnp.int32)
    batch = jnp.sort(jax.random.randint(ks[2], (N,), 0, G, dtype=jnp.int32))
    W1 = jax.random.normal(ks[3], (D, H), dtype=jnp.float32) / np.sqrt(D)
    b1 = jnp.zeros((H,), dtype=jnp.float32)
    W2 = jax.random.normal(ks[4], (H, H), dtype=jnp.float32) / np.sqrt(H)
    b2 = jnp.zeros((H,), dtype=jnp.float32)
    Wp = jax.random.normal(ks[5], (H, 1), dtype=jnp.float32) / np.sqrt(H)
    bp = jnp.zeros((1,), dtype=jnp.float32)
    return {"x": x, "edge_index": edge_index, "batch": batch,
            "W1": W1, "b1": b1, "W2": W2, "b2": b2, "Wp": Wp, "bp": bp}


def _gcn_conv(x, edge_index, W, b):
    # GCNConv: linear transform, add self-loops, symmetric normalization, scatter-add
    n = x.shape[0]
    h = x @ W
    src = edge_index[0]
    dst = edge_index[1]
    loop = jnp.arange(n, dtype=src.dtype)
    src = jnp.concatenate([src, loop])
    dst = jnp.concatenate([dst, loop])
    deg = jnp.zeros((n,), dtype=h.dtype).at[dst].add(1.0)
    dinv = jnp.where(deg > 0, jax.lax.rsqrt(jnp.maximum(deg, 1e-12)), 0.0)
    norm = dinv[src] * dinv[dst]
    msg = h[src] * norm[:, None]
    out = jnp.zeros_like(h).at[dst].add(msg)
    return out + b


def reference(x, edge_index, batch, W1, b1, W2, b2, Wp, bp):
    # GNN: two GCN layers with ReLU between (BasicGNN, act on all but last)
    h = jax.nn.relu(_gcn_conv(x, edge_index, W1, b1))
    h = _gcn_conv(h, edge_index, W2, b2)
    # global mean pooling per graph (MeanAggregation over batch ids)
    counts = jnp.zeros((G,), dtype=h.dtype).at[batch].add(1.0)
    sums = jnp.zeros((G, H), dtype=h.dtype).at[batch].add(h)
    pooled = sums / jnp.maximum(counts, 1.0)[:, None]
    # predictor: single Linear(hidden, 1)
    return pooled @ Wp + bp

if __name__ == "__main__":
    import jax
    _d = setup_inputs()
    print(jax.jit(kernel)(*tuple(_d.values())))

</pallas_src>

<mosaic_0001>
#map = affine_map<(d0, d1) -> (0, 0, 0)>
#map1 = affine_map<(d0, d1) -> (0)>
module attributes {stable_mosaic.version = 14 : i64} {
  func.func @_hist_body(%arg0: i32, %arg1: i32, %arg2: memref<16x250x80xi32, #tpu.memory_space<hbm>>, %arg3: memref<327680xf32, #tpu.memory_space<hbm>>, %arg4: memref<250x80xi32, #tpu.memory_space<vmem>>, %arg5: memref<10240xf32, #tpu.memory_space<vmem>>, %arg6: memref<!tpu.dma_semaphore, #tpu.memory_space<semaphore_mem>>) attributes {dimension_semantics = [#tpu.dimension_semantics<core_parallel>, #tpu.dimension_semantics<subcore_parallel>], iteration_bounds = array<i64: 2, 16>, scalar_prefetch = 0 : i64, scratch_operands = 3 : i64, tpu.core_type = #tpu.core_type<sc_vector_subcore>, window_params = [{transform_indices = #map}, {transform_indices = #map1}]} {
    "tpu.region"() ({
      %run_scoped3A = tpu.sem_alloc : memref<!tpu.dma_semaphore, #tpu.memory_space<semaphore_mem>>
      %dma_start3A_657 = arith.constant 0 : i32
      %dma_start3A_658 = arith.constant 0 : i32
      %dma_start3A_659 = tpu.memref_slice %arg2[%arg1, %dma_start3A_657, %dma_start3A_658] : memref<16x250x80xi32, #tpu.memory_space<hbm>> -> memref<1x250x80xi32, #tpu.memory_space<hbm>>
      %dma_start3A_660 = tpu.memref_squeeze %dma_start3A_659 : memref<1x250x80xi32, #tpu.memory_space<hbm>> -> memref<250x80xi32, #tpu.memory_space<hbm>>
      %dma_start3A_661 = arith.constant 0 : i32
      %dma_start3A_662 = arith.constant 0 : i32
      %dma_start3A_663 = tpu.memref_slice %arg2[%arg1, %dma_start3A_661, %dma_start3A_662] : memref<16x250x80xi32, #tpu.memory_space<hbm>> -> memref<1x250x80xi32, #tpu.memory_space<hbm>>
      %dma_start3A_664 = tpu.memref_squeeze %dma_start3A_663 : memref<1x250x80xi32, #tpu.memory_space<hbm>> -> memref<250x80xi32, #tpu.memory_space<hbm>>
      tpu.enqueue_dma source(%dma_start3A_664 : memref<250x80xi32, #tpu.memory_space<hbm>>) target(%arg4 : memref<250x80xi32, #tpu.memory_space<vmem>>) target_semaphore(%run_scoped3A : memref<!tpu.dma_semaphore, #tpu.memory_space<semaphore_mem>>)
      %dma_wait3A_665 = arith.constant 0 : i32
      %dma_wait3A_666 = arith.constant 0 : i32
      %dma_wait3A_667 = tpu.memref_slice %arg2[%arg1, %dma_wait3A_665, %dma_wait3A_666] : memref<16x250x80xi32, #tpu.memory_space<hbm>> -> memref<1x250x80xi32, #tpu.memory_space<hbm>>
      %dma_wait3A_668 = tpu.memref_squeeze %dma_wait3A_667 : memref<1x250x80xi32, #tpu.memory_space<hbm>> -> memref<250x80xi32, #tpu.memory_space<hbm>>
      %dma_wait3A_669 = arith.constant 0 : i32
      %dma_wait3A_670 = arith.constant 0 : i32
      %dma_wait3A_671 = tpu.memref_slice %arg2[%arg1, %dma_wait3A_669, %dma_wait3A_670] : memref<16x250x80xi32, #tpu.memory_space<hbm>> -> memref<1x250x80xi32, #tpu.memory_space<hbm>>
      %dma_wait3A_672 = tpu.memref_squeeze %dma_wait3A_671 : memref<1x250x80xi32, #tpu.memory_space<hbm>> -> memref<250x80xi32, #tpu.memory_space<hbm>>
      tpu.wait_dma2 semaphore(%run_scoped3A : memref<!tpu.dma_semaphore, #tpu.memory_space<semaphore_mem>>) src(%dma_wait3A_672 : memref<250x80xi32, #tpu.memory_space<hbm>>) dst(%arg4 : memref<250x80xi32, #tpu.memory_space<vmem>>)
      tpu.yield
    }) : () -> ()
    %scan3A = arith.constant 0 : i32
    %scan3A_0 = arith.constant 0 : i32
    %scan3A_1 = arith.constant 640 : i32
    %scan3A_2 = arith.addi %scan3A_0, %scan3A_1 : i32
    %scan3A_3 = arith.constant 1 : i32
    scf.for %scan3A_657 = %scan3A_0 to %scan3A_2 step %scan3A_3  : i32 {
      %broadcast_in_dim3A_658 = arith.constant 0.000000e+00 : f32
      %broadcast_in_dim3A_659 = vector.broadcast %broadcast_in_dim3A_658 : f32 to vector<16xf32>
      %mul3A_660 = arith.constant 16 : i32
      %mul3A_661 = arith.muli %scan3A_657, %mul3A_660 : i32
      %swap3A = arith.index_cast %mul3A_661 : i32 to index
      %swap3A_662 = tpu.vector_load %arg5[%swap3A] {strides = array<i32>} : memref<10240xf32, #tpu.memory_space<vmem>>, vector<16xf32>,
      tpu.vector_store %arg5[%swap3A], %broadcast_in_dim3A_659 {strides = array<i32>} : memref<10240xf32, #tpu.memory_space<vmem>>, vector<16xf32>,
    }
    %scan3A_4 = arith.constant 640 : i32
    %broadcast_in_dim3A = arith.constant 1.000000e+00 : f32
    %broadcast_in_dim3A_5 = vector.broadcast %broadcast_in_dim3A : f32 to vector<16xf32>
    %mul3A = arith.constant 125 : i32
    %mul3A_6 = arith.muli %arg0, %mul3A : i32
    %add3A = arith.constant 125 : i32
    %add3A_7 = arith.addi %mul3A_6, %add3A : i32
    %while3A = arith.constant 0 : i32
    %while3A_8 = arith.subi %add3A_7, %mul3A_6 : i32
    %while3A_9 = arith.addi %mul3A_6, %while3A_8 : i32
    %while3A_10 = arith.constant 1 : i32
    %while3A_11 = arith.divsi %while3A_8, %while3A_10 : i32
    %while3A_12 = arith.muli %while3A_11, %while3A_10 : i32
    %while3A_13 = arith.addi %mul3A_6, %while3A_12 : i32
    %while3A_14 = arith.constant 1 : i32
    scf.for %while3A_657 = %mul3A_6 to %while3A_13 step %while3A_14  : i32 {
      %scan3A_658 = arith.constant 0 : i32
      %scan3A_659 = arith.constant 5 : i32
      %scan3A_660 = arith.addi %scan3A_658, %scan3A_659 : i32
      %scan3A_661 = arith.constant 1 : i32
      scf.for %scan3A_663 = %scan3A_658 to %scan3A_660 step %scan3A_661  : i32 {
        %mul3A_664 = arith.constant 16 : i32
        %mul3A_665 = arith.muli %scan3A_663, %mul3A_664 : i32
        %get3A = arith.index_cast %while3A_657 : i32 to index
        %get3A_666 = arith.index_cast %mul3A_665 : i32 to index
        %get3A_667 = tpu.vector_load %arg4[%get3A, %get3A_666] {strides = array<i32>} : memref<250x80xi32, #tpu.memory_space<vmem>>, vector<16xi32>,
        tpu.vector_store_idx %arg5[%get3A_667], %broadcast_in_dim3A_5 {add = true} : memref<10240xf32, #tpu.memory_space<vmem>>[vector<16xi32>], vector<16xf32>,
      }
      %scan3A_662 = arith.constant 5 : i32
    }
    %while3A_15 = arith.constant 1 : i32
    scf.for %while3A_657 = %while3A_13 to %while3A_9 step %while3A_15  : i32 {
      %scan3A_658 = arith.constant 0 : i32
      %scan3A_659 = arith.constant 5 : i32
      %scan3A_660 = arith.addi %scan3A_658, %scan3A_659 : i32
      %scan3A_661 = arith.constant 1 : i32
      scf.for %scan3A_663 = %scan3A_658 to %scan3A_660 step %scan3A_661  : i32 {
        %mul3A_664 = arith.constant 16 : i32
        %mul3A_665 = arith.muli %scan3A_663, %mul3A_664 : i32
        %get3A = arith.index_cast %while3A_657 : i32 to index
        %get3A_666 = arith.index_cast %mul3A_665 : i32 to index
        %get3A_667 = tpu.vector_load %arg4[%get3A, %get3A_666] {strides = array<i32>} : memref<250x80xi32, #tpu.memory_space<vmem>>, vector<16xi32>,
        tpu.vector_store_idx %arg5[%get3A_667], %broadcast_in_dim3A_5 {add = true} : memref<10240xf32, #tpu.memory_space<vmem>>[vector<16xi32>], vector<16xf32>,
      }
      %scan3A_662 = arith.constant 5 : i32
    }
    %mul3A_16 = arith.constant 2 : i32
    %mul3A_17 = arith.muli %arg1, %mul3A_16 : i32
    %add3A_18 = arith.addi %mul3A_17, %arg0 : i32
    %mul3A_19 = arith.constant 320 : i32
    %mul3A_20 = arith.muli %add3A_18, %mul3A_19 : i32
    %add3A_21 = arith.constant 0 : i32
    %add3A_22 = arith.addi %add3A_21, %mul3A_20 : i32
    %dma_start3A = arith.constant 0 : i32
    %dma_start3A_23 = tpu.memref_slice %arg5[%dma_start3A] : memref<10240xf32, #tpu.memory_space<vmem>> -> memref<320xf32, #tpu.memory_space<vmem>>
    %dma_start3A_24 = tpu.memref_slice %arg3[%add3A_22] : memref<327680xf32, #tpu.memory_space<hbm>> -> memref<320xf32, #tpu.memory_space<hbm>>
    %dma_start3A_25 = tpu.memref_slice %arg3[%add3A_22] : memref<327680xf32, #tpu.memory_space<hbm>> -> memref<320xf32, #tpu.memory_space<hbm>>
    %dma_start3A_26 = arith.constant 0 : i32
    %dma_start3A_27 = tpu.memref_slice %arg5[%dma_start3A_26] : memref<10240xf32, #tpu.memory_space<vmem>> -> memref<320xf32, #tpu.memory_space<vmem>>
    tpu.enqueue_dma source(%dma_start3A_27 : memref<320xf32, #tpu.memory_space<vmem>>) target(%dma_start3A_25 : memref<320xf32, #tpu.memory_space<hbm>>) target_semaphore(%arg6 : memref<!tpu.dma_semaphore, #tpu.memory_space<semaphore_mem>>)
    %mul3A_28 = arith.constant 320 : i32
    %mul3A_29 = arith.muli %add3A_18, %mul3A_28 : i32
    %add3A_30 = arith.constant 10240 : i32
    %add3A_31 = arith.addi %add3A_30, %mul3A_29 : i32
    %dma_start3A_32 = arith.constant 320 : i32
    %dma_start3A_33 = tpu.memref_slice %arg5[%dma_start3A_32] : memref<10240xf32, #tpu.memory_space<vmem>> -> memref<320xf32, #tpu.memory_space<vmem>>
    %dma_start3A_34 = tpu.memref_slice %arg3[%add3A_31] : memref<327680xf32, #tpu.memory_space<hbm>> -> memref<320xf32, #tpu.memory_space<hbm>>
    %dma_start3A_35 = tpu.memref_slice %arg3[%add3A_31] : memref<327680xf32, #tpu.memory_space<hbm>> -> memref<320xf32, #tpu.memory_space<hbm>>
    %dma_start3A_36 = arith.constant 320 : i32
    %dma_start3A_37 = tpu.memref_slice %arg5[%dma_start3A_36] : memref<10240xf32, #tpu.memory_space<vmem>> -> memref<320xf32, #tpu.memory_space<vmem>>
    tpu.enqueue_dma source(%dma_start3A_37 : memref<320xf32, #tpu.memory_space<vmem>>) target(%dma_start3A_35 : memref<320xf32, #tpu.memory_space<hbm>>) target_semaphore(%arg6 : memref<!tpu.dma_semaphore, #tpu.memory_space<semaphore_mem>>)
    %mul3A_38 = arith.constant 320 : i32
    %mul3A_39 = arith.muli %add3A_18, %mul3A_38 : i32
    %add3A_40 = arith.constant 20480 : i32
    %add3A_41 = arith.addi %add3A_40, %mul3A_39 : i32
    %dma_start3A_42 = arith.constant 640 : i32
    %dma_start3A_43 = tpu.memref_slice %arg5[%dma_start3A_42] : memref<10240xf32, #tpu.memory_space<vmem>> -> memref<320xf32, #tpu.memory_space<vmem>>
    %dma_start3A_44 = tpu.memref_slice %arg3[%add3A_41] : memref<327680xf32, #tpu.memory_space<hbm>> -> memref<320xf32, #tpu.memory_space<hbm>>
    %dma_start3A_45 = tpu.memref_slice %arg3[%add3A_41] : memref<327680xf32, #tpu.memory_space<hbm>> -> memref<320xf32, #tpu.memory_space<hbm>>
    %dma_start3A_46 = arith.constant 640 : i32
    %dma_start3A_47 = tpu.memref_slice %arg5[%dma_start3A_46] : memref<10240xf32, #tpu.memory_space<vmem>> -> memref<320xf32, #tpu.memory_space<vmem>>
    tpu.enqueue_dma source(%dma_start3A_47 : memref<320xf32, #tpu.memory_space<vmem>>) target(%dma_start3A_45 : memref<320xf32, #tpu.memory_space<hbm>>) target_semaphore(%arg6 : memref<!tpu.dma_semaphore, #tpu.memory_space<semaphore_mem>>)
    %mul3A_48 = arith.constant 320 : i32
    %mul3A_49 = arith.muli %add3A_18, %mul3A_48 : i32
    %add3A_50 = arith.constant 30720 : i32
    %add3A_51 = arith.addi %add3A_50, %mul3A_49 : i32
    %dma_start3A_52 = arith.constant 960 : i32
    %dma_start3A_53 = tpu.memref_slice %arg5[%dma_start3A_52] : memref<10240xf32, #tpu.memory_space<vmem>> -> memref<320xf32, #tpu.memory_space<vmem>>
    %dma_start3A_54 = tpu.memref_slice %arg3[%add3A_51] : memref<327680xf32, #tpu.memory_space<hbm>> -> memref<320xf32, #tpu.memory_space<hbm>>
    %dma_start3A_55 = tpu.memref_slice %arg3[%add3A_51] : memref<327680xf32, #tpu.memory_space<hbm>> -> memref<320xf32, #tpu.memory_space<hbm>>
    %dma_start3A_56 = arith.constant 960 : i32
    %dma_start3A_57 = tpu.memref_slice %arg5[%dma_start3A_56] : memref<10240xf32, #tpu.memory_space<vmem>> -> memref<320xf32, #tpu.memory_space<vmem>>
    tpu.enqueue_dma source(%dma_start3A_57 : memref<320xf32, #tpu.memory_space<vmem>>) target(%dma_start3A_55 : memref<320xf32, #tpu.memory_space<hbm>>) target_semaphore(%arg6 : memref<!tpu.dma_semaphore, #tpu.memory_space<semaphore_mem>>)
    %mul3A_58 = arith.constant 320 : i32
    %mul3A_59 = arith.muli %add3A_18, %mul3A_58 : i32
    %add3A_60 = arith.constant 40960 : i32
    %add3A_61 = arith.addi %add3A_60, %mul3A_59 : i32
    %dma_start3A_62 = arith.constant 1280 : i32
    %dma_start3A_63 = tpu.memref_slice %arg5[%dma_start3A_62] : memref<10240xf32, #tpu.memory_space<vmem>> -> memref<320xf32, #tpu.memory_space<vmem>>
    %dma_start3A_64 = tpu.memref_slice %arg3[%add3A_61] : memref<327680xf32, #tpu.memory_space<hbm>> -> memref<320xf32, #tpu.memory_space<hbm>>
    %dma_start3A_65 = tpu.memref_slice %arg3[%add3A_61] : memref<327680xf32, #tpu.memory_space<hbm>> -> memref<320xf32, #tpu.memory_space<hbm>>
    %dma_start3A_66 = arith.constant 1280 : i32
    %dma_start3A_67 = tpu.memref_slice %arg5[%dma_start3A_66] : memref<10240xf32, #tpu.memory_space<vmem>> -> memref<320xf32, #tpu.memory_space<vmem>>
    tpu.enqueue_dma source(%dma_start3A_67 : memref<320xf32, #tpu.memory_space<vmem>>) target(%dma_start3A_65 : memref<320xf32, #tpu.memory_space<hbm>>) target_semaphore(%arg6 : memref<!tpu.dma_semaphore, #tpu.memory_space<semaphore_mem>>)
    %mul3A_68 = arith.constant 320 : i32
    %mul3A_69 = arith.muli %add3A_18, %mul3A_68 : i32
    %add3A_70 = arith.constant 51200 : i32
    %add3A_71 = arith.addi %add3A_70, %mul3A_69 : i32
    %dma_start3A_72 = arith.constant 1600 : i32
    %dma_start3A_73 = tpu.memref_slice %arg5[%dma_start3A_72] : memref<10240xf32, #tpu.memory_space<vmem>> -> memref<320xf32, #tpu.memory_space<vmem>>
    %dma_start3A_74 = tpu.memref_slice %arg3[%add3A_71] : memref<327680xf32, #tpu.memory_space<hbm>> -> memref<320xf32, #tpu.memory_space<hbm>>
    %dma_start3A_75 = tpu.memref_slice %arg3[%add3A_71] : memref<327680xf32, #tpu.memory_space<hbm>> -> memref<320xf32, #tpu.memory_space<hbm>>
    %dma_start3A_76 = arith.constant 1600 : i32
    %dma_start3A_77 = tpu.memref_slice %arg5[%dma_start3A_76] : memref<10240xf32, #tpu.memory_space<vmem>> -> memref<320xf32, #tpu.memory_space<vmem>>
    tpu.enqueue_dma source(%dma_start3A_77 : memref<320xf32, #tpu.memory_space<vmem>>) target(%dma_start3A_75 : memref<320xf32, #tpu.memory_space<hbm>>) target_semaphore(%arg6 : memref<!tpu.dma_semaphore, #tpu.memory_space<semaphore_mem>>)
    %mul3A_78 = arith.constant 320 : i32
    %mul3A_79 = arith.muli %add3A_18, %mul3A_78 : i32
    %add3A_80 = arith.constant 61440 : i32
    %add3A_81 = arith.addi %add3A_80, %mul3A_79 : i32
    %dma_start3A_82 = arith.constant 1920 : i32
    %dma_start3A_83 = tpu.memref_slice %arg5[%dma_start3A_82] : memref<10240xf32, #tpu.memory_space<vmem>> -> memref<320xf32, #tpu.memory_space<vmem>>
    %dma_start3A_84 = tpu.memref_slice %arg3[%add3A_81] : memref<327680xf32, #tpu.memory_space<hbm>> -> memref<320xf32, #tpu.memory_space<hbm>>
    %dma_start3A_85 = tpu.memref_slice %arg3[%add3A_81] : memref<327680xf32, #tpu.memory_space<hbm>> -> memref<320xf32, #tpu.memory_space<hbm>>
    %dma_start3A_86 = arith.constant 1920 : i32
    %dma_start3A_87 = tpu.memref_slice %arg5[%dma_start3A_86] : memref<10240xf32, #tpu.memory_space<vmem>> -> memref<320xf32, #tpu.memory_space<vmem>>
    tpu.enqueue_dma source(%dma_start3A_87 : memref<320xf32, #tpu.memory_space<vmem>>) target(%dma_start3A_85 : memref<320xf32, #tpu.memory_space<hbm>>) target_semaphore(%arg6 : memref<!tpu.dma_semaphore, #tpu.memory_space<semaphore_mem>>)
    %mul3A_88 = arith.constant 320 : i32
    %mul3A_89 = arith.muli %add3A_18, %mul3A_88 : i32
    %add3A_90 = arith.constant 71680 : i32
    %add3A_91 = arith.addi %add3A_90, %mul3A_89 : i32
    %dma_start3A_92 = arith.constant 2240 : i32
    %dma_start3A_93 = tpu.memref_slice %arg5[%dma_start3A_92] : memref<10240xf32, #tpu.memory_space<vmem>> -> memref<320xf32, #tpu.memory_space<vmem>>
    %dma_start3A_94 = tpu.memref_slice %arg3[%add3A_91] : memref<327680xf32, #tpu.memory_space<hbm>> -> memref<320xf32, #tpu.memory_space<hbm>>
    %dma_start3A_95 = tpu.memref_slice %arg3[%add3A_91] : memref<327680xf32, #tpu.memory_space<hbm>> -> memref<320xf32, #tpu.memory_space<hbm>>
    %dma_start3A_96 = arith.constant 2240 : i32
    %dma_start3A_97 = tpu.memref_slice %arg5[%dma_start3A_96] : memref<10240xf32, #tpu.memory_space<vmem>> -> memref<320xf32, #tpu.memory_space<vmem>>
    tpu.enqueue_dma source(%dma_start3A_97 : memref<320xf32, #tpu.memory_space<vmem>>) target(%dma_start3A_95 : memref<320xf32, #tpu.memory_space<hbm>>) target_semaphore(%arg6 : memref<!tpu.dma_semaphore, #tpu.memory_space<semaphore_mem>>)
    %mul3A_98 = arith.constant 320 : i32
    %mul3A_99 = arith.muli %add3A_18, %mul3A_98 : i32
    %add3A_100 = arith.constant 81920 : i32
    %add3A_101 = arith.addi %add3A_100, %mul3A_99 : i32
    %dma_start3A_102 = arith.constant 2560 : i32
    %dma_start3A_103 = tpu.memref_slice %arg5[%dma_start3A_102] : memref<10240xf32, #tpu.memory_space<vmem>> -> memref<320xf32, #tpu.memory_space<vmem>>
    %dma_start3A_104 = tpu.memref_slice %arg3[%add3A_101] : memref<327680xf32, #tpu.memory_space<hbm>> -> memref<320xf32, #tpu.memory_space<hbm>>
    %dma_start3A_105 = tpu.memref_slice %arg3[%add3A_101] : memref<327680xf32, #tpu.memory_space<hbm>> -> memref<320xf32, #tpu.memory_space<hbm>>
    %dma_start3A_106 = arith.constant 2560 : i32
    %dma_start3A_107 = tpu.memref_slice %arg5[%dma_start3A_106] : memref<10240xf32, #tpu.memory_space<vmem>> -> memref<320xf32, #tpu.memory_space<vmem>>
    tpu.enqueue_dma source(%dma_start3A_107 : memref<320xf32, #tpu.memory_space<vmem>>) target(%dma_start3A_105 : memref<320xf32, #tpu.memory_space<hbm>>) target_semaphore(%arg6 : memref<!tpu.dma_semaphore, #tpu.memory_space<semaphore_mem>>)
    %mul3A_108 = arith.constant 320 : i32
    %mul3A_109 = arith.muli %add3A_18, %mul3A_108 : i32
    %add3A_110 = arith.constant 92160 : i32
    %add3A_111 = arith.addi %add3A_110, %mul3A_109 : i32
    %dma_start3A_112 = arith.constant 2880 : i32
    %dma_start3A_113 = tpu.memref_slice %arg5[%dma_start3A_112] : memref<10240xf32, #tpu.memory_space<vmem>> -> memref<320xf32, #tpu.memory_space<vmem>>
    %dma_start3A_114 = tpu.memref_slice %arg3[%add3A_111] : memref<327680xf32, #tpu.memory_space<hbm>> -> memref<320xf32, #tpu.memory_space<hbm>>
    %dma_start3A_115 = tpu.memref_slice %arg3[%add3A_111] : memref<327680xf32, #tpu.memory_space<hbm>> -> memref<320xf32, #tpu.memory_space<hbm>>
    %dma_start3A_116 = arith.constant 2880 : i32
    %dma_start3A_117 = tpu.memref_slice %arg5[%dma_start3A_116] : memref<10240xf32, #tpu.memory_space<vmem>> -> memref<320xf32, #tpu.memory_space<vmem>>
    tpu.enqueue_dma source(%dma_start3A_117 : memref<320xf32, #tpu.memory_space<vmem>>) target(%dma_start3A_115 : memref<320xf32, #tpu.memory_space<hbm>>) target_semaphore(%arg6 : memref<!tpu.dma_semaphore, #tpu.memory_space<semaphore_mem>>)
    %mul3A_118 = arith.constant 320 : i32
    %mul3A_119 = arith.muli %add3A_18, %mul3A_118 : i32
    %add3A_120 = arith.constant 102400 : i32
    %add3A_121 = arith.addi %add3A_120, %mul3A_119 : i32
    %dma_start3A_122 = arith.constant 3200 : i32
    %dma_start3A_123 = tpu.memref_slice %arg5[%dma_start3A_122] : memref<10240xf32, #tpu.memory_space<vmem>> -> memref<320xf32, #tpu.memory_space<vmem>>
    %dma_start3A_124 = tpu.memref_slice %arg3[%add3A_121] : memref<327680xf32, #tpu.memory_space<hbm>> -> memref<320xf32, #tpu.memory_space<hbm>>
    %dma_start3A_125 = tpu.memref_slice %arg3[%add3A_121] : memref<327680xf32, #tpu.memory_space<hbm>> -> memref<320xf32, #tpu.memory_space<hbm>>
    %dma_start3A_126 = arith.constant 3200 : i32
    %dma_start3A_127 = tpu.memref_slice %arg5[%dma_start3A_126] : memref<10240xf32, #tpu.memory_space<vmem>> -> memref<320xf32, #tpu.memory_space<vmem>>
    tpu.enqueue_dma source(%dma_start3A_127 : memref<320xf32, #tpu.memory_space<vmem>>) target(%dma_start3A_125 : memref<320xf32, #tpu.memory_space<hbm>>) target_semaphore(%arg6 : memref<!tpu.dma_semaphore, #tpu.memory_space<semaphore_mem>>)
    %mul3A_128 = arith.constant 320 : i32
    %mul3A_129 = arith.muli %add3A_18, %mul3A_128 : i32
    %add3A_130 = arith.constant 112640 : i32
    %add3A_131 = arith.addi %add3A_130, %mul3A_129 : i32
    %dma_start3A_132 = arith.constant 3520 : i32
    %dma_start3A_133 = tpu.memref_slice %arg5[%dma_start3A_132] : memref<10240xf32, #tpu.memory_space<vmem>> -> memref<320xf32, #tpu.memory_space<vmem>>
    %dma_start3A_134 = tpu.memref_slice %arg3[%add3A_131] : memref<327680xf32, #tpu.memory_space<hbm>> -> memref<320xf32, #tpu.memory_space<hbm>>
    %dma_start3A_135 = tpu.memref_slice %arg3[%add3A_131] : memref<327680xf32, #tpu.memory_space<hbm>> -> memref<320xf32, #tpu.memory_space<hbm>>
    %dma_start3A_136 = arith.constant 3520 : i32
    %dma_start3A_137 = tpu.memref_slice %arg5[%dma_start3A_136] : memref<10240xf32, #tpu.memory_space<vmem>> -> memref<320xf32, #tpu.memory_space<vmem>>
    tpu.enqueue_dma source(%dma_start3A_137 : memref<320xf32, #tpu.memory_space<vmem>>) target(%dma_start3A_135 : memref<320xf32, #tpu.memory_space<hbm>>) target_semaphore(%arg6 : memref<!tpu.dma_semaphore, #tpu.memory_space<semaphore_mem>>)
    %mul3A_138 = arith.constant 320 : i32
    %mul3A_139 = arith.muli %add3A_18, %mul3A_138 : i32
    %add3A_140 = arith.constant 122880 : i32
    %add3A_141 = arith.addi %add3A_140, %mul3A_139 : i32
    %dma_start3A_142 = arith.constant 3840 : i32
    %dma_start3A_143 = tpu.memref_slice %arg5[%dma_start3A_142] : memref<10240xf32, #tpu.memory_space<vmem>> -> memref<320xf32, #tpu.memory_space<vmem>>
    %dma_start3A_144 = tpu.memref_slice %arg3[%add3A_141] : memref<327680xf32, #tpu.memory_space<hbm>> -> memref<320xf32, #tpu.memory_space<hbm>>
    %dma_start3A_145 = tpu.memref_slice %arg3[%add3A_141] : memref<327680xf32, #tpu.memory_space<hbm>> -> memref<320xf32, #tpu.memory_space<hbm>>
    %dma_start3A_146 = arith.constant 3840 : i32
    %dma_start3A_147 = tpu.memref_slice %arg5[%dma_start3A_146] : memref<10240xf32, #tpu.memory_space<vmem>> -> memref<320xf32, #tpu.memory_space<vmem>>
    tpu.enqueue_dma source(%dma_start3A_147 : memref<320xf32, #tpu.memory_space<vmem>>) target(%dma_start3A_145 : memref<320xf32, #tpu.memory_space<hbm>>) target_semaphore(%arg6 : memref<!tpu.dma_semaphore, #tpu.memory_space<semaphore_mem>>)
    %mul3A_148 = arith.constant 320 : i32
    %mul3A_149 = arith.muli %add3A_18, %mul3A_148 : i32
    %add3A_150 = arith.constant 133120 : i32
    %add3A_151 = arith.addi %add3A_150, %mul3A_149 : i32
    %dma_start3A_152 = arith.constant 4160 : i32
    %dma_start3A_153 = tpu.memref_slice %arg5[%dma_start3A_152] : memref<10240xf32, #tpu.memory_space<vmem>> -> memref<320xf32, #tpu.memory_space<vmem>>
    %dma_start3A_154 = tpu.memref_slice %arg3[%add3A_151] : memref<327680xf32, #tpu.memory_space<hbm>> -> memref<320xf32, #tpu.memory_space<hbm>>
    %dma_start3A_155 = tpu.memref_slice %arg3[%add3A_151] : memref<327680xf32, #tpu.memory_space<hbm>> -> memref<320xf32, #tpu.memory_space<hbm>>
    %dma_start3A_156 = arith.constant 4160 : i32
    %dma_start3A_157 = tpu.memref_slice %arg5[%dma_start3A_156] : memref<10240xf32, #tpu.memory_space<vmem>> -> memref<320xf32, #tpu.memory_space<vmem>>
    tpu.enqueue_dma source(%dma_start3A_157 : memref<320xf32, #tpu.memory_space<vmem>>) target(%dma_start3A_155 : memref<320xf32, #tpu.memory_space<hbm>>) target_semaphore(%arg6 : memref<!tpu.dma_semaphore, #tpu.memory_space<semaphore_mem>>)
    %mul3A_158 = arith.constant 320 : i32
    %mul3A_159 = arith.muli %add3A_18, %mul3A_158 : i32
    %add3A_160 = arith.constant 143360 : i32
    %add3A_161 = arith.addi %add3A_160, %mul3A_159 : i32
    %dma_start3A_162 = arith.constant 4480 : i32
    %dma_start3A_163 = tpu.memref_slice %arg5[%dma_start3A_162] : memref<10240xf32, #tpu.memory_space<vmem>> -> memref<320xf32, #tpu.memory_space<vmem>>
    %dma_start3A_164 = tpu.memref_slice %arg3[%add3A_161] : memref<327680xf32, #tpu.memory_space<hbm>> -> memref<320xf32, #tpu.memory_space<hbm>>
    %dma_start3A_165 = tpu.memref_slice %arg3[%add3A_161] : memref<327680xf32, #tpu.memory_space<hbm>> -> memref<320xf32, #tpu.memory_space<hbm>>
    %dma_start3A_166 = arith.constant 4480 : i32
    %dma_start3A_167 = tpu.memref_slice %arg5[%dma_start3A_166] : memref<10240xf32, #tpu.memory_space<vmem>> -> memref<320xf32, #tpu.memory_space<vmem>>
    tpu.enqueue_dma source(%dma_start3A_167 : memref<320xf32, #tpu.memory_space<vmem>>) target(%dma_start3A_165 : memref<320xf32, #tpu.memory_space<hbm>>) target_semaphore(%arg6 : memref<!tpu.dma_semaphore, #tpu.memory_space<semaphore_mem>>)
    %mul3A_168 = arith.constant 320 : i32
    %mul3A_169 = arith.muli %add3A_18, %mul3A_168 : i32
    %add3A_170 = arith.constant 153600 : i32
    %add3A_171 = arith.addi %add3A_170, %mul3A_169 : i32
    %dma_start3A_172 = arith.constant 4800 : i32
    %dma_start3A_173 = tpu.memref_slice %arg5[%dma_start3A_172] : memref<10240xf32, #tpu.memory_space<vmem>> -> memref<320xf32, #tpu.memory_space<vmem>>
    %dma_start3A_174 = tpu.memref_slice %arg3[%add3A_171] : memref<327680xf32, #tpu.memory_space<hbm>> -> memref<320xf32, #tpu.memory_space<hbm>>
    %dma_start3A_175 = tpu.memref_slice %arg3[%add3A_171] : memref<327680xf32, #tpu.memory_space<hbm>> -> memref<320xf32, #tpu.memory_space<hbm>>
    %dma_start3A_176 = arith.constant 4800 : i32
    %dma_start3A_177 = tpu.memref_slice %arg5[%dma_start3A_176] : memref<10240xf32, #tpu.memory_space<vmem>> -> memref<320xf32, #tpu.memory_space<vmem>>
    tpu.enqueue_dma source(%dma_start3A_177 : memref<320xf32, #tpu.memory_space<vmem>>) target(%dma_start3A_175 : memref<320xf32, #tpu.memory_space<hbm>>) target_semaphore(%arg6 : memref<!tpu.dma_semaphore, #tpu.memory_space<semaphore_mem>>)
    %mul3A_178 = arith.constant 320 : i32
    %mul3A_179 = arith.muli %add3A_18, %mul3A_178 : i32
    %add3A_180 = arith.constant 163840 : i32
    %add3A_181 = arith.addi %add3A_180, %mul3A_179 : i32
    %dma_start3A_182 = arith.constant 5120 : i32
    %dma_start3A_183 = tpu.memref_slice %arg5[%dma_start3A_182] : memref<10240xf32, #tpu.memory_space<vmem>> -> memref<320xf32, #tpu.memory_space<vmem>>
    %dma_start3A_184 = tpu.memref_slice %arg3[%add3A_181] : memref<327680xf32, #tpu.memory_space<hbm>> -> memref<320xf32, #tpu.memory_space<hbm>>
    %dma_start3A_185 = tpu.memref_slice %arg3[%add3A_181] : memref<327680xf32, #tpu.memory_space<hbm>> -> memref<320xf32, #tpu.memory_space<hbm>>
    %dma_start3A_186 = arith.constant 5120 : i32
    %dma_start3A_187 = tpu.memref_slice %arg5[%dma_start3A_186] : memref<10240xf32, #tpu.memory_space<vmem>> -> memref<320xf32, #tpu.memory_space<vmem>>
    tpu.enqueue_dma source(%dma_start3A_187 : memref<320xf32, #tpu.memory_space<vmem>>) target(%dma_start3A_185 : memref<320xf32, #tpu.memory_space<hbm>>) target_semaphore(%arg6 : memref<!tpu.dma_semaphore, #tpu.memory_space<semaphore_mem>>)
    %mul3A_188 = arith.constant 320 : i32
    %mul3A_189 = arith.muli %add3A_18, %mul3A_188 : i32
    %add3A_190 = arith.constant 174080 : i32
    %add3A_191 = arith.addi %add3A_190, %mul3A_189 : i32
    %dma_start3A_192 = arith.constant 5440 : i32
    %dma_start3A_193 = tpu.memref_slice %arg5[%dma_start3A_192] : memref<10240xf32, #tpu.memory_space<vmem>> -> memref<320xf32, #tpu.memory_space<vmem>>
    %dma_start3A_194 = tpu.memref_slice %arg3[%add3A_191] : memref<327680xf32, #tpu.memory_space<hbm>> -> memref<320xf32, #tpu.memory_space<hbm>>
    %dma_start3A_195 = tpu.memref_slice %arg3[%add3A_191] : memref<327680xf32, #tpu.memory_space<hbm>> -> memref<320xf32, #tpu.memory_space<hbm>>
    %dma_start3A_196 = arith.constant 5440 : i32
    %dma_start3A_197 = tpu.memref_slice %arg5[%dma_start3A_196] : memref<10240xf32, #tpu.memory_space<vmem>> -> memref<320xf32, #tpu.memory_space<vmem>>
    tpu.enqueue_dma source(%dma_start3A_197 : memref<320xf32, #tpu.memory_space<vmem>>) target(%dma_start3A_195 : memref<320xf32, #tpu.memory_space<hbm>>) target_semaphore(%arg6 : memref<!tpu.dma_semaphore, #tpu.memory_space<semaphore_mem>>)
    %mul3A_198 = arith.constant 320 : i32
    %mul3A_199 = arith.muli %add3A_18, %mul3A_198 : i32
    %add3A_200 = arith.constant 184320 : i32
    %add3A_201 = arith.addi %add3A_200, %mul3A_199 : i32
    %dma_start3A_202 = arith.constant 5760 : i32
    %dma_start3A_203 = tpu.memref_slice %arg5[%dma_start3A_202] : memref<10240xf32, #tpu.memory_space<vmem>> -> memref<320xf32, #tpu.memory_space<vmem>>
    %dma_start3A_204 = tpu.memref_slice %arg3[%add3A_201] : memref<327680xf32, #tpu.memory_space<hbm>> -> memref<320xf32, #tpu.memory_space<hbm>>
    %dma_start3A_205 = tpu.memref_slice %arg3[%add3A_201] : memref<327680xf32, #tpu.memory_space<hbm>> -> memref<320xf32, #tpu.memory_space<hbm>>
    %dma_start3A_206 = arith.constant 5760 : i32
    %dma_start3A_207 = tpu.memref_slice %arg5[%dma_start3A_206] : memref<10240xf32, #tpu.memory_space<vmem>> -> memref<320xf32, #tpu.memory_space<vmem>>
    tpu.enqueue_dma source(%dma_start3A_207 : memref<320xf32, #tpu.memory_space<vmem>>) target(%dma_start3A_205 : memref<320xf32, #tpu.memory_space<hbm>>) target_semaphore(%arg6 : memref<!tpu.dma_semaphore, #tpu.memory_space<semaphore_mem>>)
    %mul3A_208 = arith.constant 320 : i32
    %mul3A_209 = arith.muli %add3A_18, %mul3A_208 : i32
    %add3A_210 = arith.constant 194560 : i32
    %add3A_211 = arith.addi %add3A_210, %mul3A_209 : i32
    %dma_start3A_212 = arith.constant 6080 : i32
    %dma_start3A_213 = tpu.memref_slice %arg5[%dma_start3A_212] : memref<10240xf32, #tpu.memory_space<vmem>> -> memref<320xf32, #tpu.memory_space<vmem>>
    %dma_start3A_214 = tpu.memref_slice %arg3[%add3A_211] : memref<327680xf32, #tpu.memory_space<hbm>> -> memref<320xf32, #tpu.memory_space<hbm>>
    %dma_start3A_215 = tpu.memref_slice %arg3[%add3A_211] : memref<327680xf32, #tpu.memory_space<hbm>> -> memref<320xf32, #tpu.memory_space<hbm>>
    %dma_start3A_216 = arith.constant 6080 : i32
    %dma_start3A_217 = tpu.memref_slice %arg5[%dma_start3A_216] : memref<10240xf32, #tpu.memory_space<vmem>> -> memref<320xf32, #tpu.memory_space<vmem>>
    tpu.enqueue_dma source(%dma_start3A_217 : memref<320xf32, #tpu.memory_space<vmem>>) target(%dma_start3A_215 : memref<320xf32, #tpu.memory_space<hbm>>) target_semaphore(%arg6 : memref<!tpu.dma_semaphore, #tpu.memory_space<semaphore_mem>>)
    %mul3A_218 = arith.constant 320 : i32
    %mul3A_219 = arith.muli %add3A_18, %mul3A_218 : i32
    %add3A_220 = arith.constant 204800 : i32
    %add3A_221 = arith.addi %add3A_220, %mul3A_219 : i32
    %dma_start3A_222 = arith.constant 6400 : i32
    %dma_start3A_223 = tpu.memref_slice %arg5[%dma_start3A_222] : memref<10240xf32, #tpu.memory_space<vmem>> -> memref<320xf32, #tpu.memory_space<vmem>>
    %dma_start3A_224 = tpu.memref_slice %arg3[%add3A_221] : memref<327680xf32, #tpu.memory_space<hbm>> -> memref<320xf32, #tpu.memory_space<hbm>>
    %dma_start3A_225 = tpu.memref_slice %arg3[%add3A_221] : memref<327680xf32, #tpu.memory_space<hbm>> -> memref<320xf32, #tpu.memory_space<hbm>>
    %dma_start3A_226 = arith.constant 6400 : i32
    %dma_start3A_227 = tpu.memref_slice %arg5[%dma_start3A_226] : memref<10240xf32, #tpu.memory_space<vmem>> -> memref<320xf32, #tpu.memory_space<vmem>>
    tpu.enqueue_dma source(%dma_start3A_227 : memref<320xf32, #tpu.memory_space<vmem>>) target(%dma_start3A_225 : memref<320xf32, #tpu.memory_space<hbm>>) target_semaphore(%arg6 : memref<!tpu.dma_semaphore, #tpu.memory_space<semaphore_mem>>)
    %mul3A_228 = arith.constant 320 : i32
    %mul3A_229 = arith.muli %add3A_18, %mul3A_228 : i32
    %add3A_230 = arith.constant 215040 : i32
    %add3A_231 = arith.addi %add3A_230, %mul3A_229 : i32
    %dma_start3A_232 = arith.constant 6720 : i32
    %dma_start3A_233 = tpu.memref_slice %arg5[%dma_start3A_232] : memref<10240xf32, #tpu.memory_space<vmem>> -> memref<320xf32, #tpu.memory_space<vmem>>
    %dma_start3A_234 = tpu.memref_slice %arg3[%add3A_231] : memref<327680xf32, #tpu.memory_space<hbm>> -> memref<320xf32, #tpu.memory_space<hbm>>
    %dma_start3A_235 = tpu.memref_slice %arg3[%add3A_231] : memref<327680xf32, #tpu.memory_space<hbm>> -> memref<320xf32, #tpu.memory_space<hbm>>
    %dma_start3A_236 = arith.constant 6720 : i32
    %dma_start3A_237 = tpu.memref_slice %arg5[%dma_start3A_236] : memref<10240xf32, #tpu.memory_space<vmem>> -> memref<320xf32, #tpu.memory_space<vmem>>
    tpu.enqueue_dma source(%dma_start3A_237 : memref<320xf32, #tpu.memory_space<vmem>>) target(%dma_start3A_235 : memref<320xf32, #tpu.memory_space<hbm>>) target_semaphore(%arg6 : memref<!tpu.dma_semaphore, #tpu.memory_space<semaphore_mem>>)
    %mul3A_238 = arith.constant 320 : i32
    %mul3A_239 = arith.muli %add3A_18, %mul3A_238 : i32
    %add3A_240 = arith.constant 225280 : i32
    %add3A_241 = arith.addi %add3A_240, %mul3A_239 : i32
    %dma_start3A_242 = arith.constant 7040 : i32
    %dma_start3A_243 = tpu.memref_slice %arg5[%dma_start3A_242] : memref<10240xf32, #tpu.memory_space<vmem>> -> memref<320xf32, #tpu.memory_space<vmem>>
    %dma_start3A_244 = tpu.memref_slice %arg3[%add3A_241] : memref<327680xf32, #tpu.memory_space<hbm>> -> memref<320xf32, #tpu.memory_space<hbm>>
    %dma_start3A_245 = tpu.memref_slice %arg3[%add3A_241] : memref<327680xf32, #tpu.memory_space<hbm>> -> memref<320xf32, #tpu.memory_space<hbm>>
    %dma_start3A_246 = arith.constant 7040 : i32
    %dma_start3A_247 = tpu.memref_slice %arg5[%dma_start3A_246] : memref<10240xf32, #tpu.memory_space<vmem>> -> memref<320xf32, #tpu.memory_space<vmem>>
    tpu.enqueue_dma source(%dma_start3A_247 : memref<320xf32, #tpu.memory_space<vmem>>) target(%dma_start3A_245 : memref<320xf32, #tpu.memory_space<hbm>>) target_semaphore(%arg6 : memref<!tpu.dma_semaphore, #tpu.memory_space<semaphore_mem>>)
    %mul3A_248 = arith.constant 320 : i32
    %mul3A_249 = arith.muli %add3A_18, %mul3A_248 : i32
    %add3A_250 = arith.constant 235520 : i32
    %add3A_251 = arith.addi %add3A_250, %mul3A_249 : i32
    %dma_start3A_252 = arith.constant 7360 : i32
    %dma_start3A_253 = tpu.memref_slice %arg5[%dma_start3A_252] : memref<10240xf32, #tpu.memory_space<vmem>> -> memref<320xf32, #tpu.memory_space<vmem>>
    %dma_start3A_254 = tpu.memref_slice %arg3[%add3A_251] : memref<327680xf32, #tpu.memory_space<hbm>> -> memref<320xf32, #tpu.memory_space<hbm>>
    %dma_start3A_255 = tpu.memref_slice %arg3[%add3A_251] : memref<327680xf32, #tpu.memory_space<hbm>> -> memref<320xf32, #tpu.memory_space<hbm>>
    %dma_start3A_256 = arith.constant 7360 : i32
    %dma_start3A_257 = tpu.memref_slice %arg5[%dma_start3A_256] : memref<10240xf32, #tpu.memory_space<vmem>> -> memref<320xf32, #tpu.memory_space<vmem>>
    tpu.enqueue_dma source(%dma_start3A_257 : memref<320xf32, #tpu.memory_space<vmem>>) target(%dma_start3A_255 : memref<320xf32, #tpu.memory_space<hbm>>) target_semaphore(%arg6 : memref<!tpu.dma_semaphore, #tpu.memory_space<semaphore_mem>>)
    %mul3A_258 = arith.constant 320 : i32
    %mul3A_259 = arith.muli %add3A_18, %mul3A_258 : i32
    %add3A_260 = arith.constant 245760 : i32
    %add3A_261 = arith.addi %add3A_260, %mul3A_259 : i32
    %dma_start3A_262 = arith.constant 7680 : i32
    %dma_start3A_263 = tpu.memref_slice %arg5[%dma_start3A_262] : memref<10240xf32, #tpu.memory_space<vmem>> -> memref<320xf32, #tpu.memory_space<vmem>>
    %dma_start3A_264 = tpu.memref_slice %arg3[%add3A_261] : memref<327680xf32, #tpu.memory_space<hbm>> -> memref<320xf32, #tpu.memory_space<hbm>>
    %dma_start3A_265 = tpu.memref_slice %arg3[%add3A_261] : memref<327680xf32, #tpu.memory_space<hbm>> -> memref<320xf32, #tpu.memory_space<hbm>>
    %dma_start3A_266 = arith.constant 7680 : i32
    %dma_start3A_267 = tpu.memref_slice %arg5[%dma_start3A_266] : memref<10240xf32, #tpu.memory_space<vmem>> -> memref<320xf32, #tpu.memory_space<vmem>>
    tpu.enqueue_dma source(%dma_start3A_267 : memref<320xf32, #tpu.memory_space<vmem>>) target(%dma_start3A_265 : memref<320xf32, #tpu.memory_space<hbm>>) target_semaphore(%arg6 : memref<!tpu.dma_semaphore, #tpu.memory_space<semaphore_mem>>)
    %mul3A_268 = arith.constant 320 : i32
    %mul3A_269 = arith.muli %add3A_18, %mul3A_268 : i32
    %add3A_270 = arith.constant 256000 : i32
    %add3A_271 = arith.addi %add3A_270, %mul3A_269 : i32
    %dma_start3A_272 = arith.constant 8000 : i32
    %dma_start3A_273 = tpu.memref_slice %arg5[%dma_start3A_272] : memref<10240xf32, #tpu.memory_space<vmem>> -> memref<320xf32, #tpu.memory_space<vmem>>
    %dma_start3A_274 = tpu.memref_slice %arg3[%add3A_271] : memref<327680xf32, #tpu.memory_space<hbm>> -> memref<320xf32, #tpu.memory_space<hbm>>
    %dma_start3A_275 = tpu.memref_slice %arg3[%add3A_271] : memref<327680xf32, #tpu.memory_space<hbm>> -> memref<320xf32, #tpu.memory_space<hbm>>
    %dma_start3A_276 = arith.constant 8000 : i32
    %dma_start3A_277 = tpu.memref_slice %arg5[%dma_start3A_276] : memref<10240xf32, #tpu.memory_space<vmem>> -> memref<320xf32, #tpu.memory_space<vmem>>
    tpu.enqueue_dma source(%dma_start3A_277 : memref<320xf32, #tpu.memory_space<vmem>>) target(%dma_start3A_275 : memref<320xf32, #tpu.memory_space<hbm>>) target_semaphore(%arg6 : memref<!tpu.dma_semaphore, #tpu.memory_space<semaphore_mem>>)
    %mul3A_278 = arith.constant 320 : i32
    %mul3A_279 = arith.muli %add3A_18, %mul3A_278 : i32
    %add3A_280 = arith.constant 266240 : i32
    %add3A_281 = arith.addi %add3A_280, %mul3A_279 : i32
    %dma_start3A_282 = arith.constant 8320 : i32
    %dma_start3A_283 = tpu.memref_slice %arg5[%dma_start3A_282] : memref<10240xf32, #tpu.memory_space<vmem>> -> memref<320xf32, #tpu.memory_space<vmem>>
    %dma_start3A_284 = tpu.memref_slice %arg3[%add3A_281] : memref<327680xf32, #tpu.memory_space<hbm>> -> memref<320xf32, #tpu.memory_space<hbm>>
    %dma_start3A_285 = tpu.memref_slice %arg3[%add3A_281] : memref<327680xf32, #tpu.memory_space<hbm>> -> memref<320xf32, #tpu.memory_space<hbm>>
    %dma_start3A_286 = arith.constant 8320 : i32
    %dma_start3A_287 = tpu.memref_slice %arg5[%dma_start3A_286] : memref<10240xf32, #tpu.memory_space<vmem>> -> memref<320xf32, #tpu.memory_space<vmem>>
    tpu.enqueue_dma source(%dma_start3A_287 : memref<320xf32, #tpu.memory_space<vmem>>) target(%dma_start3A_285 : memref<320xf32, #tpu.memory_space<hbm>>) target_semaphore(%arg6 : memref<!tpu.dma_semaphore, #tpu.memory_space<semaphore_mem>>)
    %mul3A_288 = arith.constant 320 : i32
    %mul3A_289 = arith.muli %add3A_18, %mul3A_288 : i32
    %add3A_290 = arith.constant 276480 : i32
    %add3A_291 = arith.addi %add3A_290, %mul3A_289 : i32
    %dma_start3A_292 = arith.constant 8640 : i32
    %dma_start3A_293 = tpu.memref_slice %arg5[%dma_start3A_292] : memref<10240xf32, #tpu.memory_space<vmem>> -> memref<320xf32, #tpu.memory_space<vmem>>
    %dma_start3A_294 = tpu.memref_slice %arg3[%add3A_291] : memref<327680xf32, #tpu.memory_space<hbm>> -> memref<320xf32, #tpu.memory_space<hbm>>
    %dma_start3A_295 = tpu.memref_slice %arg3[%add3A_291] : memref<327680xf32, #tpu.memory_space<hbm>> -> memref<320xf32, #tpu.memory_space<hbm>>
    %dma_start3A_296 = arith.constant 8640 : i32
    %dma_start3A_297 = tpu.memref_slice %arg5[%dma_start3A_296] : memref<10240xf32, #tpu.memory_space<vmem>> -> memref<320xf32, #tpu.memory_space<vmem>>
    tpu.enqueue_dma source(%dma_start3A_297 : memref<320xf32, #tpu.memory_space<vmem>>) target(%dma_start3A_295 : memref<320xf32, #tpu.memory_space<hbm>>) target_semaphore(%arg6 : memref<!tpu.dma_semaphore, #tpu.memory_space<semaphore_mem>>)
    %mul3A_298 = arith.constant 320 : i32
    %mul3A_299 = arith.muli %add3A_18, %mul3A_298 : i32
    %add3A_300 = arith.constant 286720 : i32
    %add3A_301 = arith.addi %add3A_300, %mul3A_299 : i32
    %dma_start3A_302 = arith.constant 8960 : i32
    %dma_start3A_303 = tpu.memref_slice %arg5[%dma_start3A_302] : memref<10240xf32, #tpu.memory_space<vmem>> -> memref<320xf32, #tpu.memory_space<vmem>>
    %dma_start3A_304 = tpu.memref_slice %arg3[%add3A_301] : memref<327680xf32, #tpu.memory_space<hbm>> -> memref<320xf32, #tpu.memory_space<hbm>>
    %dma_start3A_305 = tpu.memref_slice %arg3[%add3A_301] : memref<327680xf32, #tpu.memory_space<hbm>> -> memref<320xf32, #tpu.memory_space<hbm>>
    %dma_start3A_306 = arith.constant 8960 : i32
    %dma_start3A_307 = tpu.memref_slice %arg5[%dma_start3A_306] : memref<10240xf32, #tpu.memory_space<vmem>> -> memref<320xf32, #tpu.memory_space<vmem>>
    tpu.enqueue_dma source(%dma_start3A_307 : memref<320xf32, #tpu.memory_space<vmem>>) target(%dma_start3A_305 : memref<320xf32, #tpu.memory_space<hbm>>) target_semaphore(%arg6 : memref<!tpu.dma_semaphore, #tpu.memory_space<semaphore_mem>>)
    %mul3A_308 = arith.constant 320 : i32
    %mul3A_309 = arith.muli %add3A_18, %mul3A_308 : i32
    %add3A_310 = arith.constant 296960 : i32
    %add3A_311 = arith.addi %add3A_310, %mul3A_309 : i32
    %dma_start3A_312 = arith.constant 9280 : i32
    %dma_start3A_313 = tpu.memref_slice %arg5[%dma_start3A_312] : memref<10240xf32, #tpu.memory_space<vmem>> -> memref<320xf32, #tpu.memory_space<vmem>>
    %dma_start3A_314 = tpu.memref_slice %arg3[%add3A_311] : memref<327680xf32, #tpu.memory_space<hbm>> -> memref<320xf32, #tpu.memory_space<hbm>>
    %dma_start3A_315 = tpu.memref_slice %arg3[%add3A_311] : memref<327680xf32, #tpu.memory_space<hbm>> -> memref<320xf32, #tpu.memory_space<hbm>>
    %dma_start3A_316 = arith.constant 9280 : i32
    %dma_start3A_317 = tpu.memref_slice %arg5[%dma_start3A_316] : memref<10240xf32, #tpu.memory_space<vmem>> -> memref<320xf32, #tpu.memory_space<vmem>>
    tpu.enqueue_dma source(%dma_start3A_317 : memref<320xf32, #tpu.memory_space<vmem>>) target(%dma_start3A_315 : memref<320xf32, #tpu.memory_space<hbm>>) target_semaphore(%arg6 : memref<!tpu.dma_semaphore, #tpu.memory_space<semaphore_mem>>)
    %mul3A_318 = arith.constant 320 : i32
    %mul3A_319 = arith.muli %add3A_18, %mul3A_318 : i32
    %add3A_320 = arith.constant 307200 : i32
    %add3A_321 = arith.addi %add3A_320, %mul3A_319 : i32
    %dma_start3A_322 = arith.constant 9600 : i32
    %dma_start3A_323 = tpu.memref_slice %arg5[%dma_start3A_322] : memref<10240xf32, #tpu.memory_space<vmem>> -> memref<320xf32, #tpu.memory_space<vmem>>
    %dma_start3A_324 = tpu.memref_slice %arg3[%add3A_321] : memref<327680xf32, #tpu.memory_space<hbm>> -> memref<320xf32, #tpu.memory_space<hbm>>
    %dma_start3A_325 = tpu.memref_slice %arg3[%add3A_321] : memref<327680xf32, #tpu.memory_space<hbm>> -> memref<320xf32, #tpu.memory_space<hbm>>
    %dma_start3A_326 = arith.constant 9600 : i32
    %dma_start3A_327 = tpu.memref_slice %arg5[%dma_start3A_326] : memref<10240xf32, #tpu.memory_space<vmem>> -> memref<320xf32, #tpu.memory_space<vmem>>
    tpu.enqueue_dma source(%dma_start3A_327 : memref<320xf32, #tpu.memory_space<vmem>>) target(%dma_start3A_325 : memref<320xf32, #tpu.memory_space<hbm>>) target_semaphore(%arg6 : memref<!tpu.dma_semaphore, #tpu.memory_space<semaphore_mem>>)
    %mul3A_328 = arith.constant 320 : i32
    %mul3A_329 = arith.muli %add3A_18, %mul3A_328 : i32
    %add3A_330 = arith.constant 317440 : i32
    %add3A_331 = arith.addi %add3A_330, %mul3A_329 : i32
    %dma_start3A_332 = arith.constant 9920 : i32
    %dma_start3A_333 = tpu.memref_slice %arg5[%dma_start3A_332] : memref<10240xf32, #tpu.memory_space<vmem>> -> memref<320xf32, #tpu.memory_space<vmem>>
    %dma_start3A_334 = tpu.memref_slice %arg3[%add3A_331] : memref<327680xf32, #tpu.memory_space<hbm>> -> memref<320xf32, #tpu.memory_space<hbm>>
    %dma_start3A_335 = tpu.memref_slice %arg3[%add3A_331] : memref<327680xf32, #tpu.memory_space<hbm>> -> memref<320xf32, #tpu.memory_space<hbm>>
    %dma_start3A_336 = arith.constant 9920 : i32
    %dma_start3A_337 = tpu.memref_slice %arg5[%dma_start3A_336] : memref<10240xf32, #tpu.memory_space<vmem>> -> memref<320xf32, #tpu.memory_space<vmem>>
    tpu.enqueue_dma source(%dma_start3A_337 : memref<320xf32, #tpu.memory_space<vmem>>) target(%dma_start3A_335 : memref<320xf32, #tpu.memory_space<hbm>>) target_semaphore(%arg6 : memref<!tpu.dma_semaphore, #tpu.memory_space<semaphore_mem>>)
    %mul3A_338 = arith.constant 320 : i32
    %mul3A_339 = arith.muli %add3A_18, %mul3A_338 : i32
    %add3A_340 = arith.constant 0 : i32
    %add3A_341 = arith.addi %add3A_340, %mul3A_339 : i32
    %dma_wait3A = arith.constant 0 : i32
    %dma_wait3A_342 = tpu.memref_slice %arg5[%dma_wait3A] : memref<10240xf32, #tpu.memory_space<vmem>> -> memref<320xf32, #tpu.memory_space<vmem>>
    %dma_wait3A_343 = tpu.memref_slice %arg3[%add3A_341] : memref<327680xf32, #tpu.memory_space<hbm>> -> memref<320xf32, #tpu.memory_space<hbm>>
    %dma_wait3A_344 = tpu.memref_slice %arg3[%add3A_341] : memref<327680xf32, #tpu.memory_space<hbm>> -> memref<320xf32, #tpu.memory_space<hbm>>
    %dma_wait3A_345 = arith.constant 0 : i32
    %dma_wait3A_346 = tpu.memref_slice %arg5[%dma_wait3A_345] : memref<10240xf32, #tpu.memory_space<vmem>> -> memref<320xf32, #tpu.memory_space<vmem>>
    tpu.wait_dma2 semaphore(%arg6 : memref<!tpu.dma_semaphore, #tpu.memory_space<semaphore_mem>>) src(%dma_wait3A_346 : memref<320xf32, #tpu.memory_space<vmem>>) dst(%dma_wait3A_344 : memref<320xf32, #tpu.memory_space<hbm>>)
    %mul3A_347 = arith.constant 320 : i32
    %mul3A_348 = arith.muli %add3A_18, %mul3A_347 : i32
    %add3A_349 = arith.constant 10240 : i32
    %add3A_350 = arith.addi %add3A_349, %mul3A_348 : i32
    %dma_wait3A_351 = arith.constant 320 : i32
    %dma_wait3A_352 = tpu.memref_slice %arg5[%dma_wait3A_351] : memref<10240xf32, #tpu.memory_space<vmem>> -> memref<320xf32, #tpu.memory_space<vmem>>
    %dma_wait3A_353 = tpu.memref_slice %arg3[%add3A_350] : memref<327680xf32, #tpu.memory_space<hbm>> -> memref<320xf32, #tpu.memory_space<hbm>>
    %dma_wait3A_354 = tpu.memref_slice %arg3[%add3A_350] : memref<327680xf32, #tpu.memory_space<hbm>> -> memref<320xf32, #tpu.memory_space<hbm>>
    %dma_wait3A_355 = arith.constant 320 : i32
    %dma_wait3A_356 = tpu.memref_slice %arg5[%dma_wait3A_355] : memref<10240xf32, #tpu.memory_space<vmem>> -> memref<320xf32, #tpu.memory_space<vmem>>
    tpu.wait_dma2 semaphore(%arg6 : memref<!tpu.dma_semaphore, #tpu.memory_space<semaphore_mem>>) src(%dma_wait3A_356 : memref<320xf32, #tpu.memory_space<vmem>>) dst(%dma_wait3A_354 : memref<320xf32, #tpu.memory_space<hbm>>)
    %mul3A_357 = arith.constant 320 : i32
    %mul3A_358 = arith.muli %add3A_18, %mul3A_357 : i32
    %add3A_359 = arith.constant 20480 : i32
    %add3A_360 = arith.addi %add3A_359, %mul3A_358 : i32
    %dma_wait3A_361 = arith.constant 640 : i32
    %dma_wait3A_362 = tpu.memref_slice %arg5[%dma_wait3A_361] : memref<10240xf32, #tpu.memory_space<vmem>> -> memref<320xf32, #tpu.memory_space<vmem>>
    %dma_wait3A_363 = tpu.memref_slice %arg3[%add3A_360] : memref<327680xf32, #tpu.memory_space<hbm>> -> memref<320xf32, #tpu.memory_space<hbm>>
    %dma_wait3A_364 = tpu.memref_slice %arg3[%add3A_360] : memref<327680xf32, #tpu.memory_space<hbm>> -> memref<320xf32, #tpu.memory_space<hbm>>
    %dma_wait3A_365 = arith.constant 640 : i32
    %dma_wait3A_366 = tpu.memref_slice %arg5[%dma_wait3A_365] : memref<10240xf32, #tpu.memory_space<vmem>> -> memref<320xf32, #tpu.memory_space<vmem>>
    tpu.wait_dma2 semaphore(%arg6 : memref<!tpu.dma_semaphore, #tpu.memory_space<semaphore_mem>>) src(%dma_wait3A_366 : memref<320xf32, #tpu.memory_space<vmem>>) dst(%dma_wait3A_364 : memref<320xf32, #tpu.memory_space<hbm>>)
    %mul3A_367 = arith.constant 320 : i32
    %mul3A_368 = arith.muli %add3A_18, %mul3A_367 : i32
    %add3A_369 = arith.constant 30720 : i32
    %add3A_370 = arith.addi %add3A_369, %mul3A_368 : i32
    %dma_wait3A_371 = arith.constant 960 : i32
    %dma_wait3A_372 = tpu.memref_slice %arg5[%dma_wait3A_371] : memref<10240xf32, #tpu.memory_space<vmem>> -> memref<320xf32, #tpu.memory_space<vmem>>
    %dma_wait3A_373 = tpu.memref_slice %arg3[%add3A_370] : memref<327680xf32, #tpu.memory_space<hbm>> -> memref<320xf32, #tpu.memory_space<hbm>>
    %dma_wait3A_374 = tpu.memref_slice %arg3[%add3A_370] : memref<327680xf32, #tpu.memory_space<hbm>> -> memref<320xf32, #tpu.memory_space<hbm>>
    %dma_wait3A_375 = arith.constant 960 : i32
    %dma_wait3A_376 = tpu.memref_slice %arg5[%dma_wait3A_375] : memref<10240xf32, #tpu.memory_space<vmem>> -> memref<320xf32, #tpu.memory_space<vmem>>
    tpu.wait_dma2 semaphore(%arg6 : memref<!tpu.dma_semaphore, #tpu.memory_space<semaphore_mem>>) src(%dma_wait3A_376 : memref<320xf32, #tpu.memory_space<vmem>>) dst(%dma_wait3A_374 : memref<320xf32, #tpu.memory_space<hbm>>)
    %mul3A_377 = arith.constant 320 : i32
    %mul3A_378 = arith.muli %add3A_18, %mul3A_377 : i32
    %add3A_379 = arith.constant 40960 : i32
    %add3A_380 = arith.addi %add3A_379, %mul3A_378 : i32
    %dma_wait3A_381 = arith.constant 1280 : i32
    %dma_wait3A_382 = tpu.memref_slice %arg5[%dma_wait3A_381] : memref<10240xf32, #tpu.memory_space<vmem>> -> memref<320xf32, #tpu.memory_space<vmem>>
    %dma_wait3A_383 = tpu.memref_slice %arg3[%add3A_380] : memref<327680xf32, #tpu.memory_space<hbm>> -> memref<320xf32, #tpu.memory_space<hbm>>
    %dma_wait3A_384 = tpu.memref_slice %arg3[%add3A_380] : memref<327680xf32, #tpu.memory_space<hbm>> -> memref<320xf32, #tpu.memory_space<hbm>>
    %dma_wait3A_385 = arith.constant 1280 : i32
    %dma_wait3A_386 = tpu.memref_slice %arg5[%dma_wait3A_385] : memref<10240xf32, #tpu.memory_space<vmem>> -> memref<320xf32, #tpu.memory_space<vmem>>
    tpu.wait_dma2 semaphore(%arg6 : memref<!tpu.dma_semaphore, #tpu.memory_space<semaphore_mem>>) src(%dma_wait3A_386 : memref<320xf32, #tpu.memory_space<vmem>>) dst(%dma_wait3A_384 : memref<320xf32, #tpu.memory_space<hbm>>)
    %mul3A_387 = arith.constant 320 : i32
    %mul3A_388 = arith.muli %add3A_18, %mul3A_387 : i32
    %add3A_389 = arith.constant 51200 : i32
    %add3A_390 = arith.addi %add3A_389, %mul3A_388 : i32
    %dma_wait3A_391 = arith.constant 1600 : i32
    %dma_wait3A_392 = tpu.memref_slice %arg5[%dma_wait3A_391] : memref<10240xf32, #tpu.memory_space<vmem>> -> memref<320xf32, #tpu.memory_space<vmem>>
    %dma_wait3A_393 = tpu.memref_slice %arg3[%add3A_390] : memref<327680xf32, #tpu.memory_space<hbm>> -> memref<320xf32, #tpu.memory_space<hbm>>
    %dma_wait3A_394 = tpu.memref_slice %arg3[%add3A_390] : memref<327680xf32, #tpu.memory_space<hbm>> -> memref<320xf32, #tpu.memory_space<hbm>>
    %dma_wait3A_395 = arith.constant 1600 : i32
    %dma_wait3A_396 = tpu.memref_slice %arg5[%dma_wait3A_395] : memref<10240xf32, #tpu.memory_space<vmem>> -> memref<320xf32, #tpu.memory_space<vmem>>
    tpu.wait_dma2 semaphore(%arg6 : memref<!tpu.dma_semaphore, #tpu.memory_space<semaphore_mem>>) src(%dma_wait3A_396 : memref<320xf32, #tpu.memory_space<vmem>>) dst(%dma_wait3A_394 : memref<320xf32, #tpu.memory_space<hbm>>)
    %mul3A_397 = arith.constant 320 : i32
    %mul3A_398 = arith.muli %add3A_18, %mul3A_397 : i32
    %add3A_399 = arith.constant 61440 : i32
    %add3A_400 = arith.addi %add3A_399, %mul3A_398 : i32
    %dma_wait3A_401 = arith.constant 1920 : i32
    %dma_wait3A_402 = tpu.memref_slice %arg5[%dma_wait3A_401] : memref<10240xf32, #tpu.memory_space<vmem>> -> memref<320xf32, #tpu.memory_space<vmem>>
    %dma_wait3A_403 = tpu.memref_slice %arg3[%add3A_400] : memref<327680xf32, #tpu.memory_space<hbm>> -> memref<320xf32, #tpu.memory_space<hbm>>
    %dma_wait3A_404 = tpu.memref_slice %arg3[%add3A_400] : memref<327680xf32, #tpu.memory_space<hbm>> -> memref<320xf32, #tpu.memory_space<hbm>>
    %dma_wait3A_405 = arith.constant 1920 : i32
    %dma_wait3A_406 = tpu.memref_slice %arg5[%dma_wait3A_405] : memref<10240xf32, #tpu.memory_space<vmem>> -> memref<320xf32, #tpu.memory_space<vmem>>
    tpu.wait_dma2 semaphore(%arg6 : memref<!tpu.dma_semaphore, #tpu.memory_space<semaphore_mem>>) src(%dma_wait3A_406 : memref<320xf32, #tpu.memory_space<vmem>>) dst(%dma_wait3A_404 : memref<320xf32, #tpu.memory_space<hbm>>)
    %mul3A_407 = arith.constant 320 : i32
    %mul3A_408 = arith.muli %add3A_18, %mul3A_407 : i32
    %add3A_409 = arith.constant 71680 : i32
    %add3A_410 = arith.addi %add3A_409, %mul3A_408 : i32
    %dma_wait3A_411 = arith.constant 2240 : i32
    %dma_wait3A_412 = tpu.memref_slice %arg5[%dma_wait3A_411] : memref<10240xf32, #tpu.memory_space<vmem>> -> memref<320xf32, #tpu.memory_space<vmem>>
    %dma_wait3A_413 = tpu.memref_slice %arg3[%add3A_410] : memref<327680xf32, #tpu.memory_space<hbm>> -> memref<320xf32, #tpu.memory_space<hbm>>
    %dma_wait3A_414 = tpu.memref_slice %arg3[%add3A_410] : memref<327680xf32, #tpu.memory_space<hbm>> -> memref<320xf32, #tpu.memory_space<hbm>>
    %dma_wait3A_415 = arith.constant 2240 : i32
    %dma_wait3A_416 = tpu.memref_slice %arg5[%dma_wait3A_415] : memref<10240xf32, #tpu.memory_space<vmem>> -> memref<320xf32, #tpu.memory_space<vmem>>
    tpu.wait_dma2 semaphore(%arg6 : memref<!tpu.dma_semaphore, #tpu.memory_space<semaphore_mem>>) src(%dma_wait3A_416 : memref<320xf32, #tpu.memory_space<vmem>>) dst(%dma_wait3A_414 : memref<320xf32, #tpu.memory_space<hbm>>)
    %mul3A_417 = arith.constant 320 : i32
    %mul3A_418 = arith.muli %add3A_18, %mul3A_417 : i32
    %add3A_419 = arith.constant 81920 : i32
    %add3A_420 = arith.addi %add3A_419, %mul3A_418 : i32
    %dma_wait3A_421 = arith.constant 2560 : i32
    %dma_wait3A_422 = tpu.memref_slice %arg5[%dma_wait3A_421] : memref<10240xf32, #tpu.memory_space<vmem>> -> memref<320xf32, #tpu.memory_space<vmem>>
    %dma_wait3A_423 = tpu.memref_slice %arg3[%add3A_420] : memref<327680xf32, #tpu.memory_space<hbm>> -> memref<320xf32, #tpu.memory_space<hbm>>
    %dma_wait3A_424 = tpu.memref_slice %arg3[%add3A_420] : memref<327680xf32, #tpu.memory_space<hbm>> -> memref<320xf32, #tpu.memory_space<hbm>>
    %dma_wait3A_425 = arith.constant 2560 : i32
    %dma_wait3A_426 = tpu.memref_slice %arg5[%dma_wait3A_425] : memref<10240xf32, #tpu.memory_space<vmem>> -> memref<320xf32, #tpu.memory_space<vmem>>
    tpu.wait_dma2 semaphore(%arg6 : memref<!tpu.dma_semaphore, #tpu.memory_space<semaphore_mem>>) src(%dma_wait3A_426 : memref<320xf32, #tpu.memory_space<vmem>>) dst(%dma_wait3A_424 : memref<320xf32, #tpu.memory_space<hbm>>)
    %mul3A_427 = arith.constant 320 : i32
    %mul3A_428 = arith.muli %add3A_18, %mul3A_427 : i32
    %add3A_429 = arith.constant 92160 : i32
    %add3A_430 = arith.addi %add3A_429, %mul3A_428 : i32
    %dma_wait3A_431 = arith.constant 2880 : i32
    %dma_wait3A_432 = tpu.memref_slice %arg5[%dma_wait3A_431] : memref<10240xf32, #tpu.memory_space<vmem>> -> memref<320xf32, #tpu.memory_space<vmem>>
    %dma_wait3A_433 = tpu.memref_slice %arg3[%add3A_430] : memref<327680xf32, #tpu.memory_space<hbm>> -> memref<320xf32, #tpu.memory_space<hbm>>
    %dma_wait3A_434 = tpu.memref_slice %arg3[%add3A_430] : memref<327680xf32, #tpu.memory_space<hbm>> -> memref<320xf32, #tpu.memory_space<hbm>>
    %dma_wait3A_435 = arith.constant 2880 : i32
    %dma_wait3A_436 = tpu.memref_slice %arg5[%dma_wait3A_435] : memref<10240xf32, #tpu.memory_space<vmem>> -> memref<320xf32, #tpu.memory_space<vmem>>
    tpu.wait_dma2 semaphore(%arg6 : memref<!tpu.dma_semaphore, #tpu.memory_space<semaphore_mem>>) src(%dma_wait3A_436 : memref<320xf32, #tpu.memory_space<vmem>>) dst(%dma_wait3A_434 : memref<320xf32, #tpu.memory_space<hbm>>)
    %mul3A_437 = arith.constant 320 : i32
    %mul3A_438 = arith.muli %add3A_18, %mul3A_437 : i32
    %add3A_439 = arith.constant 102400 : i32
    %add3A_440 = arith.addi %add3A_439, %mul3A_438 : i32
    %dma_wait3A_441 = arith.constant 3200 : i32
    %dma_wait3A_442 = tpu.memref_slice %arg5[%dma_wait3A_441] : memref<10240xf32, #tpu.memory_space<vmem>> -> memref<320xf32, #tpu.memory_space<vmem>>
    %dma_wait3A_443 = tpu.memref_slice %arg3[%add3A_440] : memref<327680xf32, #tpu.memory_space<hbm>> -> memref<320xf32, #tpu.memory_space<hbm>>
    %dma_wait3A_444 = tpu.memref_slice %arg3[%add3A_440] : memref<327680xf32, #tpu.memory_space<hbm>> -> memref<320xf32, #tpu.memory_space<hbm>>
    %dma_wait3A_445 = arith.constant 3200 : i32
    %dma_wait3A_446 = tpu.memref_slice %arg5[%dma_wait3A_445] : memref<10240xf32, #tpu.memory_space<vmem>> -> memref<320xf32, #tpu.memory_space<vmem>>
    tpu.wait_dma2 semaphore(%arg6 : memref<!tpu.dma_semaphore, #tpu.memory_space<semaphore_mem>>) src(%dma_wait3A_446 : memref<320xf32, #tpu.memory_space<vmem>>) dst(%dma_wait3A_444 : memref<320xf32, #tpu.memory_space<hbm>>)
    %mul3A_447 = arith.constant 320 : i32
    %mul3A_448 = arith.muli %add3A_18, %mul3A_447 : i32
    %add3A_449 = arith.constant 112640 : i32
    %add3A_450 = arith.addi %add3A_449, %mul3A_448 : i32
    %dma_wait3A_451 = arith.constant 3520 : i32
    %dma_wait3A_452 = tpu.memref_slice %arg5[%dma_wait3A_451] : memref<10240xf32, #tpu.memory_space<vmem>> -> memref<320xf32, #tpu.memory_space<vmem>>
    %dma_wait3A_453 = tpu.memref_slice %arg3[%add3A_450] : memref<327680xf32, #tpu.memory_space<hbm>> -> memref<320xf32, #tpu.memory_space<hbm>>
    %dma_wait3A_454 = tpu.memref_slice %arg3[%add3A_450] : memref<327680xf32, #tpu.memory_space<hbm>> -> memref<320xf32, #tpu.memory_space<hbm>>
    %dma_wait3A_455 = arith.constant 3520 : i32
    %dma_wait3A_456 = tpu.memref_slice %arg5[%dma_wait3A_455] : memref<10240xf32, #tpu.memory_space<vmem>> -> memref<320xf32, #tpu.memory_space<vmem>>
    tpu.wait_dma2 semaphore(%arg6 : memref<!tpu.dma_semaphore, #tpu.memory_space<semaphore_mem>>) src(%dma_wait3A_456 : memref<320xf32, #tpu.memory_space<vmem>>) dst(%dma_wait3A_454 : memref<320xf32, #tpu.memory_space<hbm>>)
    %mul3A_457 = arith.constant 320 : i32
    %mul3A_458 = arith.muli %add3A_18, %mul3A_457 : i32
    %add3A_459 = arith.constant 122880 : i32
    %add3A_460 = arith.addi %add3A_459, %mul3A_458 : i32
    %dma_wait3A_461 = arith.constant 3840 : i32
    %dma_wait3A_462 = tpu.memref_slice %arg5[%dma_wait3A_461] : memref<10240xf32, #tpu.memory_space<vmem>> -> memref<320xf32, #tpu.memory_space<vmem>>
    %dma_wait3A_463 = tpu.memref_slice %arg3[%add3A_460] : memref<327680xf32, #tpu.memory_space<hbm>> -> memref<320xf32, #tpu.memory_space<hbm>>
    %dma_wait3A_464 = tpu.memref_slice %arg3[%add3A_460] : memref<327680xf32, #tpu.memory_space<hbm>> -> memref<320xf32, #tpu.memory_space<hbm>>
    %dma_wait3A_465 = arith.constant 3840 : i32
    %dma_wait3A_466 = tpu.memref_slice %arg5[%dma_wait3A_465] : memref<10240xf32, #tpu.memory_space<vmem>> -> memref<320xf32, #tpu.memory_space<vmem>>
    tpu.wait_dma2 semaphore(%arg6 : memref<!tpu.dma_semaphore, #tpu.memory_space<semaphore_mem>>) src(%dma_wait3A_466 : memref<320xf32, #tpu.memory_space<vmem>>) dst(%dma_wait3A_464 : memref<320xf32, #tpu.memory_space<hbm>>)
    %mul3A_467 = arith.constant 320 : i32
    %mul3A_468 = arith.muli %add3A_18, %mul3A_467 : i32
    %add3A_469 = arith.constant 133120 : i32
    %add3A_470 = arith.addi %add3A_469, %mul3A_468 : i32
    %dma_wait3A_471 = arith.constant 4160 : i32
    %dma_wait3A_472 = tpu.memref_slice %arg5[%dma_wait3A_471] : memref<10240xf32, #tpu.memory_space<vmem>> -> memref<320xf32, #tpu.memory_space<vmem>>
    %dma_wait3A_473 = tpu.memref_slice %arg3[%add3A_470] : memref<327680xf32, #tpu.memory_space<hbm>> -> memref<320xf32, #tpu.memory_space<hbm>>
    %dma_wait3A_474 = tpu.memref_slice %arg3[%add3A_470] : memref<327680xf32, #tpu.memory_space<hbm>> -> memref<320xf32, #tpu.memory_space<hbm>>
    %dma_wait3A_475 = arith.constant 4160 : i32
    %dma_wait3A_476 = tpu.memref_slice %arg5[%dma_wait3A_475] : memref<10240xf32, #tpu.memory_space<vmem>> -> memref<320xf32, #tpu.memory_space<vmem>>
    tpu.wait_dma2 semaphore(%arg6 : memref<!tpu.dma_semaphore, #tpu.memory_space<semaphore_mem>>) src(%dma_wait3A_476 : memref<320xf32, #tpu.memory_space<vmem>>) dst(%dma_wait3A_474 : memref<320xf32, #tpu.memory_space<hbm>>)
    %mul3A_477 = arith.constant 320 : i32
    %mul3A_478 = arith.muli %add3A_18, %mul3A_477 : i32
    %add3A_479 = arith.constant 143360 : i32
    %add3A_480 = arith.addi %add3A_479, %mul3A_478 : i32
    %dma_wait3A_481 = arith.constant 4480 : i32
    %dma_wait3A_482 = tpu.memref_slice %arg5[%dma_wait3A_481] : memref<10240xf32, #tpu.memory_space<vmem>> -> memref<320xf32, #tpu.memory_space<vmem>>
    %dma_wait3A_483 = tpu.memref_slice %arg3[%add3A_480] : memref<327680xf32, #tpu.memory_space<hbm>> -> memref<320xf32, #tpu.memory_space<hbm>>
    %dma_wait3A_484 = tpu.memref_slice %arg3[%add3A_480] : memref<327680xf32, #tpu.memory_space<hbm>> -> memref<320xf32, #tpu.memory_space<hbm>>
    %dma_wait3A_485 = arith.constant 4480 : i32
    %dma_wait3A_486 = tpu.memref_slice %arg5[%dma_wait3A_485] : memref<10240xf32, #tpu.memory_space<vmem>> -> memref<320xf32, #tpu.memory_space<vmem>>
    tpu.wait_dma2 semaphore(%arg6 : memref<!tpu.dma_semaphore, #tpu.memory_space<semaphore_mem>>) src(%dma_wait3A_486 : memref<320xf32, #tpu.memory_space<vmem>>) dst(%dma_wait3A_484 : memref<320xf32, #tpu.memory_space<hbm>>)
    %mul3A_487 = arith.constant 320 : i32
    %mul3A_488 = arith.muli %add3A_18, %mul3A_487 : i32
    %add3A_489 = arith.constant 153600 : i32
    %add3A_490 = arith.addi %add3A_489, %mul3A_488 : i32
    %dma_wait3A_491 = arith.constant 4800 : i32
    %dma_wait3A_492 = tpu.memref_slice %arg5[%dma_wait3A_491] : memref<10240xf32, #tpu.memory_space<vmem>> -> memref<320xf32, #tpu.memory_space<vmem>>
    %dma_wait3A_493 = tpu.memref_slice %arg3[%add3A_490] : memref<327680xf32, #tpu.memory_space<hbm>> -> memref<320xf32, #tpu.memory_space<hbm>>
    %dma_wait3A_494 = tpu.memref_slice %arg3[%add3A_490] : memref<327680xf32, #tpu.memory_space<hbm>> -> memref<320xf32, #tpu.memory_space<hbm>>
    %dma_wait3A_495 = arith.constant 4800 : i32
    %dma_wait3A_496 = tpu.memref_slice %arg5[%dma_wait3A_495] : memref<10240xf32, #tpu.memory_space<vmem>> -> memref<320xf32, #tpu.memory_space<vmem>>
    tpu.wait_dma2 semaphore(%arg6 : memref<!tpu.dma_semaphore, #tpu.memory_space<semaphore_mem>>) src(%dma_wait3A_496 : memref<320xf32, #tpu.memory_space<vmem>>) dst(%dma_wait3A_494 : memref<320xf32, #tpu.memory_space<hbm>>)
    %mul3A_497 = arith.constant 320 : i32
    %mul3A_498 = arith.muli %add3A_18, %mul3A_497 : i32
    %add3A_499 = arith.constant 163840 : i32
    %add3A_500 = arith.addi %add3A_499, %mul3A_498 : i32
    %dma_wait3A_501 = arith.constant 5120 : i32
    %dma_wait3A_502 = tpu.memref_slice %arg5[%dma_wait3A_501] : memref<10240xf32, #tpu.memory_space<vmem>> -> memref<320xf32, #tpu.memory_space<vmem>>
    %dma_wait3A_503 = tpu.memref_slice %arg3[%add3A_500] : memref<327680xf32, #tpu.memory_space<hbm>> -> memref<320xf32, #tpu.memory_space<hbm>>
    %dma_wait3A_504 = tpu.memref_slice %arg3[%add3A_500] : memref<327680xf32, #tpu.memory_space<hbm>> -> memref<320xf32, #tpu.memory_space<hbm>>
    %dma_wait3A_505 = arith.constant 5120 : i32
    %dma_wait3A_506 = tpu.memref_slice %arg5[%dma_wait3A_505] : memref<10240xf32, #tpu.memory_space<vmem>> -> memref<320xf32, #tpu.memory_space<vmem>>
    tpu.wait_dma2 semaphore(%arg6 : memref<!tpu.dma_semaphore, #tpu.memory_space<semaphore_mem>>) src(%dma_wait3A_506 : memref<320xf32, #tpu.memory_space<vmem>>) dst(%dma_wait3A_504 : memref<320xf32, #tpu.memory_space<hbm>>)
    %mul3A_507 = arith.constant 320 : i32
    %mul3A_508 = arith.muli %add3A_18, %mul3A_507 : i32
    %add3A_509 = arith.constant 174080 : i32
    %add3A_510 = arith.addi %add3A_509, %mul3A_508 : i32
    %dma_wait3A_511 = arith.constant 5440 : i32
    %dma_wait3A_512 = tpu.memref_slice %arg5[%dma_wait3A_511] : memref<10240xf32, #tpu.memory_space<vmem>> -> memref<320xf32, #tpu.memory_space<vmem>>
    %dma_wait3A_513 = tpu.memref_slice %arg3[%add3A_510] : memref<327680xf32, #tpu.memory_space<hbm>> -> memref<320xf32, #tpu.memory_space<hbm>>
    %dma_wait3A_514 = tpu.memref_slice %arg3[%add3A_510] : memref<327680xf32, #tpu.memory_space<hbm>> -> memref<320xf32, #tpu.memory_space<hbm>>
    %dma_wait3A_515 = arith.constant 5440 : i32
    %dma_wait3A_516 = tpu.memref_slice %arg5[%dma_wait3A_515] : memref<10240xf32, #tpu.memory_space<vmem>> -> memref<320xf32, #tpu.memory_space<vmem>>
    tpu.wait_dma2 semaphore(%arg6 : memref<!tpu.dma_semaphore, #tpu.memory_space<semaphore_mem>>) src(%dma_wait3A_516 : memref<320xf32, #tpu.memory_space<vmem>>) dst(%dma_wait3A_514 : memref<320xf32, #tpu.memory_space<hbm>>)
    %mul3A_517 = arith.constant 320 : i32
    %mul3A_518 = arith.muli %add3A_18, %mul3A_517 : i32
    %add3A_519 = arith.constant 184320 : i32
    %add3A_520 = arith.addi %add3A_519, %mul3A_518 : i32
    %dma_wait3A_521 = arith.constant 5760 : i32
    %dma_wait3A_522 = tpu.memref_slice %arg5[%dma_wait3A_521] : memref<10240xf32, #tpu.memory_space<vmem>> -> memref<320xf32, #tpu.memory_space<vmem>>
    %dma_wait3A_523 = tpu.memref_slice %arg3[%add3A_520] : memref<327680xf32, #tpu.memory_space<hbm>> -> memref<320xf32, #tpu.memory_space<hbm>>
    %dma_wait3A_524 = tpu.memref_slice %arg3[%add3A_520] : memref<327680xf32, #tpu.memory_space<hbm>> -> memref<320xf32, #tpu.memory_space<hbm>>
    %dma_wait3A_525 = arith.constant 5760 : i32
    %dma_wait3A_526 = tpu.memref_slice %arg5[%dma_wait3A_525] : memref<10240xf32, #tpu.memory_space<vmem>> -> memref<320xf32, #tpu.memory_space<vmem>>
    tpu.wait_dma2 semaphore(%arg6 : memref<!tpu.dma_semaphore, #tpu.memory_space<semaphore_mem>>) src(%dma_wait3A_526 : memref<320xf32, #tpu.memory_space<vmem>>) dst(%dma_wait3A_524 : memref<320xf32, #tpu.memory_space<hbm>>)
    %mul3A_527 = arith.constant 320 : i32
    %mul3A_528 = arith.muli %add3A_18, %mul3A_527 : i32
    %add3A_529 = arith.constant 194560 : i32
    %add3A_530 = arith.addi %add3A_529, %mul3A_528 : i32
    %dma_wait3A_531 = arith.constant 6080 : i32
    %dma_wait3A_532 = tpu.memref_slice %arg5[%dma_wait3A_531] : memref<10240xf32, #tpu.memory_space<vmem>> -> memref<320xf32, #tpu.memory_space<vmem>>
    %dma_wait3A_533 = tpu.memref_slice %arg3[%add3A_530] : memref<327680xf32, #tpu.memory_space<hbm>> -> memref<320xf32, #tpu.memory_space<hbm>>
    %dma_wait3A_534 = tpu.memref_slice %arg3[%add3A_530] : memref<327680xf32, #tpu.memory_space<hbm>> -> memref<320xf32, #tpu.memory_space<hbm>>
    %dma_wait3A_535 = arith.constant 6080 : i32
    %dma_wait3A_536 = tpu.memref_slice %arg5[%dma_wait3A_535] : memref<10240xf32, #tpu.memory_space<vmem>> -> memref<320xf32, #tpu.memory_space<vmem>>
    tpu.wait_dma2 semaphore(%arg6 : memref<!tpu.dma_semaphore, #tpu.memory_space<semaphore_mem>>) src(%dma_wait3A_536 : memref<320xf32, #tpu.memory_space<vmem>>) dst(%dma_wait3A_534 : memref<320xf32, #tpu.memory_space<hbm>>)
    %mul3A_537 = arith.constant 320 : i32
    %mul3A_538 = arith.muli %add3A_18, %mul3A_537 : i32
    %add3A_539 = arith.constant 204800 : i32
    %add3A_540 = arith.addi %add3A_539, %mul3A_538 : i32
    %dma_wait3A_541 = arith.constant 6400 : i32
    %dma_wait3A_542 = tpu.memref_slice %arg5[%dma_wait3A_541] : memref<10240xf32, #tpu.memory_space<vmem>> -> memref<320xf32, #tpu.memory_space<vmem>>
    %dma_wait3A_543 = tpu.memref_slice %arg3[%add3A_540] : memref<327680xf32, #tpu.memory_space<hbm>> -> memref<320xf32, #tpu.memory_space<hbm>>
    %dma_wait3A_544 = tpu.memref_slice %arg3[%add3A_540] : memref<327680xf32, #tpu.memory_space<hbm>> -> memref<320xf32, #tpu.memory_space<hbm>>
    %dma_wait3A_545 = arith.constant 6400 : i32
    %dma_wait3A_546 = tpu.memref_slice %arg5[%dma_wait3A_545] : memref<10240xf32, #tpu.memory_space<vmem>> -> memref<320xf32, #tpu.memory_space<vmem>>
    tpu.wait_dma2 semaphore(%arg6 : memref<!tpu.dma_semaphore, #tpu.memory_space<semaphore_mem>>) src(%dma_wait3A_546 : memref<320xf32, #tpu.memory_space<vmem>>) dst(%dma_wait3A_544 : memref<320xf32, #tpu.memory_space<hbm>>)
    %mul3A_547 = arith.constant 320 : i32
    %mul3A_548 = arith.muli %add3A_18, %mul3A_547 : i32
    %add3A_549 = arith.constant 215040 : i32
    %add3A_550 = arith.addi %add3A_549, %mul3A_548 : i32
    %dma_wait3A_551 = arith.constant 6720 : i32
    %dma_wait3A_552 = tpu.memref_slice %arg5[%dma_wait3A_551] : memref<10240xf32, #tpu.memory_space<vmem>> -> memref<320xf32, #tpu.memory_space<vmem>>
    %dma_wait3A_553 = tpu.memref_slice %arg3[%add3A_550] : memref<327680xf32, #tpu.memory_space<hbm>> -> memref<320xf32, #tpu.memory_space<hbm>>
    %dma_wait3A_554 = tpu.memref_slice %arg3[%add3A_550] : memref<327680xf32, #tpu.memory_space<hbm>> -> memref<320xf32, #tpu.memory_space<hbm>>
    %dma_wait3A_555 = arith.constant 6720 : i32
    %dma_wait3A_556 = tpu.memref_slice %arg5[%dma_wait3A_555] : memref<10240xf32, #tpu.memory_space<vmem>> -> memref<320xf32, #tpu.memory_space<vmem>>
    tpu.wait_dma2 semaphore(%arg6 : memref<!tpu.dma_semaphore, #tpu.memory_space<semaphore_mem>>) src(%dma_wait3A_556 : memref<320xf32, #tpu.memory_space<vmem>>) dst(%dma_wait3A_554 : memref<320xf32, #tpu.memory_space<hbm>>)
    %mul3A_557 = arith.constant 320 : i32
    %mul3A_558 = arith.muli %add3A_18, %mul3A_557 : i32
    %add3A_559 = arith.constant 225280 : i32
    %add3A_560 = arith.addi %add3A_559, %mul3A_558 : i32
    %dma_wait3A_561 = arith.constant 7040 : i32
    %dma_wait3A_562 = tpu.memref_slice %arg5[%dma_wait3A_561] : memref<10240xf32, #tpu.memory_space<vmem>> -> memref<320xf32, #tpu.memory_space<vmem>>
    %dma_wait3A_563 = tpu.memref_slice %arg3[%add3A_560] : memref<327680xf32, #tpu.memory_space<hbm>> -> memref<320xf32, #tpu.memory_space<hbm>>
    %dma_wait3A_564 = tpu.memref_slice %arg3[%add3A_560] : memref<327680xf32, #tpu.memory_space<hbm>> -> memref<320xf32, #tpu.memory_space<hbm>>
    %dma_wait3A_565 = arith.constant 7040 : i32
    %dma_wait3A_566 = tpu.memref_slice %arg5[%dma_wait3A_565] : memref<10240xf32, #tpu.memory_space<vmem>> -> memref<320xf32, #tpu.memory_space<vmem>>
    tpu.wait_dma2 semaphore(%arg6 : memref<!tpu.dma_semaphore, #tpu.memory_space<semaphore_mem>>) src(%dma_wait3A_566 : memref<320xf32, #tpu.memory_space<vmem>>) dst(%dma_wait3A_564 : memref<320xf32, #tpu.memory_space<hbm>>)
    %mul3A_567 = arith.constant 320 : i32
    %mul3A_568 = arith.muli %add3A_18, %mul3A_567 : i32
    %add3A_569 = arith.constant 235520 : i32
    %add3A_570 = arith.addi %add3A_569, %mul3A_568 : i32
    %dma_wait3A_571 = arith.constant 7360 : i32
    %dma_wait3A_572 = tpu.memref_slice %arg5[%dma_wait3A_571] : memref<10240xf32, #tpu.memory_space<vmem>> -> memref<320xf32, #tpu.memory_space<vmem>>
    %dma_wait3A_573 = tpu.memref_slice %arg3[%add3A_570] : memref<327680xf32, #tpu.memory_space<hbm>> -> memref<320xf32, #tpu.memory_space<hbm>>
    %dma_wait3A_574 = tpu.memref_slice %arg3[%add3A_570] : memref<327680xf32, #tpu.memory_space<hbm>> -> memref<320xf32, #tpu.memory_space<hbm>>
    %dma_wait3A_575 = arith.constant 7360 : i32
    %dma_wait3A_576 = tpu.memref_slice %arg5[%dma_wait3A_575] : memref<10240xf32, #tpu.memory_space<vmem>> -> memref<320xf32, #tpu.memory_space<vmem>>
    tpu.wait_dma2 semaphore(%arg6 : memref<!tpu.dma_semaphore, #tpu.memory_space<semaphore_mem>>) src(%dma_wait3A_576 : memref<320xf32, #tpu.memory_space<vmem>>) dst(%dma_wait3A_574 : memref<320xf32, #tpu.memory_space<hbm>>)
    %mul3A_577 = arith.constant 320 : i32
    %mul3A_578 = arith.muli %add3A_18, %mul3A_577 : i32
    %add3A_579 = arith.constant 245760 : i32
    %add3A_580 = arith.addi %add3A_579, %mul3A_578 : i32
    %dma_wait3A_581 = arith.constant 7680 : i32
    %dma_wait3A_582 = tpu.memref_slice %arg5[%dma_wait3A_581] : memref<10240xf32, #tpu.memory_space<vmem>> -> memref<320xf32, #tpu.memory_space<vmem>>
    %dma_wait3A_583 = tpu.memref_slice %arg3[%add3A_580] : memref<327680xf32, #tpu.memory_space<hbm>> -> memref<320xf32, #tpu.memory_space<hbm>>
    %dma_wait3A_584 = tpu.memref_slice %arg3[%add3A_580] : memref<327680xf32, #tpu.memory_space<hbm>> -> memref<320xf32, #tpu.memory_space<hbm>>
    %dma_wait3A_585 = arith.constant 7680 : i32
    %dma_wait3A_586 = tpu.memref_slice %arg5[%dma_wait3A_585] : memref<10240xf32, #tpu.memory_space<vmem>> -> memref<320xf32, #tpu.memory_space<vmem>>
    tpu.wait_dma2 semaphore(%arg6 : memref<!tpu.dma_semaphore, #tpu.memory_space<semaphore_mem>>) src(%dma_wait3A_586 : memref<320xf32, #tpu.memory_space<vmem>>) dst(%dma_wait3A_584 : memref<320xf32, #tpu.memory_space<hbm>>)
    %mul3A_587 = arith.constant 320 : i32
    %mul3A_588 = arith.muli %add3A_18, %mul3A_587 : i32
    %add3A_589 = arith.constant 256000 : i32
    %add3A_590 = arith.addi %add3A_589, %mul3A_588 : i32
    %dma_wait3A_591 = arith.constant 8000 : i32
    %dma_wait3A_592 = tpu.memref_slice %arg5[%dma_wait3A_591] : memref<10240xf32, #tpu.memory_space<vmem>> -> memref<320xf32, #tpu.memory_space<vmem>>
    %dma_wait3A_593 = tpu.memref_slice %arg3[%add3A_590] : memref<327680xf32, #tpu.memory_space<hbm>> -> memref<320xf32, #tpu.memory_space<hbm>>
    %dma_wait3A_594 = tpu.memref_slice %arg3[%add3A_590] : memref<327680xf32, #tpu.memory_space<hbm>> -> memref<320xf32, #tpu.memory_space<hbm>>
    %dma_wait3A_595 = arith.constant 8000 : i32
    %dma_wait3A_596 = tpu.memref_slice %arg5[%dma_wait3A_595] : memref<10240xf32, #tpu.memory_space<vmem>> -> memref<320xf32, #tpu.memory_space<vmem>>
    tpu.wait_dma2 semaphore(%arg6 : memref<!tpu.dma_semaphore, #tpu.memory_space<semaphore_mem>>) src(%dma_wait3A_596 : memref<320xf32, #tpu.memory_space<vmem>>) dst(%dma_wait3A_594 : memref<320xf32, #tpu.memory_space<hbm>>)
    %mul3A_597 = arith.constant 320 : i32
    %mul3A_598 = arith.muli %add3A_18, %mul3A_597 : i32
    %add3A_599 = arith.constant 266240 : i32
    %add3A_600 = arith.addi %add3A_599, %mul3A_598 : i32
    %dma_wait3A_601 = arith.constant 8320 : i32
    %dma_wait3A_602 = tpu.memref_slice %arg5[%dma_wait3A_601] : memref<10240xf32, #tpu.memory_space<vmem>> -> memref<320xf32, #tpu.memory_space<vmem>>
    %dma_wait3A_603 = tpu.memref_slice %arg3[%add3A_600] : memref<327680xf32, #tpu.memory_space<hbm>> -> memref<320xf32, #tpu.memory_space<hbm>>
    %dma_wait3A_604 = tpu.memref_slice %arg3[%add3A_600] : memref<327680xf32, #tpu.memory_space<hbm>> -> memref<320xf32, #tpu.memory_space<hbm>>
    %dma_wait3A_605 = arith.constant 8320 : i32
    %dma_wait3A_606 = tpu.memref_slice %arg5[%dma_wait3A_605] : memref<10240xf32, #tpu.memory_space<vmem>> -> memref<320xf32, #tpu.memory_space<vmem>>
    tpu.wait_dma2 semaphore(%arg6 : memref<!tpu.dma_semaphore, #tpu.memory_space<semaphore_mem>>) src(%dma_wait3A_606 : memref<320xf32, #tpu.memory_space<vmem>>) dst(%dma_wait3A_604 : memref<320xf32, #tpu.memory_space<hbm>>)
    %mul3A_607 = arith.constant 320 : i32
    %mul3A_608 = arith.muli %add3A_18, %mul3A_607 : i32
    %add3A_609 = arith.constant 276480 : i32
    %add3A_610 = arith.addi %add3A_609, %mul3A_608 : i32
    %dma_wait3A_611 = arith.constant 8640 : i32
    %dma_wait3A_612 = tpu.memref_slice %arg5[%dma_wait3A_611] : memref<10240xf32, #tpu.memory_space<vmem>> -> memref<320xf32, #tpu.memory_space<vmem>>
    %dma_wait3A_613 = tpu.memref_slice %arg3[%add3A_610] : memref<327680xf32, #tpu.memory_space<hbm>> -> memref<320xf32, #tpu.memory_space<hbm>>
    %dma_wait3A_614 = tpu.memref_slice %arg3[%add3A_610] : memref<327680xf32, #tpu.memory_space<hbm>> -> memref<320xf32, #tpu.memory_space<hbm>>
    %dma_wait3A_615 = arith.constant 8640 : i32
    %dma_wait3A_616 = tpu.memref_slice %arg5[%dma_wait3A_615] : memref<10240xf32, #tpu.memory_space<vmem>> -> memref<320xf32, #tpu.memory_space<vmem>>
    tpu.wait_dma2 semaphore(%arg6 : memref<!tpu.dma_semaphore, #tpu.memory_space<semaphore_mem>>) src(%dma_wait3A_616 : memref<320xf32, #tpu.memory_space<vmem>>) dst(%dma_wait3A_614 : memref<320xf32, #tpu.memory_space<hbm>>)
    %mul3A_617 = arith.constant 320 : i32
    %mul3A_618 = arith.muli %add3A_18, %mul3A_617 : i32
    %add3A_619 = arith.constant 286720 : i32
    %add3A_620 = arith.addi %add3A_619, %mul3A_618 : i32
    %dma_wait3A_621 = arith.constant 8960 : i32
    %dma_wait3A_622 = tpu.memref_slice %arg5[%dma_wait3A_621] : memref<10240xf32, #tpu.memory_space<vmem>> -> memref<320xf32, #tpu.memory_space<vmem>>
    %dma_wait3A_623 = tpu.memref_slice %arg3[%add3A_620] : memref<327680xf32, #tpu.memory_space<hbm>> -> memref<320xf32, #tpu.memory_space<hbm>>
    %dma_wait3A_624 = tpu.memref_slice %arg3[%add3A_620] : memref<327680xf32, #tpu.memory_space<hbm>> -> memref<320xf32, #tpu.memory_space<hbm>>
    %dma_wait3A_625 = arith.constant 8960 : i32
    %dma_wait3A_626 = tpu.memref_slice %arg5[%dma_wait3A_625] : memref<10240xf32, #tpu.memory_space<vmem>> -> memref<320xf32, #tpu.memory_space<vmem>>
    tpu.wait_dma2 semaphore(%arg6 : memref<!tpu.dma_semaphore, #tpu.memory_space<semaphore_mem>>) src(%dma_wait3A_626 : memref<320xf32, #tpu.memory_space<vmem>>) dst(%dma_wait3A_624 : memref<320xf32, #tpu.memory_space<hbm>>)
    %mul3A_627 = arith.constant 320 : i32
    %mul3A_628 = arith.muli %add3A_18, %mul3A_627 : i32
    %add3A_629 = arith.constant 296960 : i32
    %add3A_630 = arith.addi %add3A_629, %mul3A_628 : i32
    %dma_wait3A_631 = arith.constant 9280 : i32
    %dma_wait3A_632 = tpu.memref_slice %arg5[%dma_wait3A_631] : memref<10240xf32, #tpu.memory_space<vmem>> -> memref<320xf32, #tpu.memory_space<vmem>>
    %dma_wait3A_633 = tpu.memref_slice %arg3[%add3A_630] : memref<327680xf32, #tpu.memory_space<hbm>> -> memref<320xf32, #tpu.memory_space<hbm>>
    %dma_wait3A_634 = tpu.memref_slice %arg3[%add3A_630] : memref<327680xf32, #tpu.memory_space<hbm>> -> memref<320xf32, #tpu.memory_space<hbm>>
    %dma_wait3A_635 = arith.constant 9280 : i32
    %dma_wait3A_636 = tpu.memref_slice %arg5[%dma_wait3A_635] : memref<10240xf32, #tpu.memory_space<vmem>> -> memref<320xf32, #tpu.memory_space<vmem>>
    tpu.wait_dma2 semaphore(%arg6 : memref<!tpu.dma_semaphore, #tpu.memory_space<semaphore_mem>>) src(%dma_wait3A_636 : memref<320xf32, #tpu.memory_space<vmem>>) dst(%dma_wait3A_634 : memref<320xf32, #tpu.memory_space<hbm>>)
    %mul3A_637 = arith.constant 320 : i32
    %mul3A_638 = arith.muli %add3A_18, %mul3A_637 : i32
    %add3A_639 = arith.constant 307200 : i32
    %add3A_640 = arith.addi %add3A_639, %mul3A_638 : i32
    %dma_wait3A_641 = arith.constant 9600 : i32
    %dma_wait3A_642 = tpu.memref_slice %arg5[%dma_wait3A_641] : memref<10240xf32, #tpu.memory_space<vmem>> -> memref<320xf32, #tpu.memory_space<vmem>>
    %dma_wait3A_643 = tpu.memref_slice %arg3[%add3A_640] : memref<327680xf32, #tpu.memory_space<hbm>> -> memref<320xf32, #tpu.memory_space<hbm>>
    %dma_wait3A_644 = tpu.memref_slice %arg3[%add3A_640] : memref<327680xf32, #tpu.memory_space<hbm>> -> memref<320xf32, #tpu.memory_space<hbm>>
    %dma_wait3A_645 = arith.constant 9600 : i32
    %dma_wait3A_646 = tpu.memref_slice %arg5[%dma_wait3A_645] : memref<10240xf32, #tpu.memory_space<vmem>> -> memref<320xf32, #tpu.memory_space<vmem>>
    tpu.wait_dma2 semaphore(%arg6 : memref<!tpu.dma_semaphore, #tpu.memory_space<semaphore_mem>>) src(%dma_wait3A_646 : memref<320xf32, #tpu.memory_space<vmem>>) dst(%dma_wait3A_644 : memref<320xf32, #tpu.memory_space<hbm>>)
    %mul3A_647 = arith.constant 320 : i32
    %mul3A_648 = arith.muli %add3A_18, %mul3A_647 : i32
    %add3A_649 = arith.constant 317440 : i32
    %add3A_650 = arith.addi %add3A_649, %mul3A_648 : i32
    %dma_wait3A_651 = arith.constant 9920 : i32
    %dma_wait3A_652 = tpu.memref_slice %arg5[%dma_wait3A_651] : memref<10240xf32, #tpu.memory_space<vmem>> -> memref<320xf32, #tpu.memory_space<vmem>>
    %dma_wait3A_653 = tpu.memref_slice %arg3[%add3A_650] : memref<327680xf32, #tpu.memory_space<hbm>> -> memref<320xf32, #tpu.memory_space<hbm>>
    %dma_wait3A_654 = tpu.memref_slice %arg3[%add3A_650] : memref<327680xf32, #tpu.memory_space<hbm>> -> memref<320xf32, #tpu.memory_space<hbm>>
    %dma_wait3A_655 = arith.constant 9920 : i32
    %dma_wait3A_656 = tpu.memref_slice %arg5[%dma_wait3A_655] : memref<10240xf32, #tpu.memory_space<vmem>> -> memref<320xf32, #tpu.memory_space<vmem>>
    tpu.wait_dma2 semaphore(%arg6 : memref<!tpu.dma_semaphore, #tpu.memory_space<semaphore_mem>>) src(%dma_wait3A_656 : memref<320xf32, #tpu.memory_space<vmem>>) dst(%dma_wait3A_654 : memref<320xf32, #tpu.memory_space<hbm>>)
    return
  }
}

#map = affine_map<(d0, d1) -> (0, 0)>
#map1 = affine_map<(d0, d1) -> (0, 0, 0)>
module attributes {stable_mosaic.version = 14 : i64} {
  func.func @_edge_body(%arg0: i32, %arg1: i32, %arg2: memref<10240x128xf32, #tpu.memory_space<hbm>>, %arg3: memref<16x250x80xi32, #tpu.memory_space<hbm>>, %arg4: memref<16x250x80xi32, #tpu.memory_space<hbm>>, %arg5: memref<5248x128xf32, #tpu.memory_space<hbm>>, %arg6: memref<10240x128xf32, #tpu.memory_space<hbm>>, %arg7: memref<250x80xi32, #tpu.memory_space<vmem>>, %arg8: memref<250x80xi32, #tpu.memory_space<vmem>>, %arg9: memref<2x80x128xf32, #tpu.memory_space<vmem>>, %arg10: memref<5248x128xf32, #tpu.memory_space<vmem_shared>>, %arg11: memref<2x!tpu.dma_semaphore, #tpu.memory_space<semaphore_mem>>, %arg12: memref<2x!tpu.dma_semaphore, #tpu.memory_space<semaphore_mem>>) attributes {dimension_semantics = [#tpu.dimension_semantics<core_parallel>, #tpu.dimension_semantics<subcore_parallel>], iteration_bounds = array<i64: 2, 16>, scalar_prefetch = 0 : i64, scratch_operands = 6 : i64, tpu.core_type = #tpu.core_type<sc_vector_subcore>, window_params = [{transform_indices = #map}, {transform_indices = #map1}, {transform_indices = #map1}, {transform_indices = #map}, {transform_indices = #map}]} {
    %mul3A = arith.constant 5120 : i32
    %mul3A_0 = arith.muli %arg0, %mul3A : i32
    "tpu.region"() ({
      %run_scoped3A = tpu.sem_alloc : memref<!tpu.dma_semaphore, #tpu.memory_space<semaphore_mem>>
      %dma_start3A_50 = arith.constant 0 : i32
      %dma_start3A_51 = arith.constant 0 : i32
      %dma_start3A_52 = tpu.memref_slice %arg3[%arg1, %dma_start3A_50, %dma_start3A_51] : memref<16x250x80xi32, #tpu.memory_space<hbm>> -> memref<1x250x80xi32, #tpu.memory_space<hbm>>
      %dma_start3A_53 = tpu.memref_squeeze %dma_start3A_52 : memref<1x250x80xi32, #tpu.memory_space<hbm>> -> memref<250x80xi32, #tpu.memory_space<hbm>>
      %dma_start3A_54 = arith.constant 0 : i32
      %dma_start3A_55 = arith.constant 0 : i32
      %dma_start3A_56 = tpu.memref_slice %arg3[%arg1, %dma_start3A_54, %dma_start3A_55] : memref<16x250x80xi32, #tpu.memory_space<hbm>> -> memref<1x250x80xi32, #tpu.memory_space<hbm>>
      %dma_start3A_57 = tpu.memref_squeeze %dma_start3A_56 : memref<1x250x80xi32, #tpu.memory_space<hbm>> -> memref<250x80xi32, #tpu.memory_space<hbm>>
      tpu.enqueue_dma source(%dma_start3A_57 : memref<250x80xi32, #tpu.memory_space<hbm>>) target(%arg7 : memref<250x80xi32, #tpu.memory_space<vmem>>) target_semaphore(%run_scoped3A : memref<!tpu.dma_semaphore, #tpu.memory_space<semaphore_mem>>)
      %dma_wait3A = arith.constant 0 : i32
      %dma_wait3A_58 = arith.constant 0 : i32
      %dma_wait3A_59 = tpu.memref_slice %arg3[%arg1, %dma_wait3A, %dma_wait3A_58] : memref<16x250x80xi32, #tpu.memory_space<hbm>> -> memref<1x250x80xi32, #tpu.memory_space<hbm>>
      %dma_wait3A_60 = tpu.memref_squeeze %dma_wait3A_59 : memref<1x250x80xi32, #tpu.memory_space<hbm>> -> memref<250x80xi32, #tpu.memory_space<hbm>>
      %dma_wait3A_61 = arith.constant 0 : i32
      %dma_wait3A_62 = arith.constant 0 : i32
      %dma_wait3A_63 = tpu.memref_slice %arg3[%arg1, %dma_wait3A_61, %dma_wait3A_62] : memref<16x250x80xi32, #tpu.memory_space<hbm>> -> memref<1x250x80xi32, #tpu.memory_space<hbm>>
      %dma_wait3A_64 = tpu.memref_squeeze %dma_wait3A_63 : memref<1x250x80xi32, #tpu.memory_space<hbm>> -> memref<250x80xi32, #tpu.memory_space<hbm>>
      tpu.wait_dma2 semaphore(%run_scoped3A : memref<!tpu.dma_semaphore, #tpu.memory_space<semaphore_mem>>) src(%dma_wait3A_64 : memref<250x80xi32, #tpu.memory_space<hbm>>) dst(%arg7 : memref<250x80xi32, #tpu.memory_space<vmem>>)
      tpu.yield
    }) : () -> ()
    "tpu.region"() ({
      %run_scoped3A = tpu.sem_alloc : memref<!tpu.dma_semaphore, #tpu.memory_space<semaphore_mem>>
      %dma_start3A_50 = arith.constant 0 : i32
      %dma_start3A_51 = arith.constant 0 : i32
      %dma_start3A_52 = tpu.memref_slice %arg4[%arg1, %dma_start3A_50, %dma_start3A_51] : memref<16x250x80xi32, #tpu.memory_space<hbm>> -> memref<1x250x80xi32, #tpu.memory_space<hbm>>
      %dma_start3A_53 = tpu.memref_squeeze %dma_start3A_52 : memref<1x250x80xi32, #tpu.memory_space<hbm>> -> memref<250x80xi32, #tpu.memory_space<hbm>>
      %dma_start3A_54 = arith.constant 0 : i32
      %dma_start3A_55 = arith.constant 0 : i32
      %dma_start3A_56 = tpu.memref_slice %arg4[%arg1, %dma_start3A_54, %dma_start3A_55] : memref<16x250x80xi32, #tpu.memory_space<hbm>> -> memref<1x250x80xi32, #tpu.memory_space<hbm>>
      %dma_start3A_57 = tpu.memref_squeeze %dma_start3A_56 : memref<1x250x80xi32, #tpu.memory_space<hbm>> -> memref<250x80xi32, #tpu.memory_space<hbm>>
      tpu.enqueue_dma source(%dma_start3A_57 : memref<250x80xi32, #tpu.memory_space<hbm>>) target(%arg8 : memref<250x80xi32, #tpu.memory_space<vmem>>) target_semaphore(%run_scoped3A : memref<!tpu.dma_semaphore, #tpu.memory_space<semaphore_mem>>)
      %dma_wait3A = arith.constant 0 : i32
      %dma_wait3A_58 = arith.constant 0 : i32
      %dma_wait3A_59 = tpu.memref_slice %arg4[%arg1, %dma_wait3A, %dma_wait3A_58] : memref<16x250x80xi32, #tpu.memory_space<hbm>> -> memref<1x250x80xi32, #tpu.memory_space<hbm>>
      %dma_wait3A_60 = tpu.memref_squeeze %dma_wait3A_59 : memref<1x250x80xi32, #tpu.memory_space<hbm>> -> memref<250x80xi32, #tpu.memory_space<hbm>>
      %dma_wait3A_61 = arith.constant 0 : i32
      %dma_wait3A_62 = arith.constant 0 : i32
      %dma_wait3A_63 = tpu.memref_slice %arg4[%arg1, %dma_wait3A_61, %dma_wait3A_62] : memref<16x250x80xi32, #tpu.memory_space<hbm>> -> memref<1x250x80xi32, #tpu.memory_space<hbm>>
      %dma_wait3A_64 = tpu.memref_squeeze %dma_wait3A_63 : memref<1x250x80xi32, #tpu.memory_space<hbm>> -> memref<250x80xi32, #tpu.memory_space<hbm>>
      tpu.wait_dma2 semaphore(%run_scoped3A : memref<!tpu.dma_semaphore, #tpu.memory_space<semaphore_mem>>) src(%dma_wait3A_64 : memref<250x80xi32, #tpu.memory_space<hbm>>) dst(%arg8 : memref<250x80xi32, #tpu.memory_space<vmem>>)
      tpu.yield
    }) : () -> ()
    %scan3A = arith.constant 0 : i32
    %scan3A_1 = arith.constant 0 : i32
    %scan3A_2 = arith.constant 250 : i32
    %scan3A_3 = arith.addi %scan3A_1, %scan3A_2 : i32
    %scan3A_4 = arith.constant 1 : i32
    scf.for %scan3A_50 = %scan3A_1 to %scan3A_3 step %scan3A_4  : i32 {
      %scan3A_51 = arith.constant 0 : i32
      %scan3A_52 = arith.constant 5 : i32
      %scan3A_53 = arith.addi %scan3A_51, %scan3A_52 : i32
      %scan3A_54 = arith.constant 1 : i32
      scf.for %scan3A_56 = %scan3A_51 to %scan3A_53 step %scan3A_54  : i32 {
        %mul3A_57 = arith.constant 16 : i32
        %mul3A_58 = arith.muli %scan3A_56, %mul3A_57 : i32
        %get3A = arith.index_cast %scan3A_50 : i32 to index
        %get3A_59 = arith.index_cast %mul3A_58 : i32 to index
        %get3A_60 = tpu.vector_load %arg8[%get3A, %get3A_59] {strides = array<i32>} : memref<250x80xi32, #tpu.memory_space<vmem>>, vector<1x16xi32>,
        %get3A_61 = vector.shape_cast %get3A_60 : vector<1x16xi32> to vector<16xi32>
        %sub3A = vector.broadcast %mul3A_0 : i32 to vector<16xi32>
        %sub3A_62 = arith.subi %get3A_61, %sub3A : vector<16xi32>
        %ge3A = arith.constant 0 : i32
        %ge3A_63 = vector.broadcast %ge3A : i32 to vector<16xi32>
        %ge3A_64 = arith.cmpi sge, %sub3A_62, %ge3A_63 : vector<16xi32>
        %lt3A = arith.constant 5120 : i32
        %lt3A_65 = vector.broadcast %lt3A : i32 to vector<16xi32>
        %lt3A_66 = arith.cmpi slt, %sub3A_62, %lt3A_65 : vector<16xi32>
        %and3A = arith.andi %ge3A_64, %lt3A_66 : vector<16xi1>
        %jit3A = arith.constant 5120 : i32
        %broadcast_in_dim3A = vector.broadcast %jit3A : i32 to vector<16xi32>
        %select_n3A = arith.select %and3A, %sub3A_62, %broadcast_in_dim3A : vector<16xi1>, vector<16xi32>
        %mul3A_67 = arith.constant 16 : i32
        %mul3A_68 = arith.muli %scan3A_56, %mul3A_67 : i32
        %swap3A = arith.index_cast %scan3A_50 : i32 to index
        %swap3A_69 = arith.index_cast %mul3A_68 : i32 to index
        %swap3A_70 = tpu.vector_load %arg8[%swap3A, %swap3A_69] {strides = array<i32>} : memref<250x80xi32, #tpu.memory_space<vmem>>, vector<1x16xi32>,
        %swap3A_71 = vector.shape_cast %swap3A_70 : vector<1x16xi32> to vector<16xi32>
        %swap3A_72 = vector.shape_cast %select_n3A : vector<16xi32> to vector<1x16xi32>
        tpu.vector_store %arg8[%swap3A, %swap3A_69], %swap3A_72 {strides = array<i32>} : memref<250x80xi32, #tpu.memory_space<vmem>>, vector<1x16xi32>,
      }
      %scan3A_55 = arith.constant 5 : i32
    }
    %scan3A_5 = arith.constant 250 : i32
    %mul3A_6 = arith.constant 328 : i32
    %mul3A_7 = arith.muli %arg1, %mul3A_6 : i32
    %mul3A_8 = arith.constant 328 : i32
    %mul3A_9 = arith.muli %arg1, %mul3A_8 : i32
    "tpu.region"() ({
      %run_scoped3A = tpu.sem_alloc : memref<!tpu.dma_semaphore, #tpu.memory_space<semaphore_mem>>
      %dma_start3A_50 = arith.constant 0 : i32
      %dma_start3A_51 = tpu.memref_slice %arg10[%mul3A_9, %dma_start3A_50] : memref<5248x128xf32, #tpu.memory_space<vmem_shared>> -> memref<328x128xf32, #tpu.memory_space<vmem_shared>>
      %dma_start3A_52 = arith.constant 0 : i32
      %dma_start3A_53 = tpu.memref_slice %arg5[%mul3A_7, %dma_start3A_52] : memref<5248x128xf32, #tpu.memory_space<hbm>> -> memref<328x128xf32, #tpu.memory_space<hbm>>
      tpu.enqueue_dma source(%dma_start3A_53 : memref<328x128xf32, #tpu.memory_space<hbm>>) target(%dma_start3A_51 : memref<328x128xf32, #tpu.memory_space<vmem_shared>>) target_semaphore(%run_scoped3A : memref<!tpu.dma_semaphore, #tpu.memory_space<semaphore_mem>>)
      %dma_wait3A = arith.constant 0 : i32
      %dma_wait3A_54 = tpu.memref_slice %arg10[%mul3A_9, %dma_wait3A] : memref<5248x128xf32, #tpu.memory_space<vmem_shared>> -> memref<328x128xf32, #tpu.memory_space<vmem_shared>>
      %dma_wait3A_55 = arith.constant 0 : i32
      %dma_wait3A_56 = tpu.memref_slice %arg5[%mul3A_7, %dma_wait3A_55] : memref<5248x128xf32, #tpu.memory_space<hbm>> -> memref<328x128xf32, #tpu.memory_space<hbm>>
      tpu.wait_dma2 semaphore(%run_scoped3A : memref<!tpu.dma_semaphore, #tpu.memory_space<semaphore_mem>>) src(%dma_wait3A_56 : memref<328x128xf32, #tpu.memory_space<hbm>>) dst(%dma_wait3A_54 : memref<328x128xf32, #tpu.memory_space<vmem_shared>>)
      tpu.yield
    }) : () -> ()
    %barrier3A = arith.constant 0 : index
    tpu.barrier barrier_id(%barrier3A)
    %dma_start3A = arith.constant 0 : i32
    %dma_start3A_10 = arith.constant 0 : i32
    %dma_start3A_11 = arith.constant 0 : i32
    %dma_start3A_12 = arith.constant 0 : i32
    %dma_start3A_13 = arith.constant 0 : i32
    %dma_start3A_14 = tpu.memref_slice %arg9[%dma_start3A_10, %dma_start3A_12, %dma_start3A_13] : memref<2x80x128xf32, #tpu.memory_space<vmem>> -> memref<1x80x128xf32, #tpu.memory_space<vmem>>
    %dma_start3A_15 = tpu.memref_squeeze %dma_start3A_14 : memref<1x80x128xf32, #tpu.memory_space<vmem>> -> memref<80x128xf32, #tpu.memory_space<vmem>>
    %dma_start3A_16 = arith.constant 0 : i32
    %dma_start3A_17 = tpu.memref_slice %arg7[%dma_start3A, %dma_start3A_16] : memref<250x80xi32, #tpu.memory_space<vmem>> -> memref<1x80xi32, #tpu.memory_space<vmem>>
    %dma_start3A_18 = tpu.memref_squeeze %dma_start3A_17 : memref<1x80xi32, #tpu.memory_space<vmem>> -> memref<80xi32, #tpu.memory_space<vmem>>
    %dma_start3A_19 = arith.constant 0 : i32
    %dma_start3A_20 = arith.constant 0 : i32
    %dma_start3A_21 = tpu.memref_slice %arg2[%dma_start3A_19, %dma_start3A_20] : memref<10240x128xf32, #tpu.memory_space<hbm>> -> memref<10240x128xf32, #tpu.memory_space<hbm>>
    %dma_start3A_22 = tpu.memref_slice %arg11[%dma_start3A_11] : memref<2x!tpu.dma_semaphore, #tpu.memory_space<semaphore_mem>> -> memref<1x!tpu.dma_semaphore, #tpu.memory_space<semaphore_mem>>
    %dma_start3A_23 = tpu.memref_squeeze %dma_start3A_22 : memref<1x!tpu.dma_semaphore, #tpu.memory_space<semaphore_mem>> -> memref<!tpu.dma_semaphore, #tpu.memory_space<semaphore_mem>>
    tpu.enqueue_indirect_dma source(%dma_start3A_21 : memref<10240x128xf32, #tpu.memory_space<hbm>>) target(%dma_start3A_15 : memref<80x128xf32, #tpu.memory_space<vmem>>) offsets(%dma_start3A_18 : memref<80xi32, #tpu.memory_space<vmem>>) semaphore(%dma_start3A_23 : memref<!tpu.dma_semaphore, #tpu.memory_space<semaphore_mem>>)
    %dma_start3A_24 = arith.constant 1 : i32
    %dma_start3A_25 = arith.constant 1 : i32
    %dma_start3A_26 = arith.constant 1 : i32
    %dma_start3A_27 = arith.constant 0 : i32
    %dma_start3A_28 = arith.constant 0 : i32
    %dma_start3A_29 = tpu.memref_slice %arg9[%dma_start3A_25, %dma_start3A_27, %dma_start3A_28] : memref<2x80x128xf32, #tpu.memory_space<vmem>> -> memref<1x80x128xf32, #tpu.memory_space<vmem>>
    %dma_start3A_30 = tpu.memref_squeeze %dma_start3A_29 : memref<1x80x128xf32, #tpu.memory_space<vmem>> -> memref<80x128xf32, #tpu.memory_space<vmem>>
    %dma_start3A_31 = arith.constant 0 : i32
    %dma_start3A_32 = tpu.memref_slice %arg7[%dma_start3A_24, %dma_start3A_31] : memref<250x80xi32, #tpu.memory_space<vmem>> -> memref<1x80xi32, #tpu.memory_space<vmem>>
    %dma_start3A_33 = tpu.memref_squeeze %dma_start3A_32 : memref<1x80xi32, #tpu.memory_space<vmem>> -> memref<80xi32, #tpu.memory_space<vmem>>
    %dma_start3A_34 = arith.constant 0 : i32
    %dma_start3A_35 = arith.constant 0 : i32
    %dma_start3A_36 = tpu.memref_slice %arg2[%dma_start3A_34, %dma_start3A_35] : memref<10240x128xf32, #tpu.memory_space<hbm>> -> memref<10240x128xf32, #tpu.memory_space<hbm>>
    %dma_start3A_37 = tpu.memref_slice %arg11[%dma_start3A_26] : memref<2x!tpu.dma_semaphore, #tpu.memory_space<semaphore_mem>> -> memref<1x!tpu.dma_semaphore, #tpu.memory_space<semaphore_mem>>
    %dma_start3A_38 = tpu.memref_squeeze %dma_start3A_37 : memref<1x!tpu.dma_semaphore, #tpu.memory_space<semaphore_mem>> -> memref<!tpu.dma_semaphore, #tpu.memory_space<semaphore_mem>>
    tpu.enqueue_indirect_dma source(%dma_start3A_36 : memref<10240x128xf32, #tpu.memory_space<hbm>>) target(%dma_start3A_30 : memref<80x128xf32, #tpu.memory_space<vmem>>) offsets(%dma_start3A_33 : memref<80xi32, #tpu.memory_space<vmem>>) semaphore(%dma_start3A_38 : memref<!tpu.dma_semaphore, #tpu.memory_space<semaphore_mem>>)
    %scan3A_39 = arith.constant 0 : i32
    %scan3A_40 = arith.constant 0 : i32
    %scan3A_41 = arith.constant 125 : i32
    %scan3A_42 = arith.addi %scan3A_40, %scan3A_41 : i32
    %scan3A_43 = arith.constant 1 : i32
    scf.for %scan3A_50 = %scan3A_40 to %scan3A_42 step %scan3A_43  : i32 {
      %mul3A_51 = arith.constant 2 : i32
      %mul3A_52 = arith.muli %scan3A_50, %mul3A_51 : i32
      %add3A_53 = arith.constant 0 : i32
      %add3A_54 = arith.addi %mul3A_52, %add3A_53 : i32
      %dma_wait3A = arith.constant 0 : i32
      %dma_wait3A_55 = arith.constant 0 : i32
      %dma_wait3A_56 = arith.constant 0 : i32
      %dma_wait3A_57 = arith.constant 0 : i32
      %dma_wait3A_58 = tpu.memref_slice %arg9[%dma_wait3A, %dma_wait3A_56, %dma_wait3A_57] : memref<2x80x128xf32, #tpu.memory_space<vmem>> -> memref<1x80x128xf32, #tpu.memory_space<vmem>>
      %dma_wait3A_59 = tpu.memref_squeeze %dma_wait3A_58 : memref<1x80x128xf32, #tpu.memory_space<vmem>> -> memref<80x128xf32, #tpu.memory_space<vmem>>
      %dma_wait3A_60 = arith.constant 0 : i32
      %dma_wait3A_61 = tpu.memref_slice %arg7[%add3A_54, %dma_wait3A_60] : memref<250x80xi32, #tpu.memory_space<vmem>> -> memref<1x80xi32, #tpu.memory_space<vmem>>
      %dma_wait3A_62 = tpu.memref_squeeze %dma_wait3A_61 : memref<1x80xi32, #tpu.memory_space<vmem>> -> memref<80xi32, #tpu.memory_space<vmem>>
      %dma_wait3A_63 = arith.constant 0 : i32
      %dma_wait3A_64 = arith.constant 0 : i32
      %dma_wait3A_65 = tpu.memref_slice %arg2[%dma_wait3A_63, %dma_wait3A_64] : memref<10240x128xf32, #tpu.memory_space<hbm>> -> memref<10240x128xf32, #tpu.memory_space<hbm>>
      %dma_wait3A_66 = tpu.memref_slice %arg11[%dma_wait3A_55] : memref<2x!tpu.dma_semaphore, #tpu.memory_space<semaphore_mem>> -> memref<1x!tpu.dma_semaphore, #tpu.memory_space<semaphore_mem>>
      %dma_wait3A_67 = tpu.memref_squeeze %dma_wait3A_66 : memref<1x!tpu.dma_semaphore, #tpu.memory_space<semaphore_mem>> -> memref<!tpu.dma_semaphore, #tpu.memory_space<semaphore_mem>>
      tpu.wait_indirect_dma semaphore(%dma_wait3A_67 : memref<!tpu.dma_semaphore, #tpu.memory_space<semaphore_mem>>) src(%dma_wait3A_65 : memref<10240x128xf32, #tpu.memory_space<hbm>>) dst(%dma_wait3A_59 : memref<80x128xf32, #tpu.memory_space<vmem>>)
      %dma_start3A_68 = arith.constant 0 : i32
      %dma_start3A_69 = arith.constant 0 : i32
      %dma_start3A_70 = arith.constant 0 : i32
      %dma_start3A_71 = arith.constant 0 : i32
      %dma_start3A_72 = tpu.memref_slice %arg9[%dma_start3A_68, %dma_start3A_70, %dma_start3A_71] : memref<2x80x128xf32, #tpu.memory_space<vmem>> -> memref<1x80x128xf32, #tpu.memory_space<vmem>>
      %dma_start3A_73 = tpu.memref_squeeze %dma_start3A_72 : memref<1x80x128xf32, #tpu.memory_space<vmem>> -> memref<80x128xf32, #tpu.memory_space<vmem>>
      %dma_start3A_74 = arith.constant 0 : i32
      %dma_start3A_75 = tpu.memref_slice %arg8[%add3A_54, %dma_start3A_74] : memref<250x80xi32, #tpu.memory_space<vmem>> -> memref<1x80xi32, #tpu.memory_space<vmem>>
      %dma_start3A_76 = tpu.memref_squeeze %dma_start3A_75 : memref<1x80xi32, #tpu.memory_space<vmem>> -> memref<80xi32, #tpu.memory_space<vmem>>
      %dma_start3A_77 = arith.constant 0 : i32
      %dma_start3A_78 = arith.constant 0 : i32
      %dma_start3A_79 = tpu.memref_slice %arg10[%dma_start3A_77, %dma_start3A_78] : memref<5248x128xf32, #tpu.memory_space<vmem_shared>> -> memref<5248x128xf32, #tpu.memory_space<vmem_shared>>
      %dma_start3A_80 = tpu.memref_slice %arg12[%dma_start3A_69] : memref<2x!tpu.dma_semaphore, #tpu.memory_space<semaphore_mem>> -> memref<1x!tpu.dma_semaphore, #tpu.memory_space<semaphore_mem>>
      %dma_start3A_81 = tpu.memref_squeeze %dma_start3A_80 : memref<1x!tpu.dma_semaphore, #tpu.memory_space<semaphore_mem>> -> memref<!tpu.dma_semaphore, #tpu.memory_space<semaphore_mem>>
      tpu.enqueue_indirect_dma source(%dma_start3A_73 : memref<80x128xf32, #tpu.memory_space<vmem>>) target(%dma_start3A_79 : memref<5248x128xf32, #tpu.memory_space<vmem_shared>>) offsets(%dma_start3A_76 : memref<80xi32, #tpu.memory_space<vmem>>) semaphore(%dma_start3A_81 : memref<!tpu.dma_semaphore, #tpu.memory_space<semaphore_mem>>) {add = true}
      %dma_wait3A_82 = arith.constant 0 : i32
      %dma_wait3A_83 = arith.constant 0 : i32
      %dma_wait3A_84 = arith.constant 0 : i32
      %dma_wait3A_85 = arith.constant 0 : i32
      %dma_wait3A_86 = tpu.memref_slice %arg9[%dma_wait3A_82, %dma_wait3A_84, %dma_wait3A_85] : memref<2x80x128xf32, #tpu.memory_space<vmem>> -> memref<1x80x128xf32, #tpu.memory_space<vmem>>
      %dma_wait3A_87 = tpu.memref_squeeze %dma_wait3A_86 : memref<1x80x128xf32, #tpu.memory_space<vmem>> -> memref<80x128xf32, #tpu.memory_space<vmem>>
      %dma_wait3A_88 = arith.constant 0 : i32
      %dma_wait3A_89 = tpu.memref_slice %arg8[%add3A_54, %dma_wait3A_88] : memref<250x80xi32, #tpu.memory_space<vmem>> -> memref<1x80xi32, #tpu.memory_space<vmem>>
      %dma_wait3A_90 = tpu.memref_squeeze %dma_wait3A_89 : memref<1x80xi32, #tpu.memory_space<vmem>> -> memref<80xi32, #tpu.memory_space<vmem>>
      %dma_wait3A_91 = arith.constant 0 : i32
      %dma_wait3A_92 = arith.constant 0 : i32
      %dma_wait3A_93 = tpu.memref_slice %arg10[%dma_wait3A_91, %dma_wait3A_92] : memref<5248x128xf32, #tpu.memory_space<vmem_shared>> -> memref<5248x128xf32, #tpu.memory_space<vmem_shared>>
      %dma_wait3A_94 = tpu.memref_slice %arg12[%dma_wait3A_83] : memref<2x!tpu.dma_semaphore, #tpu.memory_space<semaphore_mem>> -> memref<1x!tpu.dma_semaphore, #tpu.memory_space<semaphore_mem>>
      %dma_wait3A_95 = tpu.memref_squeeze %dma_wait3A_94 : memref<1x!tpu.dma_semaphore, #tpu.memory_space<semaphore_mem>> -> memref<!tpu.dma_semaphore, #tpu.memory_space<semaphore_mem>>
      tpu.wait_indirect_dma semaphore(%dma_wait3A_95 : memref<!tpu.dma_semaphore, #tpu.memory_space<semaphore_mem>>) src(%dma_wait3A_87 : memref<80x128xf32, #tpu.memory_space<vmem>>) dst(%dma_wait3A_93 : memref<5248x128xf32, #tpu.memory_space<vmem_shared>>)
      %add3A_96 = arith.constant 2 : i32
      %add3A_97 = arith.addi %add3A_54, %add3A_96 : i32
      %lt3A = arith.constant 250 : i32
      %lt3A_98 = arith.cmpi slt, %add3A_97, %lt3A : i32
      %convert_element_type3A = arith.extui %lt3A_98 : i1 to i32
      %cond3A = arith.constant 0 : i32
      %cond3A_99 = arith.cmpi ne, %convert_element_type3A, %cond3A : i32
      scf.if %cond3A_99 {
        %add3A_153 = arith.constant 2 : i32
        %add3A_154 = arith.addi %add3A_54, %add3A_153 : i32
        %dma_start3A_155 = arith.constant 0 : i32
        %dma_start3A_156 = arith.constant 0 : i32
        %dma_start3A_157 = arith.constant 0 : i32
        %dma_start3A_158 = arith.constant 0 : i32
        %dma_start3A_159 = tpu.memref_slice %arg9[%dma_start3A_155, %dma_start3A_157, %dma_start3A_158] : memref<2x80x128xf32, #tpu.memory_space<vmem>> -> memref<1x80x128xf32, #tpu.memory_space<vmem>>
        %dma_start3A_160 = tpu.memref_squeeze %dma_start3A_159 : memref<1x80x128xf32, #tpu.memory_space<vmem>> -> memref<80x128xf32, #tpu.memory_space<vmem>>
        %dma_start3A_161 = arith.constant 0 : i32
        %dma_start3A_162 = tpu.memref_slice %arg7[%add3A_154, %dma_start3A_161] : memref<250x80xi32, #tpu.memory_space<vmem>> -> memref<1x80xi32, #tpu.memory_space<vmem>>
        %dma_start3A_163 = tpu.memref_squeeze %dma_start3A_162 : memref<1x80xi32, #tpu.memory_space<vmem>> -> memref<80xi32, #tpu.memory_space<vmem>>
        %dma_start3A_164 = arith.constant 0 : i32
        %dma_start3A_165 = arith.constant 0 : i32
        %dma_start3A_166 = tpu.memref_slice %arg2[%dma_start3A_164, %dma_start3A_165] : memref<10240x128xf32, #tpu.memory_space<hbm>> -> memref<10240x128xf32, #tpu.memory_space<hbm>>
        %dma_start3A_167 = tpu.memref_slice %arg11[%dma_start3A_156] : memref<2x!tpu.dma_semaphore, #tpu.memory_space<semaphore_mem>> -> memref<1x!tpu.dma_semaphore, #tpu.memory_space<semaphore_mem>>
        %dma_start3A_168 = tpu.memref_squeeze %dma_start3A_167 : memref<1x!tpu.dma_semaphore, #tpu.memory_space<semaphore_mem>> -> memref<!tpu.dma_semaphore, #tpu.memory_space<semaphore_mem>>
        tpu.enqueue_indirect_dma source(%dma_start3A_166 : memref<10240x128xf32, #tpu.memory_space<hbm>>) target(%dma_start3A_160 : memref<80x128xf32, #tpu.memory_space<vmem>>) offsets(%dma_start3A_163 : memref<80xi32, #tpu.memory_space<vmem>>) semaphore(%dma_start3A_168 : memref<!tpu.dma_semaphore, #tpu.memory_space<semaphore_mem>>)
      } else {
      }
      %mul3A_100 = arith.constant 2 : i32
      %mul3A_101 = arith.muli %scan3A_50, %mul3A_100 : i32
      %add3A_102 = arith.constant 1 : i32
      %add3A_103 = arith.addi %mul3A_101, %add3A_102 : i32
      %dma_wait3A_104 = arith.constant 1 : i32
      %dma_wait3A_105 = arith.constant 1 : i32
      %dma_wait3A_106 = arith.constant 0 : i32
      %dma_wait3A_107 = arith.constant 0 : i32
      %dma_wait3A_108 = tpu.memref_slice %arg9[%dma_wait3A_104, %dma_wait3A_106, %dma_wait3A_107] : memref<2x80x128xf32, #tpu.memory_space<vmem>> -> memref<1x80x128xf32, #tpu.memory_space<vmem>>
      %dma_wait3A_109 = tpu.memref_squeeze %dma_wait3A_108 : memref<1x80x128xf32, #tpu.memory_space<vmem>> -> memref<80x128xf32, #tpu.memory_space<vmem>>
      %dma_wait3A_110 = arith.constant 0 : i32
      %dma_wait3A_111 = tpu.memref_slice %arg7[%add3A_103, %dma_wait3A_110] : memref<250x80xi32, #tpu.memory_space<vmem>> -> memref<1x80xi32, #tpu.memory_space<vmem>>
      %dma_wait3A_112 = tpu.memref_squeeze %dma_wait3A_111 : memref<1x80xi32, #tpu.memory_space<vmem>> -> memref<80xi32, #tpu.memory_space<vmem>>
      %dma_wait3A_113 = arith.constant 0 : i32
      %dma_wait3A_114 = arith.constant 0 : i32
      %dma_wait3A_115 = tpu.memref_slice %arg2[%dma_wait3A_113, %dma_wait3A_114] : memref<10240x128xf32, #tpu.memory_space<hbm>> -> memref<10240x128xf32, #tpu.memory_space<hbm>>
      %dma_wait3A_116 = tpu.memref_slice %arg11[%dma_wait3A_105] : memref<2x!tpu.dma_semaphore, #tpu.memory_space<semaphore_mem>> -> memref<1x!tpu.dma_semaphore, #tpu.memory_space<semaphore_mem>>
      %dma_wait3A_117 = tpu.memref_squeeze %dma_wait3A_116 : memref<1x!tpu.dma_semaphore, #tpu.memory_space<semaphore_mem>> -> memref<!tpu.dma_semaphore, #tpu.memory_space<semaphore_mem>>
      tpu.wait_indirect_dma semaphore(%dma_wait3A_117 : memref<!tpu.dma_semaphore, #tpu.memory_space<semaphore_mem>>) src(%dma_wait3A_115 : memref<10240x128xf32, #tpu.memory_space<hbm>>) dst(%dma_wait3A_109 : memref<80x128xf32, #tpu.memory_space<vmem>>)
      %dma_start3A_118 = arith.constant 1 : i32
      %dma_start3A_119 = arith.constant 1 : i32
      %dma_start3A_120 = arith.constant 0 : i32
      %dma_start3A_121 = arith.constant 0 : i32
      %dma_start3A_122 = tpu.memref_slice %arg9[%dma_start3A_118, %dma_start3A_120, %dma_start3A_121] : memref<2x80x128xf32, #tpu.memory_space<vmem>> -> memref<1x80x128xf32, #tpu.memory_space<vmem>>
      %dma_start3A_123 = tpu.memref_squeeze %dma_start3A_122 : memref<1x80x128xf32, #tpu.memory_space<vmem>> -> memref<80x128xf32, #tpu.memory_space<vmem>>
      %dma_start3A_124 = arith.constant 0 : i32
      %dma_start3A_125 = tpu.memref_slice %arg8[%add3A_103, %dma_start3A_124] : memref<250x80xi32, #tpu.memory_space<vmem>> -> memref<1x80xi32, #tpu.memory_space<vmem>>
      %dma_start3A_126 = tpu.memref_squeeze %dma_start3A_125 : memref<1x80xi32, #tpu.memory_space<vmem>> -> memref<80xi32, #tpu.memory_space<vmem>>
      %dma_start3A_127 = arith.constant 0 : i32
      %dma_start3A_128 = arith.constant 0 : i32
      %dma_start3A_129 = tpu.memref_slice %arg10[%dma_start3A_127, %dma_start3A_128] : memref<5248x128xf32, #tpu.memory_space<vmem_shared>> -> memref<5248x128xf32, #tpu.memory_space<vmem_shared>>
      %dma_start3A_130 = tpu.memref_slice %arg12[%dma_start3A_119] : memref<2x!tpu.dma_semaphore, #tpu.memory_space<semaphore_mem>> -> memref<1x!tpu.dma_semaphore, #tpu.memory_space<semaphore_mem>>
      %dma_start3A_131 = tpu.memref_squeeze %dma_start3A_130 : memref<1x!tpu.dma_semaphore, #tpu.memory_space<semaphore_mem>> -> memref<!tpu.dma_semaphore, #tpu.memory_space<semaphore_mem>>
      tpu.enqueue_indirect_dma source(%dma_start3A_123 : memref<80x128xf32, #tpu.memory_space<vmem>>) target(%dma_start3A_129 : memref<5248x128xf32, #tpu.memory_space<vmem_shared>>) offsets(%dma_start3A_126 : memref<80xi32, #tpu.memory_space<vmem>>) semaphore(%dma_start3A_131 : memref<!tpu.dma_semaphore, #tpu.memory_space<semaphore_mem>>) {add = true}
      %dma_wait3A_132 = arith.constant 1 : i32
      %dma_wait3A_133 = arith.constant 1 : i32
      %dma_wait3A_134 = arith.constant 0 : i32
      %dma_wait3A_135 = arith.constant 0 : i32
      %dma_wait3A_136 = tpu.memref_slice %arg9[%dma_wait3A_132, %dma_wait3A_134, %dma_wait3A_135] : memref<2x80x128xf32, #tpu.memory_space<vmem>> -> memref<1x80x128xf32, #tpu.memory_space<vmem>>
      %dma_wait3A_137 = tpu.memref_squeeze %dma_wait3A_136 : memref<1x80x128xf32, #tpu.memory_space<vmem>> -> memref<80x128xf32, #tpu.memory_space<vmem>>
      %dma_wait3A_138 = arith.constant 0 : i32
      %dma_wait3A_139 = tpu.memref_slice %arg8[%add3A_103, %dma_wait3A_138] : memref<250x80xi32, #tpu.memory_space<vmem>> -> memref<1x80xi32, #tpu.memory_space<vmem>>
      %dma_wait3A_140 = tpu.memref_squeeze %dma_wait3A_139 : memref<1x80xi32, #tpu.memory_space<vmem>> -> memref<80xi32, #tpu.memory_space<vmem>>
      %dma_wait3A_141 = arith.constant 0 : i32
      %dma_wait3A_142 = arith.constant 0 : i32
      %dma_wait3A_143 = tpu.memref_slice %arg10[%dma_wait3A_141, %dma_wait3A_142] : memref<5248x128xf32, #tpu.memory_space<vmem_shared>> -> memref<5248x128xf32, #tpu.memory_space<vmem_shared>>
      %dma_wait3A_144 = tpu.memref_slice %arg12[%dma_wait3A_133] : memref<2x!tpu.dma_semaphore, #tpu.memory_space<semaphore_mem>> -> memref<1x!tpu.dma_semaphore, #tpu.memory_space<semaphore_mem>>
      %dma_wait3A_145 = tpu.memref_squeeze %dma_wait3A_144 : memref<1x!tpu.dma_semaphore, #tpu.memory_space<semaphore_mem>> -> memref<!tpu.dma_semaphore, #tpu.memory_space<semaphore_mem>>
      tpu.wait_indirect_dma semaphore(%dma_wait3A_145 : memref<!tpu.dma_semaphore, #tpu.memory_space<semaphore_mem>>) src(%dma_wait3A_137 : memref<80x128xf32, #tpu.memory_space<vmem>>) dst(%dma_wait3A_143 : memref<5248x128xf32, #tpu.memory_space<vmem_shared>>)
      %add3A_146 = arith.constant 2 : i32
      %add3A_147 = arith.addi %add3A_103, %add3A_146 : i32
      %lt3A_148 = arith.constant 250 : i32
      %lt3A_149 = arith.cmpi slt, %add3A_147, %lt3A_148 : i32
      %convert_element_type3A_150 = arith.extui %lt3A_149 : i1 to i32
      %cond3A_151 = arith.constant 0 : i32
      %cond3A_152 = arith.cmpi ne, %convert_element_type3A_150, %cond3A_151 : i32
      scf.if %cond3A_152 {
        %add3A_153 = arith.constant 2 : i32
        %add3A_154 = arith.addi %add3A_103, %add3A_153 : i32
        %dma_start3A_155 = arith.constant 1 : i32
        %dma_start3A_156 = arith.constant 1 : i32
        %dma_start3A_157 = arith.constant 0 : i32
        %dma_start3A_158 = arith.constant 0 : i32
        %dma_start3A_159 = tpu.memref_slice %arg9[%dma_start3A_155, %dma_start3A_157, %dma_start3A_158] : memref<2x80x128xf32, #tpu.memory_space<vmem>> -> memref<1x80x128xf32, #tpu.memory_space<vmem>>
        %dma_start3A_160 = tpu.memref_squeeze %dma_start3A_159 : memref<1x80x128xf32, #tpu.memory_space<vmem>> -> memref<80x128xf32, #tpu.memory_space<vmem>>
        %dma_start3A_161 = arith.constant 0 : i32
        %dma_start3A_162 = tpu.memref_slice %arg7[%add3A_154, %dma_start3A_161] : memref<250x80xi32, #tpu.memory_space<vmem>> -> memref<1x80xi32, #tpu.memory_space<vmem>>
        %dma_start3A_163 = tpu.memref_squeeze %dma_start3A_162 : memref<1x80xi32, #tpu.memory_space<vmem>> -> memref<80xi32, #tpu.memory_space<vmem>>
        %dma_start3A_164 = arith.constant 0 : i32
        %dma_start3A_165 = arith.constant 0 : i32
        %dma_start3A_166 = tpu.memref_slice %arg2[%dma_start3A_164, %dma_start3A_165] : memref<10240x128xf32, #tpu.memory_space<hbm>> -> memref<10240x128xf32, #tpu.memory_space<hbm>>
        %dma_start3A_167 = tpu.memref_slice %arg11[%dma_start3A_156] : memref<2x!tpu.dma_semaphore, #tpu.memory_space<semaphore_mem>> -> memref<1x!tpu.dma_semaphore, #tpu.memory_space<semaphore_mem>>
        %dma_start3A_168 = tpu.memref_squeeze %dma_start3A_167 : memref<1x!tpu.dma_semaphore, #tpu.memory_space<semaphore_mem>> -> memref<!tpu.dma_semaphore, #tpu.memory_space<semaphore_mem>>
        tpu.enqueue_indirect_dma source(%dma_start3A_166 : memref<10240x128xf32, #tpu.memory_space<hbm>>) target(%dma_start3A_160 : memref<80x128xf32, #tpu.memory_space<vmem>>) offsets(%dma_start3A_163 : memref<80xi32, #tpu.memory_space<vmem>>) semaphore(%dma_start3A_168 : memref<!tpu.dma_semaphore, #tpu.memory_space<semaphore_mem>>)
      } else {
      }
    }
    %scan3A_44 = arith.constant 125 : i32
    %barrier3A_45 = arith.constant 0 : index
    tpu.barrier barrier_id(%barrier3A_45)
    %mul3A_46 = arith.constant 320 : i32
    %mul3A_47 = arith.muli %arg1, %mul3A_46 : i32
    %mul3A_48 = arith.constant 320 : i32
    %mul3A_49 = arith.muli %arg1, %mul3A_48 : i32
    %add3A = arith.addi %mul3A_0, %mul3A_49 : i32
    "tpu.region"() ({
      %run_scoped3A = tpu.sem_alloc : memref<!tpu.dma_semaphore, #tpu.memory_space<semaphore_mem>>
      %dma_start3A_50 = arith.constant 0 : i32
      %dma_start3A_51 = tpu.memref_slice %arg6[%add3A, %dma_start3A_50] : memref<10240x128xf32, #tpu.memory_space<hbm>> -> memref<320x128xf32, #tpu.memory_space<hbm>>
      %dma_start3A_52 = arith.constant 0 : i32
      %dma_start3A_53 = tpu.memref_slice %arg10[%mul3A_47, %dma_start3A_52] : memref<5248x128xf32, #tpu.memory_space<vmem_shared>> -> memref<320x128xf32, #tpu.memory_space<vmem_shared>>
      tpu.enqueue_dma source(%dma_start3A_53 : memref<320x128xf32, #tpu.memory_space<vmem_shared>>) target(%dma_start3A_51 : memref<320x128xf32, #tpu.memory_space<hbm>>) target_semaphore(%run_scoped3A : memref<!tpu.dma_semaphore, #tpu.memory_space<semaphore_mem>>)
      %dma_wait3A = arith.constant 0 : i32
      %dma_wait3A_54 = tpu.memref_slice %arg6[%add3A, %dma_wait3A] : memref<10240x128xf32, #tpu.memory_space<hbm>> -> memref<320x128xf32, #tpu.memory_space<hbm>>
      %dma_wait3A_55 = arith.constant 0 : i32
      %dma_wait3A_56 = tpu.memref_slice %arg10[%mul3A_47, %dma_wait3A_55] : memref<5248x128xf32, #tpu.memory_space<vmem_shared>> -> memref<320x128xf32, #tpu.memory_space<vmem_shared>>
      tpu.wait_dma2 semaphore(%run_scoped3A : memref<!tpu.dma_semaphore, #tpu.memory_space<semaphore_mem>>) src(%dma_wait3A_56 : memref<320x128xf32, #tpu.memory_space<vmem_shared>>) dst(%dma_wait3A_54 : memref<320x128xf32, #tpu.memory_space<hbm>>)
      tpu.yield
    }) : () -> ()
    return
  }
}

#map = affine_map<(d0, d1) -> (0, 0)>
#map1 = affine_map<(d0, d1) -> (0, 0, 0)>
module attributes {stable_mosaic.version = 14 : i64} {
  func.func @_edge_body(%arg0: i32, %arg1: i32, %arg2: memref<10240x128xf32, #tpu.memory_space<hbm>>, %arg3: memref<16x250x80xi32, #tpu.memory_space<hbm>>, %arg4: memref<16x250x80xi32, #tpu.memory_space<hbm>>, %arg5: memref<5248x128xf32, #tpu.memory_space<hbm>>, %arg6: memref<10240x128xf32, #tpu.memory_space<hbm>>, %arg7: memref<250x80xi32, #tpu.memory_space<vmem>>, %arg8: memref<250x80xi32, #tpu.memory_space<vmem>>, %arg9: memref<2x80x128xf32, #tpu.memory_space<vmem>>, %arg10: memref<5248x128xf32, #tpu.memory_space<vmem_shared>>, %arg11: memref<2x!tpu.dma_semaphore, #tpu.memory_space<semaphore_mem>>, %arg12: memref<2x!tpu.dma_semaphore, #tpu.memory_space<semaphore_mem>>) attributes {dimension_semantics = [#tpu.dimension_semantics<core_parallel>, #tpu.dimension_semantics<subcore_parallel>], iteration_bounds = array<i64: 2, 16>, scalar_prefetch = 0 : i64, scratch_operands = 6 : i64, tpu.core_type = #tpu.core_type<sc_vector_subcore>, window_params = [{transform_indices = #map}, {transform_indices = #map1}, {transform_indices = #map1}, {transform_indices = #map}, {transform_indices = #map}]} {
    %mul3A = arith.constant 5120 : i32
    %mul3A_0 = arith.muli %arg0, %mul3A : i32
    "tpu.region"() ({
      %run_scoped3A = tpu.sem_alloc : memref<!tpu.dma_semaphore, #tpu.memory_space<semaphore_mem>>
      %dma_start3A_50 = arith.constant 0 : i32
      %dma_start3A_51 = arith.constant 0 : i32
      %dma_start3A_52 = tpu.memref_slice %arg3[%arg1, %dma_start3A_50, %dma_start3A_51] : memref<16x250x80xi32, #tpu.memory_space<hbm>> -> memref<1x250x80xi32, #tpu.memory_space<hbm>>
      %dma_start3A_53 = tpu.memref_squeeze %dma_start3A_52 : memref<1x250x80xi32, #tpu.memory_space<hbm>> -> memref<250x80xi32, #tpu.memory_space<hbm>>
      %dma_start3A_54 = arith.constant 0 : i32
      %dma_start3A_55 = arith.constant 0 : i32
      %dma_start3A_56 = tpu.memref_slice %arg3[%arg1, %dma_start3A_54, %dma_start3A_55] : memref<16x250x80xi32, #tpu.memory_space<hbm>> -> memref<1x250x80xi32, #tpu.memory_space<hbm>>
      %dma_start3A_57 = tpu.memref_squeeze %dma_start3A_56 : memref<1x250x80xi32, #tpu.memory_space<hbm>> -> memref<250x80xi32, #tpu.memory_space<hbm>>
      tpu.enqueue_dma source(%dma_start3A_57 : memref<250x80xi32, #tpu.memory_space<hbm>>) target(%arg7 : memref<250x80xi32, #tpu.memory_space<vmem>>) target_semaphore(%run_scoped3A : memref<!tpu.dma_semaphore, #tpu.memory_space<semaphore_mem>>)
      %dma_wait3A = arith.constant 0 : i32
      %dma_wait3A_58 = arith.constant 0 : i32
      %dma_wait3A_59 = tpu.memref_slice %arg3[%arg1, %dma_wait3A, %dma_wait3A_58] : memref<16x250x80xi32, #tpu.memory_space<hbm>> -> memref<1x250x80xi32, #tpu.memory_space<hbm>>
      %dma_wait3A_60 = tpu.memref_squeeze %dma_wait3A_59 : memref<1x250x80xi32, #tpu.memory_space<hbm>> -> memref<250x80xi32, #tpu.memory_space<hbm>>
      %dma_wait3A_61 = arith.constant 0 : i32
      %dma_wait3A_62 = arith.constant 0 : i32
      %dma_wait3A_63 = tpu.memref_slice %arg3[%arg1, %dma_wait3A_61, %dma_wait3A_62] : memref<16x250x80xi32, #tpu.memory_space<hbm>> -> memref<1x250x80xi32, #tpu.memory_space<hbm>>
      %dma_wait3A_64 = tpu.memref_squeeze %dma_wait3A_63 : memref<1x250x80xi32, #tpu.memory_space<hbm>> -> memref<250x80xi32, #tpu.memory_space<hbm>>
      tpu.wait_dma2 semaphore(%run_scoped3A : memref<!tpu.dma_semaphore, #tpu.memory_space<semaphore_mem>>) src(%dma_wait3A_64 : memref<250x80xi32, #tpu.memory_space<hbm>>) dst(%arg7 : memref<250x80xi32, #tpu.memory_space<vmem>>)
      tpu.yield
    }) : () -> ()
    "tpu.region"() ({
      %run_scoped3A = tpu.sem_alloc : memref<!tpu.dma_semaphore, #tpu.memory_space<semaphore_mem>>
      %dma_start3A_50 = arith.constant 0 : i32
      %dma_start3A_51 = arith.constant 0 : i32
      %dma_start3A_52 = tpu.memref_slice %arg4[%arg1, %dma_start3A_50, %dma_start3A_51] : memref<16x250x80xi32, #tpu.memory_space<hbm>> -> memref<1x250x80xi32, #tpu.memory_space<hbm>>
      %dma_start3A_53 = tpu.memref_squeeze %dma_start3A_52 : memref<1x250x80xi32, #tpu.memory_space<hbm>> -> memref<250x80xi32, #tpu.memory_space<hbm>>
      %dma_start3A_54 = arith.constant 0 : i32
      %dma_start3A_55 = arith.constant 0 : i32
      %dma_start3A_56 = tpu.memref_slice %arg4[%arg1, %dma_start3A_54, %dma_start3A_55] : memref<16x250x80xi32, #tpu.memory_space<hbm>> -> memref<1x250x80xi32, #tpu.memory_space<hbm>>
      %dma_start3A_57 = tpu.memref_squeeze %dma_start3A_56 : memref<1x250x80xi32, #tpu.memory_space<hbm>> -> memref<250x80xi32, #tpu.memory_space<hbm>>
      tpu.enqueue_dma source(%dma_start3A_57 : memref<250x80xi32, #tpu.memory_space<hbm>>) target(%arg8 : memref<250x80xi32, #tpu.memory_space<vmem>>) target_semaphore(%run_scoped3A : memref<!tpu.dma_semaphore, #tpu.memory_space<semaphore_mem>>)
      %dma_wait3A = arith.constant 0 : i32
      %dma_wait3A_58 = arith.constant 0 : i32
      %dma_wait3A_59 = tpu.memref_slice %arg4[%arg1, %dma_wait3A, %dma_wait3A_58] : memref<16x250x80xi32, #tpu.memory_space<hbm>> -> memref<1x250x80xi32, #tpu.memory_space<hbm>>
      %dma_wait3A_60 = tpu.memref_squeeze %dma_wait3A_59 : memref<1x250x80xi32, #tpu.memory_space<hbm>> -> memref<250x80xi32, #tpu.memory_space<hbm>>
      %dma_wait3A_61 = arith.constant 0 : i32
      %dma_wait3A_62 = arith.constant 0 : i32
      %dma_wait3A_63 = tpu.memref_slice %arg4[%arg1, %dma_wait3A_61, %dma_wait3A_62] : memref<16x250x80xi32, #tpu.memory_space<hbm>> -> memref<1x250x80xi32, #tpu.memory_space<hbm>>
      %dma_wait3A_64 = tpu.memref_squeeze %dma_wait3A_63 : memref<1x250x80xi32, #tpu.memory_space<hbm>> -> memref<250x80xi32, #tpu.memory_space<hbm>>
      tpu.wait_dma2 semaphore(%run_scoped3A : memref<!tpu.dma_semaphore, #tpu.memory_space<semaphore_mem>>) src(%dma_wait3A_64 : memref<250x80xi32, #tpu.memory_space<hbm>>) dst(%arg8 : memref<250x80xi32, #tpu.memory_space<vmem>>)
      tpu.yield
    }) : () -> ()
    %scan3A = arith.constant 0 : i32
    %scan3A_1 = arith.constant 0 : i32
    %scan3A_2 = arith.constant 250 : i32
    %scan3A_3 = arith.addi %scan3A_1, %scan3A_2 : i32
    %scan3A_4 = arith.constant 1 : i32
    scf.for %scan3A_50 = %scan3A_1 to %scan3A_3 step %scan3A_4  : i32 {
      %scan3A_51 = arith.constant 0 : i32
      %scan3A_52 = arith.constant 5 : i32
      %scan3A_53 = arith.addi %scan3A_51, %scan3A_52 : i32
      %scan3A_54 = arith.constant 1 : i32
      scf.for %scan3A_56 = %scan3A_51 to %scan3A_53 step %scan3A_54  : i32 {
        %mul3A_57 = arith.constant 16 : i32
        %mul3A_58 = arith.muli %scan3A_56, %mul3A_57 : i32
        %get3A = arith.index_cast %scan3A_50 : i32 to index
        %get3A_59 = arith.index_cast %mul3A_58 : i32 to index
        %get3A_60 = tpu.vector_load %arg8[%get3A, %get3A_59] {strides = array<i32>} : memref<250x80xi32, #tpu.memory_space<vmem>>, vector<1x16xi32>,
        %get3A_61 = vector.shape_cast %get3A_60 : vector<1x16xi32> to vector<16xi32>
        %sub3A = vector.broadcast %mul3A_0 : i32 to vector<16xi32>
        %sub3A_62 = arith.subi %get3A_61, %sub3A : vector<16xi32>
        %ge3A = arith.constant 0 : i32
        %ge3A_63 = vector.broadcast %ge3A : i32 to vector<16xi32>
        %ge3A_64 = arith.cmpi sge, %sub3A_62, %ge3A_63 : vector<16xi32>
        %lt3A = arith.constant 5120 : i32
        %lt3A_65 = vector.broadcast %lt3A : i32 to vector<16xi32>
        %lt3A_66 = arith.cmpi slt, %sub3A_62, %lt3A_65 : vector<16xi32>
        %and3A = arith.andi %ge3A_64, %lt3A_66 : vector<16xi1>
        %jit3A = arith.constant 5120 : i32
        %broadcast_in_dim3A = vector.broadcast %jit3A : i32 to vector<16xi32>
        %select_n3A = arith.select %and3A, %sub3A_62, %broadcast_in_dim3A : vector<16xi1>, vector<16xi32>
        %mul3A_67 = arith.constant 16 : i32
        %mul3A_68 = arith.muli %scan3A_56, %mul3A_67 : i32
        %swap3A = arith.index_cast %scan3A_50 : i32 to index
        %swap3A_69 = arith.index_cast %mul3A_68 : i32 to index
        %swap3A_70 = tpu.vector_load %arg8[%swap3A, %swap3A_69] {strides = array<i32>} : memref<250x80xi32, #tpu.memory_space<vmem>>, vector<1x16xi32>,
        %swap3A_71 = vector.shape_cast %swap3A_70 : vector<1x16xi32> to vector<16xi32>
        %swap3A_72 = vector.shape_cast %select_n3A : vector<16xi32> to vector<1x16xi32>
        tpu.vector_store %arg8[%swap3A, %swap3A_69], %swap3A_72 {strides = array<i32>} : memref<250x80xi32, #tpu.memory_space<vmem>>, vector<1x16xi32>,
      }
      %scan3A_55 = arith.constant 5 : i32
    }
    %scan3A_5 = arith.constant 250 : i32
    %mul3A_6 = arith.constant 328 : i32
    %mul3A_7 = arith.muli %arg1, %mul3A_6 : i32
    %mul3A_8 = arith.constant 328 : i32
    %mul3A_9 = arith.muli %arg1, %mul3A_8 : i32
    "tpu.region"() ({
      %run_scoped3A = tpu.sem_alloc : memref<!tpu.dma_semaphore, #tpu.memory_space<semaphore_mem>>
      %dma_start3A_50 = arith.constant 0 : i32
      %dma_start3A_51 = tpu.memref_slice %arg10[%mul3A_9, %dma_start3A_50] : memref<5248x128xf32, #tpu.memory_space<vmem_shared>> -> memref<328x128xf32, #tpu.memory_space<vmem_shared>>
      %dma_start3A_52 = arith.constant 0 : i32
      %dma_start3A_53 = tpu.memref_slice %arg5[%mul3A_7, %dma_start3A_52] : memref<5248x128xf32, #tpu.memory_space<hbm>> -> memref<328x128xf32, #tpu.memory_space<hbm>>
      tpu.enqueue_dma source(%dma_start3A_53 : memref<328x128xf32, #tpu.memory_space<hbm>>) target(%dma_start3A_51 : memref<328x128xf32, #tpu.memory_space<vmem_shared>>) target_semaphore(%run_scoped3A : memref<!tpu.dma_semaphore, #tpu.memory_space<semaphore_mem>>)
      %dma_wait3A = arith.constant 0 : i32
      %dma_wait3A_54 = tpu.memref_slice %arg10[%mul3A_9, %dma_wait3A] : memref<5248x128xf32, #tpu.memory_space<vmem_shared>> -> memref<328x128xf32, #tpu.memory_space<vmem_shared>>
      %dma_wait3A_55 = arith.constant 0 : i32
      %dma_wait3A_56 = tpu.memref_slice %arg5[%mul3A_7, %dma_wait3A_55] : memref<5248x128xf32, #tpu.memory_space<hbm>> -> memref<328x128xf32, #tpu.memory_space<hbm>>
      tpu.wait_dma2 semaphore(%run_scoped3A : memref<!tpu.dma_semaphore, #tpu.memory_space<semaphore_mem>>) src(%dma_wait3A_56 : memref<328x128xf32, #tpu.memory_space<hbm>>) dst(%dma_wait3A_54 : memref<328x128xf32, #tpu.memory_space<vmem_shared>>)
      tpu.yield
    }) : () -> ()
    %barrier3A = arith.constant 0 : index
    tpu.barrier barrier_id(%barrier3A)
    %dma_start3A = arith.constant 0 : i32
    %dma_start3A_10 = arith.constant 0 : i32
    %dma_start3A_11 = arith.constant 0 : i32
    %dma_start3A_12 = arith.constant 0 : i32
    %dma_start3A_13 = arith.constant 0 : i32
    %dma_start3A_14 = tpu.memref_slice %arg9[%dma_start3A_10, %dma_start3A_12, %dma_start3A_13] : memref<2x80x128xf32, #tpu.memory_space<vmem>> -> memref<1x80x128xf32, #tpu.memory_space<vmem>>
    %dma_start3A_15 = tpu.memref_squeeze %dma_start3A_14 : memref<1x80x128xf32, #tpu.memory_space<vmem>> -> memref<80x128xf32, #tpu.memory_space<vmem>>
    %dma_start3A_16 = arith.constant 0 : i32
    %dma_start3A_17 = tpu.memref_slice %arg7[%dma_start3A, %dma_start3A_16] : memref<250x80xi32, #tpu.memory_space<vmem>> -> memref<1x80xi32, #tpu.memory_space<vmem>>
    %dma_start3A_18 = tpu.memref_squeeze %dma_start3A_17 : memref<1x80xi32, #tpu.memory_space<vmem>> -> memref<80xi32, #tpu.memory_space<vmem>>
    %dma_start3A_19 = arith.constant 0 : i32
    %dma_start3A_20 = arith.constant 0 : i32
    %dma_start3A_21 = tpu.memref_slice %arg2[%dma_start3A_19, %dma_start3A_20] : memref<10240x128xf32, #tpu.memory_space<hbm>> -> memref<10240x128xf32, #tpu.memory_space<hbm>>
    %dma_start3A_22 = tpu.memref_slice %arg11[%dma_start3A_11] : memref<2x!tpu.dma_semaphore, #tpu.memory_space<semaphore_mem>> -> memref<1x!tpu.dma_semaphore, #tpu.memory_space<semaphore_mem>>
    %dma_start3A_23 = tpu.memref_squeeze %dma_start3A_22 : memref<1x!tpu.dma_semaphore, #tpu.memory_space<semaphore_mem>> -> memref<!tpu.dma_semaphore, #tpu.memory_space<semaphore_mem>>
    tpu.enqueue_indirect_dma source(%dma_start3A_21 : memref<10240x128xf32, #tpu.memory_space<hbm>>) target(%dma_start3A_15 : memref<80x128xf32, #tpu.memory_space<vmem>>) offsets(%dma_start3A_18 : memref<80xi32, #tpu.memory_space<vmem>>) semaphore(%dma_start3A_23 : memref<!tpu.dma_semaphore, #tpu.memory_space<semaphore_mem>>)
    %dma_start3A_24 = arith.constant 1 : i32
    %dma_start3A_25 = arith.constant 1 : i32
    %dma_start3A_26 = arith.constant 1 : i32
    %dma_start3A_27 = arith.constant 0 : i32
    %dma_start3A_28 = arith.constant 0 : i32
    %dma_start3A_29 = tpu.memref_slice %arg9[%dma_start3A_25, %dma_start3A_27, %dma_start3A_28] : memref<2x80x128xf32, #tpu.memory_space<vmem>> -> memref<1x80x128xf32, #tpu.memory_space<vmem>>
    %dma_start3A_30 = tpu.memref_squeeze %dma_start3A_29 : memref<1x80x128xf32, #tpu.memory_space<vmem>> -> memref<80x128xf32, #tpu.memory_space<vmem>>
    %dma_start3A_31 = arith.constant 0 : i32
    %dma_start3A_32 = tpu.memref_slice %arg7[%dma_start3A_24, %dma_start3A_31] : memref<250x80xi32, #tpu.memory_space<vmem>> -> memref<1x80xi32, #tpu.memory_space<vmem>>
    %dma_start3A_33 = tpu.memref_squeeze %dma_start3A_32 : memref<1x80xi32, #tpu.memory_space<vmem>> -> memref<80xi32, #tpu.memory_space<vmem>>
    %dma_start3A_34 = arith.constant 0 : i32
    %dma_start3A_35 = arith.constant 0 : i32
    %dma_start3A_36 = tpu.memref_slice %arg2[%dma_start3A_34, %dma_start3A_35] : memref<10240x128xf32, #tpu.memory_space<hbm>> -> memref<10240x128xf32, #tpu.memory_space<hbm>>
    %dma_start3A_37 = tpu.memref_slice %arg11[%dma_start3A_26] : memref<2x!tpu.dma_semaphore, #tpu.memory_space<semaphore_mem>> -> memref<1x!tpu.dma_semaphore, #tpu.memory_space<semaphore_mem>>
    %dma_start3A_38 = tpu.memref_squeeze %dma_start3A_37 : memref<1x!tpu.dma_semaphore, #tpu.memory_space<semaphore_mem>> -> memref<!tpu.dma_semaphore, #tpu.memory_space<semaphore_mem>>
    tpu.enqueue_indirect_dma source(%dma_start3A_36 : memref<10240x128xf32, #tpu.memory_space<hbm>>) target(%dma_start3A_30 : memref<80x128xf32, #tpu.memory_space<vmem>>) offsets(%dma_start3A_33 : memref<80xi32, #tpu.memory_space<vmem>>) semaphore(%dma_start3A_38 : memref<!tpu.dma_semaphore, #tpu.memory_space<semaphore_mem>>)
    %scan3A_39 = arith.constant 0 : i32
    %scan3A_40 = arith.constant 0 : i32
    %scan3A_41 = arith.constant 125 : i32
    %scan3A_42 = arith.addi %scan3A_40, %scan3A_41 : i32
    %scan3A_43 = arith.constant 1 : i32
    scf.for %scan3A_50 = %scan3A_40 to %scan3A_42 step %scan3A_43  : i32 {
      %mul3A_51 = arith.constant 2 : i32
      %mul3A_52 = arith.muli %scan3A_50, %mul3A_51 : i32
      %add3A_53 = arith.constant 0 : i32
      %add3A_54 = arith.addi %mul3A_52, %add3A_53 : i32
      %dma_wait3A = arith.constant 0 : i32
      %dma_wait3A_55 = arith.constant 0 : i32
      %dma_wait3A_56 = arith.constant 0 : i32
      %dma_wait3A_57 = arith.constant 0 : i32
      %dma_wait3A_58 = tpu.memref_slice %arg9[%dma_wait3A, %dma_wait3A_56, %dma_wait3A_57] : memref<2x80x128xf32, #tpu.memory_space<vmem>> -> memref<1x80x128xf32, #tpu.memory_space<vmem>>
      %dma_wait3A_59 = tpu.memref_squeeze %dma_wait3A_58 : memref<1x80x128xf32, #tpu.memory_space<vmem>> -> memref<80x128xf32, #tpu.memory_space<vmem>>
      %dma_wait3A_60 = arith.constant 0 : i32
      %dma_wait3A_61 = tpu.memref_slice %arg7[%add3A_54, %dma_wait3A_60] : memref<250x80xi32, #tpu.memory_space<vmem>> -> memref<1x80xi32, #tpu.memory_space<vmem>>
      %dma_wait3A_62 = tpu.memref_squeeze %dma_wait3A_61 : memref<1x80xi32, #tpu.memory_space<vmem>> -> memref<80xi32, #tpu.memory_space<vmem>>
      %dma_wait3A_63 = arith.constant 0 : i32
      %dma_wait3A_64 = arith.constant 0 : i32
      %dma_wait3A_65 = tpu.memref_slice %arg2[%dma_wait3A_63, %dma_wait3A_64] : memref<10240x128xf32, #tpu.memory_space<hbm>> -> memref<10240x128xf32, #tpu.memory_space<hbm>>
      %dma_wait3A_66 = tpu.memref_slice %arg11[%dma_wait3A_55] : memref<2x!tpu.dma_semaphore, #tpu.memory_space<semaphore_mem>> -> memref<1x!tpu.dma_semaphore, #tpu.memory_space<semaphore_mem>>
      %dma_wait3A_67 = tpu.memref_squeeze %dma_wait3A_66 : memref<1x!tpu.dma_semaphore, #tpu.memory_space<semaphore_mem>> -> memref<!tpu.dma_semaphore, #tpu.memory_space<semaphore_mem>>
      tpu.wait_indirect_dma semaphore(%dma_wait3A_67 : memref<!tpu.dma_semaphore, #tpu.memory_space<semaphore_mem>>) src(%dma_wait3A_65 : memref<10240x128xf32, #tpu.memory_space<hbm>>) dst(%dma_wait3A_59 : memref<80x128xf32, #tpu.memory_space<vmem>>)
      %dma_start3A_68 = arith.constant 0 : i32
      %dma_start3A_69 = arith.constant 0 : i32
      %dma_start3A_70 = arith.constant 0 : i32
      %dma_start3A_71 = arith.constant 0 : i32
      %dma_start3A_72 = tpu.memref_slice %arg9[%dma_start3A_68, %dma_start3A_70, %dma_start3A_71] : memref<2x80x128xf32, #tpu.memory_space<vmem>> -> memref<1x80x128xf32, #tpu.memory_space<vmem>>
      %dma_start3A_73 = tpu.memref_squeeze %dma_start3A_72 : memref<1x80x128xf32, #tpu.memory_space<vmem>> -> memref<80x128xf32, #tpu.memory_space<vmem>>
      %dma_start3A_74 = arith.constant 0 : i32
      %dma_start3A_75 = tpu.memref_slice %arg8[%add3A_54, %dma_start3A_74] : memref<250x80xi32, #tpu.memory_space<vmem>> -> memref<1x80xi32, #tpu.memory_space<vmem>>
      %dma_start3A_76 = tpu.memref_squeeze %dma_start3A_75 : memref<1x80xi32, #tpu.memory_space<vmem>> -> memref<80xi32, #tpu.memory_space<vmem>>
      %dma_start3A_77 = arith.constant 0 : i32
      %dma_start3A_78 = arith.constant 0 : i32
      %dma_start3A_79 = tpu.memref_slice %arg10[%dma_start3A_77, %dma_start3A_78] : memref<5248x128xf32, #tpu.memory_space<vmem_shared>> -> memref<5248x128xf32, #tpu.memory_space<vmem_shared>>
      %dma_start3A_80 = tpu.memref_slice %arg12[%dma_start3A_69] : memref<2x!tpu.dma_semaphore, #tpu.memory_space<semaphore_mem>> -> memref<1x!tpu.dma_semaphore, #tpu.memory_space<semaphore_mem>>
      %dma_start3A_81 = tpu.memref_squeeze %dma_start3A_80 : memref<1x!tpu.dma_semaphore, #tpu.memory_space<semaphore_mem>> -> memref<!tpu.dma_semaphore, #tpu.memory_space<semaphore_mem>>
      tpu.enqueue_indirect_dma source(%dma_start3A_73 : memref<80x128xf32, #tpu.memory_space<vmem>>) target(%dma_start3A_79 : memref<5248x128xf32, #tpu.memory_space<vmem_shared>>) offsets(%dma_start3A_76 : memref<80xi32, #tpu.memory_space<vmem>>) semaphore(%dma_start3A_81 : memref<!tpu.dma_semaphore, #tpu.memory_space<semaphore_mem>>) {add = true}
      %dma_wait3A_82 = arith.constant 0 : i32
      %dma_wait3A_83 = arith.constant 0 : i32
      %dma_wait3A_84 = arith.constant 0 : i32
      %dma_wait3A_85 = arith.constant 0 : i32
      %dma_wait3A_86 = tpu.memref_slice %arg9[%dma_wait3A_82, %dma_wait3A_84, %dma_wait3A_85] : memref<2x80x128xf32, #tpu.memory_space<vmem>> -> memref<1x80x128xf32, #tpu.memory_space<vmem>>
      %dma_wait3A_87 = tpu.memref_squeeze %dma_wait3A_86 : memref<1x80x128xf32, #tpu.memory_space<vmem>> -> memref<80x128xf32, #tpu.memory_space<vmem>>
      %dma_wait3A_88 = arith.constant 0 : i32
      %dma_wait3A_89 = tpu.memref_slice %arg8[%add3A_54, %dma_wait3A_88] : memref<250x80xi32, #tpu.memory_space<vmem>> -> memref<1x80xi32, #tpu.memory_space<vmem>>
      %dma_wait3A_90 = tpu.memref_squeeze %dma_wait3A_89 : memref<1x80xi32, #tpu.memory_space<vmem>> -> memref<80xi32, #tpu.memory_space<vmem>>
      %dma_wait3A_91 = arith.constant 0 : i32
      %dma_wait3A_92 = arith.constant 0 : i32
      %dma_wait3A_93 = tpu.memref_slice %arg10[%dma_wait3A_91, %dma_wait3A_92] : memref<5248x128xf32, #tpu.memory_space<vmem_shared>> -> memref<5248x128xf32, #tpu.memory_space<vmem_shared>>
      %dma_wait3A_94 = tpu.memref_slice %arg12[%dma_wait3A_83] : memref<2x!tpu.dma_semaphore, #tpu.memory_space<semaphore_mem>> -> memref<1x!tpu.dma_semaphore, #tpu.memory_space<semaphore_mem>>
      %dma_wait3A_95 = tpu.memref_squeeze %dma_wait3A_94 : memref<1x!tpu.dma_semaphore, #tpu.memory_space<semaphore_mem>> -> memref<!tpu.dma_semaphore, #tpu.memory_space<semaphore_mem>>
      tpu.wait_indirect_dma semaphore(%dma_wait3A_95 : memref<!tpu.dma_semaphore, #tpu.memory_space<semaphore_mem>>) src(%dma_wait3A_87 : memref<80x128xf32, #tpu.memory_space<vmem>>) dst(%dma_wait3A_93 : memref<5248x128xf32, #tpu.memory_space<vmem_shared>>)
      %add3A_96 = arith.constant 2 : i32
      %add3A_97 = arith.addi %add3A_54, %add3A_96 : i32
      %lt3A = arith.constant 250 : i32
      %lt3A_98 = arith.cmpi slt, %add3A_97, %lt3A : i32
      %convert_element_type3A = arith.extui %lt3A_98 : i1 to i32
      %cond3A = arith.constant 0 : i32
      %cond3A_99 = arith.cmpi ne, %convert_element_type3A, %cond3A : i32
      scf.if %cond3A_99 {
        %add3A_153 = arith.constant 2 : i32
        %add3A_154 = arith.addi %add3A_54, %add3A_153 : i32
        %dma_start3A_155 = arith.constant 0 : i32
        %dma_start3A_156 = arith.constant 0 : i32
        %dma_start3A_157 = arith.constant 0 : i32
        %dma_start3A_158 = arith.constant 0 : i32
        %dma_start3A_159 = tpu.memref_slice %arg9[%dma_start3A_155, %dma_start3A_157, %dma_start3A_158] : memref<2x80x128xf32, #tpu.memory_space<vmem>> -> memref<1x80x128xf32, #tpu.memory_space<vmem>>
        %dma_start3A_160 = tpu.memref_squeeze %dma_start3A_159 : memref<1x80x128xf32, #tpu.memory_space<vmem>> -> memref<80x128xf32, #tpu.memory_space<vmem>>
        %dma_start3A_161 = arith.constant 0 : i32
        %dma_start3A_162 = tpu.memref_slice %arg7[%add3A_154, %dma_start3A_161] : memref<250x80xi32, #tpu.memory_space<vmem>> -> memref<1x80xi32, #tpu.memory_space<vmem>>
        %dma_start3A_163 = tpu.memref_squeeze %dma_start3A_162 : memref<1x80xi32, #tpu.memory_space<vmem>> -> memref<80xi32, #tpu.memory_space<vmem>>
        %dma_start3A_164 = arith.constant 0 : i32
        %dma_start3A_165 = arith.constant 0 : i32
        %dma_start3A_166 = tpu.memref_slice %arg2[%dma_start3A_164, %dma_start3A_165] : memref<10240x128xf32, #tpu.memory_space<hbm>> -> memref<10240x128xf32, #tpu.memory_space<hbm>>
        %dma_start3A_167 = tpu.memref_slice %arg11[%dma_start3A_156] : memref<2x!tpu.dma_semaphore, #tpu.memory_space<semaphore_mem>> -> memref<1x!tpu.dma_semaphore, #tpu.memory_space<semaphore_mem>>
        %dma_start3A_168 = tpu.memref_squeeze %dma_start3A_167 : memref<1x!tpu.dma_semaphore, #tpu.memory_space<semaphore_mem>> -> memref<!tpu.dma_semaphore, #tpu.memory_space<semaphore_mem>>
        tpu.enqueue_indirect_dma source(%dma_start3A_166 : memref<10240x128xf32, #tpu.memory_space<hbm>>) target(%dma_start3A_160 : memref<80x128xf32, #tpu.memory_space<vmem>>) offsets(%dma_start3A_163 : memref<80xi32, #tpu.memory_space<vmem>>) semaphore(%dma_start3A_168 : memref<!tpu.dma_semaphore, #tpu.memory_space<semaphore_mem>>)
      } else {
      }
      %mul3A_100 = arith.constant 2 : i32
      %mul3A_101 = arith.muli %scan3A_50, %mul3A_100 : i32
      %add3A_102 = arith.constant 1 : i32
      %add3A_103 = arith.addi %mul3A_101, %add3A_102 : i32
      %dma_wait3A_104 = arith.constant 1 : i32
      %dma_wait3A_105 = arith.constant 1 : i32
      %dma_wait3A_106 = arith.constant 0 : i32
      %dma_wait3A_107 = arith.constant 0 : i32
      %dma_wait3A_108 = tpu.memref_slice %arg9[%dma_wait3A_104, %dma_wait3A_106, %dma_wait3A_107] : memref<2x80x128xf32, #tpu.memory_space<vmem>> -> memref<1x80x128xf32, #tpu.memory_space<vmem>>
      %dma_wait3A_109 = tpu.memref_squeeze %dma_wait3A_108 : memref<1x80x128xf32, #tpu.memory_space<vmem>> -> memref<80x128xf32, #tpu.memory_space<vmem>>
      %dma_wait3A_110 = arith.constant 0 : i32
      %dma_wait3A_111 = tpu.memref_slice %arg7[%add3A_103, %dma_wait3A_110] : memref<250x80xi32, #tpu.memory_space<vmem>> -> memref<1x80xi32, #tpu.memory_space<vmem>>
      %dma_wait3A_112 = tpu.memref_squeeze %dma_wait3A_111 : memref<1x80xi32, #tpu.memory_space<vmem>> -> memref<80xi32, #tpu.memory_space<vmem>>
      %dma_wait3A_113 = arith.constant 0 : i32
      %dma_wait3A_114 = arith.constant 0 : i32
      %dma_wait3A_115 = tpu.memref_slice %arg2[%dma_wait3A_113, %dma_wait3A_114] : memref<10240x128xf32, #tpu.memory_space<hbm>> -> memref<10240x128xf32, #tpu.memory_space<hbm>>
      %dma_wait3A_116 = tpu.memref_slice %arg11[%dma_wait3A_105] : memref<2x!tpu.dma_semaphore, #tpu.memory_space<semaphore_mem>> -> memref<1x!tpu.dma_semaphore, #tpu.memory_space<semaphore_mem>>
      %dma_wait3A_117 = tpu.memref_squeeze %dma_wait3A_116 : memref<1x!tpu.dma_semaphore, #tpu.memory_space<semaphore_mem>> -> memref<!tpu.dma_semaphore, #tpu.memory_space<semaphore_mem>>
      tpu.wait_indirect_dma semaphore(%dma_wait3A_117 : memref<!tpu.dma_semaphore, #tpu.memory_space<semaphore_mem>>) src(%dma_wait3A_115 : memref<10240x128xf32, #tpu.memory_space<hbm>>) dst(%dma_wait3A_109 : memref<80x128xf32, #tpu.memory_space<vmem>>)
      %dma_start3A_118 = arith.constant 1 : i32
      %dma_start3A_119 = arith.constant 1 : i32
      %dma_start3A_120 = arith.constant 0 : i32
      %dma_start3A_121 = arith.constant 0 : i32
      %dma_start3A_122 = tpu.memref_slice %arg9[%dma_start3A_118, %dma_start3A_120, %dma_start3A_121] : memref<2x80x128xf32, #tpu.memory_space<vmem>> -> memref<1x80x128xf32, #tpu.memory_space<vmem>>
      %dma_start3A_123 = tpu.memref_squeeze %dma_start3A_122 : memref<1x80x128xf32, #tpu.memory_space<vmem>> -> memref<80x128xf32, #tpu.memory_space<vmem>>
      %dma_start3A_124 = arith.constant 0 : i32
      %dma_start3A_125 = tpu.memref_slice %arg8[%add3A_103, %dma_start3A_124] : memref<250x80xi32, #tpu.memory_space<vmem>> -> memref<1x80xi32, #tpu.memory_space<vmem>>
      %dma_start3A_126 = tpu.memref_squeeze %dma_start3A_125 : memref<1x80xi32, #tpu.memory_space<vmem>> -> memref<80xi32, #tpu.memory_space<vmem>>
      %dma_start3A_127 = arith.constant 0 : i32
      %dma_start3A_128 = arith.constant 0 : i32
      %dma_start3A_129 = tpu.memref_slice %arg10[%dma_start3A_127, %dma_start3A_128] : memref<5248x128xf32, #tpu.memory_space<vmem_shared>> -> memref<5248x128xf32, #tpu.memory_space<vmem_shared>>
      %dma_start3A_130 = tpu.memref_slice %arg12[%dma_start3A_119] : memref<2x!tpu.dma_semaphore, #tpu.memory_space<semaphore_mem>> -> memref<1x!tpu.dma_semaphore, #tpu.memory_space<semaphore_mem>>
      %dma_start3A_131 = tpu.memref_squeeze %dma_start3A_130 : memref<1x!tpu.dma_semaphore, #tpu.memory_space<semaphore_mem>> -> memref<!tpu.dma_semaphore, #tpu.memory_space<semaphore_mem>>
      tpu.enqueue_indirect_dma source(%dma_start3A_123 : memref<80x128xf32, #tpu.memory_space<vmem>>) target(%dma_start3A_129 : memref<5248x128xf32, #tpu.memory_space<vmem_shared>>) offsets(%dma_start3A_126 : memref<80xi32, #tpu.memory_space<vmem>>) semaphore(%dma_start3A_131 : memref<!tpu.dma_semaphore, #tpu.memory_space<semaphore_mem>>) {add = true}
      %dma_wait3A_132 = arith.constant 1 : i32
      %dma_wait3A_133 = arith.constant 1 : i32
      %dma_wait3A_134 = arith.constant 0 : i32
      %dma_wait3A_135 = arith.constant 0 : i32
      %dma_wait3A_136 = tpu.memref_slice %arg9[%dma_wait3A_132, %dma_wait3A_134, %dma_wait3A_135] : memref<2x80x128xf32, #tpu.memory_space<vmem>> -> memref<1x80x128xf32, #tpu.memory_space<vmem>>
      %dma_wait3A_137 = tpu.memref_squeeze %dma_wait3A_136 : memref<1x80x128xf32, #tpu.memory_space<vmem>> -> memref<80x128xf32, #tpu.memory_space<vmem>>
      %dma_wait3A_138 = arith.constant 0 : i32
      %dma_wait3A_139 = tpu.memref_slice %arg8[%add3A_103, %dma_wait3A_138] : memref<250x80xi32, #tpu.memory_space<vmem>> -> memref<1x80xi32, #tpu.memory_space<vmem>>
      %dma_wait3A_140 = tpu.memref_squeeze %dma_wait3A_139 : memref<1x80xi32, #tpu.memory_space<vmem>> -> memref<80xi32, #tpu.memory_space<vmem>>
      %dma_wait3A_141 = arith.constant 0 : i32
      %dma_wait3A_142 = arith.constant 0 : i32
      %dma_wait3A_143 = tpu.memref_slice %arg10[%dma_wait3A_141, %dma_wait3A_142] : memref<5248x128xf32, #tpu.memory_space<vmem_shared>> -> memref<5248x128xf32, #tpu.memory_space<vmem_shared>>
      %dma_wait3A_144 = tpu.memref_slice %arg12[%dma_wait3A_133] : memref<2x!tpu.dma_semaphore, #tpu.memory_space<semaphore_mem>> -> memref<1x!tpu.dma_semaphore, #tpu.memory_space<semaphore_mem>>
      %dma_wait3A_145 = tpu.memref_squeeze %dma_wait3A_144 : memref<1x!tpu.dma_semaphore, #tpu.memory_space<semaphore_mem>> -> memref<!tpu.dma_semaphore, #tpu.memory_space<semaphore_mem>>
      tpu.wait_indirect_dma semaphore(%dma_wait3A_145 : memref<!tpu.dma_semaphore, #tpu.memory_space<semaphore_mem>>) src(%dma_wait3A_137 : memref<80x128xf32, #tpu.memory_space<vmem>>) dst(%dma_wait3A_143 : memref<5248x128xf32, #tpu.memory_space<vmem_shared>>)
      %add3A_146 = arith.constant 2 : i32
      %add3A_147 = arith.addi %add3A_103, %add3A_146 : i32
      %lt3A_148 = arith.constant 250 : i32
      %lt3A_149 = arith.cmpi slt, %add3A_147, %lt3A_148 : i32
      %convert_element_type3A_150 = arith.extui %lt3A_149 : i1 to i32
      %cond3A_151 = arith.constant 0 : i32
      %cond3A_152 = arith.cmpi ne, %convert_element_type3A_150, %cond3A_151 : i32
      scf.if %cond3A_152 {
        %add3A_153 = arith.constant 2 : i32
        %add3A_154 = arith.addi %add3A_103, %add3A_153 : i32
        %dma_start3A_155 = arith.constant 1 : i32
        %dma_start3A_156 = arith.constant 1 : i32
        %dma_start3A_157 = arith.constant 0 : i32
        %dma_start3A_158 = arith.constant 0 : i32
        %dma_start3A_159 = tpu.memref_slice %arg9[%dma_start3A_155, %dma_start3A_157, %dma_start3A_158] : memref<2x80x128xf32, #tpu.memory_space<vmem>> -> memref<1x80x128xf32, #tpu.memory_space<vmem>>
        %dma_start3A_160 = tpu.memref_squeeze %dma_start3A_159 : memref<1x80x128xf32, #tpu.memory_space<vmem>> -> memref<80x128xf32, #tpu.memory_space<vmem>>
        %dma_start3A_161 = arith.constant 0 : i32
        %dma_start3A_162 = tpu.memref_slice %arg7[%add3A_154, %dma_start3A_161] : memref<250x80xi32, #tpu.memory_space<vmem>> -> memref<1x80xi32, #tpu.memory_space<vmem>>
        %dma_start3A_163 = tpu.memref_squeeze %dma_start3A_162 : memref<1x80xi32, #tpu.memory_space<vmem>> -> memref<80xi32, #tpu.memory_space<vmem>>
        %dma_start3A_164 = arith.constant 0 : i32
        %dma_start3A_165 = arith.constant 0 : i32
        %dma_start3A_166 = tpu.memref_slice %arg2[%dma_start3A_164, %dma_start3A_165] : memref<10240x128xf32, #tpu.memory_space<hbm>> -> memref<10240x128xf32, #tpu.memory_space<hbm>>
        %dma_start3A_167 = tpu.memref_slice %arg11[%dma_start3A_156] : memref<2x!tpu.dma_semaphore, #tpu.memory_space<semaphore_mem>> -> memref<1x!tpu.dma_semaphore, #tpu.memory_space<semaphore_mem>>
        %dma_start3A_168 = tpu.memref_squeeze %dma_start3A_167 : memref<1x!tpu.dma_semaphore, #tpu.memory_space<semaphore_mem>> -> memref<!tpu.dma_semaphore, #tpu.memory_space<semaphore_mem>>
        tpu.enqueue_indirect_dma source(%dma_start3A_166 : memref<10240x128xf32, #tpu.memory_space<hbm>>) target(%dma_start3A_160 : memref<80x128xf32, #tpu.memory_space<vmem>>) offsets(%dma_start3A_163 : memref<80xi32, #tpu.memory_space<vmem>>) semaphore(%dma_start3A_168 : memref<!tpu.dma_semaphore, #tpu.memory_space<semaphore_mem>>)
      } else {
      }
    }
    %scan3A_44 = arith.constant 125 : i32
    %barrier3A_45 = arith.constant 0 : index
    tpu.barrier barrier_id(%barrier3A_45)
    %mul3A_46 = arith.constant 320 : i32
    %mul3A_47 = arith.muli %arg1, %mul3A_46 : i32
    %mul3A_48 = arith.constant 320 : i32
    %mul3A_49 = arith.muli %arg1, %mul3A_48 : i32
    %add3A = arith.addi %mul3A_0, %mul3A_49 : i32
    "tpu.region"() ({
      %run_scoped3A = tpu.sem_alloc : memref<!tpu.dma_semaphore, #tpu.memory_space<semaphore_mem>>
      %dma_start3A_50 = arith.constant 0 : i32
      %dma_start3A_51 = tpu.memref_slice %arg6[%add3A, %dma_start3A_50] : memref<10240x128xf32, #tpu.memory_space<hbm>> -> memref<320x128xf32, #tpu.memory_space<hbm>>
      %dma_start3A_52 = arith.constant 0 : i32
      %dma_start3A_53 = tpu.memref_slice %arg10[%mul3A_47, %dma_start3A_52] : memref<5248x128xf32, #tpu.memory_space<vmem_shared>> -> memref<320x128xf32, #tpu.memory_space<vmem_shared>>
      tpu.enqueue_dma source(%dma_start3A_53 : memref<320x128xf32, #tpu.memory_space<vmem_shared>>) target(%dma_start3A_51 : memref<320x128xf32, #tpu.memory_space<hbm>>) target_semaphore(%run_scoped3A : memref<!tpu.dma_semaphore, #tpu.memory_space<semaphore_mem>>)
      %dma_wait3A = arith.constant 0 : i32
      %dma_wait3A_54 = tpu.memref_slice %arg6[%add3A, %dma_wait3A] : memref<10240x128xf32, #tpu.memory_space<hbm>> -> memref<320x128xf32, #tpu.memory_space<hbm>>
      %dma_wait3A_55 = arith.constant 0 : i32
      %dma_wait3A_56 = tpu.memref_slice %arg10[%mul3A_47, %dma_wait3A_55] : memref<5248x128xf32, #tpu.memory_space<vmem_shared>> -> memref<320x128xf32, #tpu.memory_space<vmem_shared>>
      tpu.wait_dma2 semaphore(%run_scoped3A : memref<!tpu.dma_semaphore, #tpu.memory_space<semaphore_mem>>) src(%dma_wait3A_56 : memref<320x128xf32, #tpu.memory_space<vmem_shared>>) dst(%dma_wait3A_54 : memref<320x128xf32, #tpu.memory_space<hbm>>)
      tpu.yield
    }) : () -> ()
    return
  }
}

#map = affine_map<(d0, d1) -> (0)>
module attributes {stable_mosaic.version = 14 : i64} {
  func.func @_red_body(%arg0: i32, %arg1: i32, %arg2: memref<327680xf32, #tpu.memory_space<hbm>>, %arg3: memref<10240xf32, #tpu.memory_space<hbm>>, %arg4: memref<10240xf32, #tpu.memory_space<vmem>>, %arg5: memref<320xf32, #tpu.memory_space<vmem>>) attributes {dimension_semantics = [#tpu.dimension_semantics<core_parallel>, #tpu.dimension_semantics<subcore_parallel>], iteration_bounds = array<i64: 2, 16>, scalar_prefetch = 0 : i64, scratch_operands = 2 : i64, tpu.core_type = #tpu.core_type<sc_vector_subcore>, window_params = [{transform_indices = #map}, {transform_indices = #map}]} {
    %mul3A = arith.constant 2 : i32
    %mul3A_0 = arith.muli %arg1, %mul3A : i32
    %add3A = arith.addi %mul3A_0, %arg0 : i32
    %mul3A_1 = arith.constant 32 : i32
    %mul3A_2 = arith.muli %add3A, %mul3A_1 : i32
    %mul3A_3 = arith.constant 320 : i32
    %mul3A_4 = arith.muli %mul3A_2, %mul3A_3 : i32
    "tpu.region"() ({
      %run_scoped3A = tpu.sem_alloc : memref<!tpu.dma_semaphore, #tpu.memory_space<semaphore_mem>>
      %dma_start3A = tpu.memref_slice %arg2[%mul3A_4] : memref<327680xf32, #tpu.memory_space<hbm>> -> memref<10240xf32, #tpu.memory_space<hbm>>
      %dma_start3A_12 = tpu.memref_slice %arg2[%mul3A_4] : memref<327680xf32, #tpu.memory_space<hbm>> -> memref<10240xf32, #tpu.memory_space<hbm>>
      tpu.enqueue_dma source(%dma_start3A_12 : memref<10240xf32, #tpu.memory_space<hbm>>) target(%arg4 : memref<10240xf32, #tpu.memory_space<vmem>>) target_semaphore(%run_scoped3A : memref<!tpu.dma_semaphore, #tpu.memory_space<semaphore_mem>>)
      %dma_wait3A = tpu.memref_slice %arg2[%mul3A_4] : memref<327680xf32, #tpu.memory_space<hbm>> -> memref<10240xf32, #tpu.memory_space<hbm>>
      %dma_wait3A_13 = tpu.memref_slice %arg2[%mul3A_4] : memref<327680xf32, #tpu.memory_space<hbm>> -> memref<10240xf32, #tpu.memory_space<hbm>>
      tpu.wait_dma2 semaphore(%run_scoped3A : memref<!tpu.dma_semaphore, #tpu.memory_space<semaphore_mem>>) src(%dma_wait3A_13 : memref<10240xf32, #tpu.memory_space<hbm>>) dst(%arg4 : memref<10240xf32, #tpu.memory_space<vmem>>)
      tpu.yield
    }) : () -> ()
    %scan3A = arith.constant 0 : i32
    %scan3A_5 = arith.constant 0 : i32
    %scan3A_6 = arith.constant 20 : i32
    %scan3A_7 = arith.addi %scan3A_5, %scan3A_6 : i32
    %scan3A_8 = arith.constant 1 : i32
    scf.for %scan3A_12 = %scan3A_5 to %scan3A_7 step %scan3A_8  : i32 {
      %mul3A_13 = arith.constant 16 : i32
      %mul3A_14 = arith.muli %scan3A_12, %mul3A_13 : i32
      %get3A = arith.index_cast %mul3A_14 : i32 to index
      %get3A_15 = tpu.vector_load %arg4[%get3A] {strides = array<i32>} : memref<10240xf32, #tpu.memory_space<vmem>>, vector<16xf32>,
      %get3A_16 = vector.shape_cast %get3A_15 : vector<16xf32> to vector<16xf32>
      %mul3A_17 = arith.constant 16 : i32
      %mul3A_18 = arith.muli %scan3A_12, %mul3A_17 : i32
      %add3A_19 = arith.constant 320 : i32
      %add3A_20 = arith.addi %add3A_19, %mul3A_18 : i32
      %get3A_21 = arith.index_cast %add3A_20 : i32 to index
      %get3A_22 = tpu.vector_load %arg4[%get3A_21] {strides = array<i32>} : memref<10240xf32, #tpu.memory_space<vmem>>, vector<16xf32>,
      %get3A_23 = vector.shape_cast %get3A_22 : vector<16xf32> to vector<16xf32>
      %add3A_24 = arith.addf %get3A_16, %get3A_23 : vector<16xf32>
      %mul3A_25 = arith.constant 16 : i32
      %mul3A_26 = arith.muli %scan3A_12, %mul3A_25 : i32
      %add3A_27 = arith.constant 640 : i32
      %add3A_28 = arith.addi %add3A_27, %mul3A_26 : i32
      %get3A_29 = arith.index_cast %add3A_28 : i32 to index
      %get3A_30 = tpu.vector_load %arg4[%get3A_29] {strides = array<i32>} : memref<10240xf32, #tpu.memory_space<vmem>>, vector<16xf32>,
      %get3A_31 = vector.shape_cast %get3A_30 : vector<16xf32> to vector<16xf32>
      %add3A_32 = arith.addf %add3A_24, %get3A_31 : vector<16xf32>
      %mul3A_33 = arith.constant 16 : i32
      %mul3A_34 = arith.muli %scan3A_12, %mul3A_33 : i32
      %add3A_35 = arith.constant 960 : i32
      %add3A_36 = arith.addi %add3A_35, %mul3A_34 : i32
      %get3A_37 = arith.index_cast %add3A_36 : i32 to index
      %get3A_38 = tpu.vector_load %arg4[%get3A_37] {strides = array<i32>} : memref<10240xf32, #tpu.memory_space<vmem>>, vector<16xf32>,
      %get3A_39 = vector.shape_cast %get3A_38 : vector<16xf32> to vector<16xf32>
      %add3A_40 = arith.addf %add3A_32, %get3A_39 : vector<16xf32>
      %mul3A_41 = arith.constant 16 : i32
      %mul3A_42 = arith.muli %scan3A_12, %mul3A_41 : i32
      %add3A_43 = arith.constant 1280 : i32
      %add3A_44 = arith.addi %add3A_43, %mul3A_42 : i32
      %get3A_45 = arith.index_cast %add3A_44 : i32 to index
      %get3A_46 = tpu.vector_load %arg4[%get3A_45] {strides = array<i32>} : memref<10240xf32, #tpu.memory_space<vmem>>, vector<16xf32>,
      %get3A_47 = vector.shape_cast %get3A_46 : vector<16xf32> to vector<16xf32>
      %add3A_48 = arith.addf %add3A_40, %get3A_47 : vector<16xf32>
      %mul3A_49 = arith.constant 16 : i32
      %mul3A_50 = arith.muli %scan3A_12, %mul3A_49 : i32
      %add3A_51 = arith.constant 1600 : i32
      %add3A_52 = arith.addi %add3A_51, %mul3A_50 : i32
      %get3A_53 = arith.index_cast %add3A_52 : i32 to index
      %get3A_54 = tpu.vector_load %arg4[%get3A_53] {strides = array<i32>} : memref<10240xf32, #tpu.memory_space<vmem>>, vector<16xf32>,
      %get3A_55 = vector.shape_cast %get3A_54 : vector<16xf32> to vector<16xf32>
      %add3A_56 = arith.addf %add3A_48, %get3A_55 : vector<16xf32>
      %mul3A_57 = arith.constant 16 : i32
      %mul3A_58 = arith.muli %scan3A_12, %mul3A_57 : i32
      %add3A_59 = arith.constant 1920 : i32
      %add3A_60 = arith.addi %add3A_59, %mul3A_58 : i32
      %get3A_61 = arith.index_cast %add3A_60 : i32 to index
      %get3A_62 = tpu.vector_load %arg4[%get3A_61] {strides = array<i32>} : memref<10240xf32, #tpu.memory_space<vmem>>, vector<16xf32>,
      %get3A_63 = vector.shape_cast %get3A_62 : vector<16xf32> to vector<16xf32>
      %add3A_64 = arith.addf %add3A_56, %get3A_63 : vector<16xf32>
      %mul3A_65 = arith.constant 16 : i32
      %mul3A_66 = arith.muli %scan3A_12, %mul3A_65 : i32
      %add3A_67 = arith.constant 2240 : i32
      %add3A_68 = arith.addi %add3A_67, %mul3A_66 : i32
      %get3A_69 = arith.index_cast %add3A_68 : i32 to index
      %get3A_70 = tpu.vector_load %arg4[%get3A_69] {strides = array<i32>} : memref<10240xf32, #tpu.memory_space<vmem>>, vector<16xf32>,
      %get3A_71 = vector.shape_cast %get3A_70 : vector<16xf32> to vector<16xf32>
      %add3A_72 = arith.addf %add3A_64, %get3A_71 : vector<16xf32>
      %mul3A_73 = arith.constant 16 : i32
      %mul3A_74 = arith.muli %scan3A_12, %mul3A_73 : i32
      %add3A_75 = arith.constant 2560 : i32
      %add3A_76 = arith.addi %add3A_75, %mul3A_74 : i32
      %get3A_77 = arith.index_cast %add3A_76 : i32 to index
      %get3A_78 = tpu.vector_load %arg4[%get3A_77] {strides = array<i32>} : memref<10240xf32, #tpu.memory_space<vmem>>, vector<16xf32>,
      %get3A_79 = vector.shape_cast %get3A_78 : vector<16xf32> to vector<16xf32>
      %add3A_80 = arith.addf %add3A_72, %get3A_79 : vector<16xf32>
      %mul3A_81 = arith.constant 16 : i32
      %mul3A_82 = arith.muli %scan3A_12, %mul3A_81 : i32
      %add3A_83 = arith.constant 2880 : i32
      %add3A_84 = arith.addi %add3A_83, %mul3A_82 : i32
      %get3A_85 = arith.index_cast %add3A_84 : i32 to index
      %get3A_86 = tpu.vector_load %arg4[%get3A_85] {strides = array<i32>} : memref<10240xf32, #tpu.memory_space<vmem>>, vector<16xf32>,
      %get3A_87 = vector.shape_cast %get3A_86 : vector<16xf32> to vector<16xf32>
      %add3A_88 = arith.addf %add3A_80, %get3A_87 : vector<16xf32>
      %mul3A_89 = arith.constant 16 : i32
      %mul3A_90 = arith.muli %scan3A_12, %mul3A_89 : i32
      %add3A_91 = arith.constant 3200 : i32
      %add3A_92 = arith.addi %add3A_91, %mul3A_90 : i32
      %get3A_93 = arith.index_cast %add3A_92 : i32 to index
      %get3A_94 = tpu.vector_load %arg4[%get3A_93] {strides = array<i32>} : memref<10240xf32, #tpu.memory_space<vmem>>, vector<16xf32>,
      %get3A_95 = vector.shape_cast %get3A_94 : vector<16xf32> to vector<16xf32>
      %add3A_96 = arith.addf %add3A_88, %get3A_95 : vector<16xf32>
      %mul3A_97 = arith.constant 16 : i32
      %mul3A_98 = arith.muli %scan3A_12, %mul3A_97 : i32
      %add3A_99 = arith.constant 3520 : i32
      %add3A_100 = arith.addi %add3A_99, %mul3A_98 : i32
      %get3A_101 = arith.index_cast %add3A_100 : i32 to index
      %get3A_102 = tpu.vector_load %arg4[%get3A_101] {strides = array<i32>} : memref<10240xf32, #tpu.memory_space<vmem>>, vector<16xf32>,
      %get3A_103 = vector.shape_cast %get3A_102 : vector<16xf32> to vector<16xf32>
      %add3A_104 = arith.addf %add3A_96, %get3A_103 : vector<16xf32>
      %mul3A_105 = arith.constant 16 : i32
      %mul3A_106 = arith.muli %scan3A_12, %mul3A_105 : i32
      %add3A_107 = arith.constant 3840 : i32
      %add3A_108 = arith.addi %add3A_107, %mul3A_106 : i32
      %get3A_109 = arith.index_cast %add3A_108 : i32 to index
      %get3A_110 = tpu.vector_load %arg4[%get3A_109] {strides = array<i32>} : memref<10240xf32, #tpu.memory_space<vmem>>, vector<16xf32>,
      %get3A_111 = vector.shape_cast %get3A_110 : vector<16xf32> to vector<16xf32>
      %add3A_112 = arith.addf %add3A_104, %get3A_111 : vector<16xf32>
      %mul3A_113 = arith.constant 16 : i32
      %mul3A_114 = arith.muli %scan3A_12, %mul3A_113 : i32
      %add3A_115 = arith.constant 4160 : i32
      %add3A_116 = arith.addi %add3A_115, %mul3A_114 : i32
      %get3A_117 = arith.index_cast %add3A_116 : i32 to index
      %get3A_118 = tpu.vector_load %arg4[%get3A_117] {strides = array<i32>} : memref<10240xf32, #tpu.memory_space<vmem>>, vector<16xf32>,
      %get3A_119 = vector.shape_cast %get3A_118 : vector<16xf32> to vector<16xf32>
      %add3A_120 = arith.addf %add3A_112, %get3A_119 : vector<16xf32>
      %mul3A_121 = arith.constant 16 : i32
      %mul3A_122 = arith.muli %scan3A_12, %mul3A_121 : i32
      %add3A_123 = arith.constant 4480 : i32
      %add3A_124 = arith.addi %add3A_123, %mul3A_122 : i32
      %get3A_125 = arith.index_cast %add3A_124 : i32 to index
      %get3A_126 = tpu.vector_load %arg4[%get3A_125] {strides = array<i32>} : memref<10240xf32, #tpu.memory_space<vmem>>, vector<16xf32>,
      %get3A_127 = vector.shape_cast %get3A_126 : vector<16xf32> to vector<16xf32>
      %add3A_128 = arith.addf %add3A_120, %get3A_127 : vector<16xf32>
      %mul3A_129 = arith.constant 16 : i32
      %mul3A_130 = arith.muli %scan3A_12, %mul3A_129 : i32
      %add3A_131 = arith.constant 4800 : i32
      %add3A_132 = arith.addi %add3A_131, %mul3A_130 : i32
      %get3A_133 = arith.index_cast %add3A_132 : i32 to index
      %get3A_134 = tpu.vector_load %arg4[%get3A_133] {strides = array<i32>} : memref<10240xf32, #tpu.memory_space<vmem>>, vector<16xf32>,
      %get3A_135 = vector.shape_cast %get3A_134 : vector<16xf32> to vector<16xf32>
      %add3A_136 = arith.addf %add3A_128, %get3A_135 : vector<16xf32>
      %mul3A_137 = arith.constant 16 : i32
      %mul3A_138 = arith.muli %scan3A_12, %mul3A_137 : i32
      %add3A_139 = arith.constant 5120 : i32
      %add3A_140 = arith.addi %add3A_139, %mul3A_138 : i32
      %get3A_141 = arith.index_cast %add3A_140 : i32 to index
      %get3A_142 = tpu.vector_load %arg4[%get3A_141] {strides = array<i32>} : memref<10240xf32, #tpu.memory_space<vmem>>, vector<16xf32>,
      %get3A_143 = vector.shape_cast %get3A_142 : vector<16xf32> to vector<16xf32>
      %add3A_144 = arith.addf %add3A_136, %get3A_143 : vector<16xf32>
      %mul3A_145 = arith.constant 16 : i32
      %mul3A_146 = arith.muli %scan3A_12, %mul3A_145 : i32
      %add3A_147 = arith.constant 5440 : i32
      %add3A_148 = arith.addi %add3A_147, %mul3A_146 : i32
      %get3A_149 = arith.index_cast %add3A_148 : i32 to index
      %get3A_150 = tpu.vector_load %arg4[%get3A_149] {strides = array<i32>} : memref<10240xf32, #tpu.memory_space<vmem>>, vector<16xf32>,
      %get3A_151 = vector.shape_cast %get3A_150 : vector<16xf32> to vector<16xf32>
      %add3A_152 = arith.addf %add3A_144, %get3A_151 : vector<16xf32>
      %mul3A_153 = arith.constant 16 : i32
      %mul3A_154 = arith.muli %scan3A_12, %mul3A_153 : i32
      %add3A_155 = arith.constant 5760 : i32
      %add3A_156 = arith.addi %add3A_155, %mul3A_154 : i32
      %get3A_157 = arith.index_cast %add3A_156 : i32 to index
      %get3A_158 = tpu.vector_load %arg4[%get3A_157] {strides = array<i32>} : memref<10240xf32, #tpu.memory_space<vmem>>, vector<16xf32>,
      %get3A_159 = vector.shape_cast %get3A_158 : vector<16xf32> to vector<16xf32>
      %add3A_160 = arith.addf %add3A_152, %get3A_159 : vector<16xf32>
      %mul3A_161 = arith.constant 16 : i32
      %mul3A_162 = arith.muli %scan3A_12, %mul3A_161 : i32
      %add3A_163 = arith.constant 6080 : i32
      %add3A_164 = arith.addi %add3A_163, %mul3A_162 : i32
      %get3A_165 = arith.index_cast %add3A_164 : i32 to index
      %get3A_166 = tpu.vector_load %arg4[%get3A_165] {strides = array<i32>} : memref<10240xf32, #tpu.memory_space<vmem>>, vector<16xf32>,
      %get3A_167 = vector.shape_cast %get3A_166 : vector<16xf32> to vector<16xf32>
      %add3A_168 = arith.addf %add3A_160, %get3A_167 : vector<16xf32>
      %mul3A_169 = arith.constant 16 : i32
      %mul3A_170 = arith.muli %scan3A_12, %mul3A_169 : i32
      %add3A_171 = arith.constant 6400 : i32
      %add3A_172 = arith.addi %add3A_171, %mul3A_170 : i32
      %get3A_173 = arith.index_cast %add3A_172 : i32 to index
      %get3A_174 = tpu.vector_load %arg4[%get3A_173] {strides = array<i32>} : memref<10240xf32, #tpu.memory_space<vmem>>, vector<16xf32>,
      %get3A_175 = vector.shape_cast %get3A_174 : vector<16xf32> to vector<16xf32>
      %add3A_176 = arith.addf %add3A_168, %get3A_175 : vector<16xf32>
      %mul3A_177 = arith.constant 16 : i32
      %mul3A_178 = arith.muli %scan3A_12, %mul3A_177 : i32
      %add3A_179 = arith.constant 6720 : i32
      %add3A_180 = arith.addi %add3A_179, %mul3A_178 : i32
      %get3A_181 = arith.index_cast %add3A_180 : i32 to index
      %get3A_182 = tpu.vector_load %arg4[%get3A_181] {strides = array<i32>} : memref<10240xf32, #tpu.memory_space<vmem>>, vector<16xf32>,
      %get3A_183 = vector.shape_cast %get3A_182 : vector<16xf32> to vector<16xf32>
      %add3A_184 = arith.addf %add3A_176, %get3A_183 : vector<16xf32>
      %mul3A_185 = arith.constant 16 : i32
      %mul3A_186 = arith.muli %scan3A_12, %mul3A_185 : i32
      %add3A_187 = arith.constant 7040 : i32
      %add3A_188 = arith.addi %add3A_187, %mul3A_186 : i32
      %get3A_189 = arith.index_cast %add3A_188 : i32 to index
      %get3A_190 = tpu.vector_load %arg4[%get3A_189] {strides = array<i32>} : memref<10240xf32, #tpu.memory_space<vmem>>, vector<16xf32>,
      %get3A_191 = vector.shape_cast %get3A_190 : vector<16xf32> to vector<16xf32>
      %add3A_192 = arith.addf %add3A_184, %get3A_191 : vector<16xf32>
      %mul3A_193 = arith.constant 16 : i32
      %mul3A_194 = arith.muli %scan3A_12, %mul3A_193 : i32
      %add3A_195 = arith.constant 7360 : i32
      %add3A_196 = arith.addi %add3A_195, %mul3A_194 : i32
      %get3A_197 = arith.index_cast %add3A_196 : i32 to index
      %get3A_198 = tpu.vector_load %arg4[%get3A_197] {strides = array<i32>} : memref<10240xf32, #tpu.memory_space<vmem>>, vector<16xf32>,
      %get3A_199 = vector.shape_cast %get3A_198 : vector<16xf32> to vector<16xf32>
      %add3A_200 = arith.addf %add3A_192, %get3A_199 : vector<16xf32>
      %mul3A_201 = arith.constant 16 : i32
      %mul3A_202 = arith.muli %scan3A_12, %mul3A_201 : i32
      %add3A_203 = arith.constant 7680 : i32
      %add3A_204 = arith.addi %add3A_203, %mul3A_202 : i32
      %get3A_205 = arith.index_cast %add3A_204 : i32 to index
      %get3A_206 = tpu.vector_load %arg4[%get3A_205] {strides = array<i32>} : memref<10240xf32, #tpu.memory_space<vmem>>, vector<16xf32>,
      %get3A_207 = vector.shape_cast %get3A_206 : vector<16xf32> to vector<16xf32>
      %add3A_208 = arith.addf %add3A_200, %get3A_207 : vector<16xf32>
      %mul3A_209 = arith.constant 16 : i32
      %mul3A_210 = arith.muli %scan3A_12, %mul3A_209 : i32
      %add3A_211 = arith.constant 8000 : i32
      %add3A_212 = arith.addi %add3A_211, %mul3A_210 : i32
      %get3A_213 = arith.index_cast %add3A_212 : i32 to index
      %get3A_214 = tpu.vector_load %arg4[%get3A_213] {strides = array<i32>} : memref<10240xf32, #tpu.memory_space<vmem>>, vector<16xf32>,
      %get3A_215 = vector.shape_cast %get3A_214 : vector<16xf32> to vector<16xf32>
      %add3A_216 = arith.addf %add3A_208, %get3A_215 : vector<16xf32>
      %mul3A_217 = arith.constant 16 : i32
      %mul3A_218 = arith.muli %scan3A_12, %mul3A_217 : i32
      %add3A_219 = arith.constant 8320 : i32
      %add3A_220 = arith.addi %add3A_219, %mul3A_218 : i32
      %get3A_221 = arith.index_cast %add3A_220 : i32 to index
      %get3A_222 = tpu.vector_load %arg4[%get3A_221] {strides = array<i32>} : memref<10240xf32, #tpu.memory_space<vmem>>, vector<16xf32>,
      %get3A_223 = vector.shape_cast %get3A_222 : vector<16xf32> to vector<16xf32>
      %add3A_224 = arith.addf %add3A_216, %get3A_223 : vector<16xf32>
      %mul3A_225 = arith.constant 16 : i32
      %mul3A_226 = arith.muli %scan3A_12, %mul3A_225 : i32
      %add3A_227 = arith.constant 8640 : i32
      %add3A_228 = arith.addi %add3A_227, %mul3A_226 : i32
      %get3A_229 = arith.index_cast %add3A_228 : i32 to index
      %get3A_230 = tpu.vector_load %arg4[%get3A_229] {strides = array<i32>} : memref<10240xf32, #tpu.memory_space<vmem>>, vector<16xf32>,
      %get3A_231 = vector.shape_cast %get3A_230 : vector<16xf32> to vector<16xf32>
      %add3A_232 = arith.addf %add3A_224, %get3A_231 : vector<16xf32>
      %mul3A_233 = arith.constant 16 : i32
      %mul3A_234 = arith.muli %scan3A_12, %mul3A_233 : i32
      %add3A_235 = arith.constant 8960 : i32
      %add3A_236 = arith.addi %add3A_235, %mul3A_234 : i32
      %get3A_237 = arith.index_cast %add3A_236 : i32 to index
      %get3A_238 = tpu.vector_load %arg4[%get3A_237] {strides = array<i32>} : memref<10240xf32, #tpu.memory_space<vmem>>, vector<16xf32>,
      %get3A_239 = vector.shape_cast %get3A_238 : vector<16xf32> to vector<16xf32>
      %add3A_240 = arith.addf %add3A_232, %get3A_239 : vector<16xf32>
      %mul3A_241 = arith.constant 16 : i32
      %mul3A_242 = arith.muli %scan3A_12, %mul3A_241 : i32
      %add3A_243 = arith.constant 9280 : i32
      %add3A_244 = arith.addi %add3A_243, %mul3A_242 : i32
      %get3A_245 = arith.index_cast %add3A_244 : i32 to index
      %get3A_246 = tpu.vector_load %arg4[%get3A_245] {strides = array<i32>} : memref<10240xf32, #tpu.memory_space<vmem>>, vector<16xf32>,
      %get3A_247 = vector.shape_cast %get3A_246 : vector<16xf32> to vector<16xf32>
      %add3A_248 = arith.addf %add3A_240, %get3A_247 : vector<16xf32>
      %mul3A_249 = arith.constant 16 : i32
      %mul3A_250 = arith.muli %scan3A_12, %mul3A_249 : i32
      %add3A_251 = arith.constant 9600 : i32
      %add3A_252 = arith.addi %add3A_251, %mul3A_250 : i32
      %get3A_253 = arith.index_cast %add3A_252 : i32 to index
      %get3A_254 = tpu.vector_load %arg4[%get3A_253] {strides = array<i32>} : memref<10240xf32, #tpu.memory_space<vmem>>, vector<16xf32>,
      %get3A_255 = vector.shape_cast %get3A_254 : vector<16xf32> to vector<16xf32>
      %add3A_256 = arith.addf %add3A_248, %get3A_255 : vector<16xf32>
      %mul3A_257 = arith.constant 16 : i32
      %mul3A_258 = arith.muli %scan3A_12, %mul3A_257 : i32
      %add3A_259 = arith.constant 9920 : i32
      %add3A_260 = arith.addi %add3A_259, %mul3A_258 : i32
      %get3A_261 = arith.index_cast %add3A_260 : i32 to index
      %get3A_262 = tpu.vector_load %arg4[%get3A_261] {strides = array<i32>} : memref<10240xf32, #tpu.memory_space<vmem>>, vector<16xf32>,
      %get3A_263 = vector.shape_cast %get3A_262 : vector<16xf32> to vector<16xf32>
      %add3A_264 = arith.addf %add3A_256, %get3A_263 : vector<16xf32>
      %mul3A_265 = arith.constant 16 : i32
      %mul3A_266 = arith.muli %scan3A_12, %mul3A_265 : i32
      %swap3A = arith.index_cast %mul3A_266 : i32 to index
      %swap3A_267 = tpu.vector_load %arg5[%swap3A] {strides = array<i32>} : memref<320xf32, #tpu.memory_space<vmem>>, vector<16xf32>,
      %swap3A_268 = vector.shape_cast %swap3A_267 : vector<16xf32> to vector<16xf32>
      %swap3A_269 = vector.shape_cast %add3A_264 : vector<16xf32> to vector<16xf32>
      tpu.vector_store %arg5[%swap3A], %swap3A_269 {strides = array<i32>} : memref<320xf32, #tpu.memory_space<vmem>>, vector<16xf32>,
    }
    %scan3A_9 = arith.constant 20 : i32
    %mul3A_10 = arith.constant 320 : i32
    %mul3A_11 = arith.muli %add3A, %mul3A_10 : i32
    "tpu.region"() ({
      %run_scoped3A = tpu.sem_alloc : memref<!tpu.dma_semaphore, #tpu.memory_space<semaphore_mem>>
      %dma_start3A = tpu.memref_slice %arg3[%mul3A_11] : memref<10240xf32, #tpu.memory_space<hbm>> -> memref<320xf32, #tpu.memory_space<hbm>>
      %dma_start3A_12 = tpu.memref_slice %arg3[%mul3A_11] : memref<10240xf32, #tpu.memory_space<hbm>> -> memref<320xf32, #tpu.memory_space<hbm>>
      tpu.enqueue_dma source(%arg5 : memref<320xf32, #tpu.memory_space<vmem>>) target(%dma_start3A_12 : memref<320xf32, #tpu.memory_space<hbm>>) target_semaphore(%run_scoped3A : memref<!tpu.dma_semaphore, #tpu.memory_space<semaphore_mem>>)
      %dma_wait3A = tpu.memref_slice %arg3[%mul3A_11] : memref<10240xf32, #tpu.memory_space<hbm>> -> memref<320xf32, #tpu.memory_space<hbm>>
      %dma_wait3A_13 = tpu.memref_slice %arg3[%mul3A_11] : memref<10240xf32, #tpu.memory_space<hbm>> -> memref<320xf32, #tpu.memory_space<hbm>>
      tpu.wait_dma2 semaphore(%run_scoped3A : memref<!tpu.dma_semaphore, #tpu.memory_space<semaphore_mem>>) src(%arg5 : memref<320xf32, #tpu.memory_space<vmem>>) dst(%dma_wait3A_13 : memref<320xf32, #tpu.memory_space<hbm>>)
      tpu.yield
    }) : () -> ()
    return
  }
}

module attributes {stable_mosaic.version = 14 : i64} {
  func.func @_t1_body(%arg0: i32, %arg1: memref<1024x1xf32, #tpu.memory_space<vmem>>, %arg2: memref<1024x128xf32, #tpu.memory_space<vmem>>, %arg3: memref<128x128xf32, #tpu.memory_space<vmem>>, %arg4: memref<1024x128xf32, #tpu.memory_space<vmem>>, %arg5: memref<1024x1xf32, #tpu.memory_space<vmem>>) attributes {dimension_semantics = [#tpu.dimension_semantics<arbitrary>], iteration_bounds = array<i64: 10>, scalar_prefetch = 0 : i64, scratch_operands = 0 : i64, tpu.core_type = #tpu.core_type<tc>, window_params = [{transform_indices = @transform_0, window_bounds = array<i64: 1024, 1>}, {transform_indices = @transform_1, window_bounds = array<i64: 1024, 128>}, {pipeline_mode = #tpu.pipeline_mode<synchronous>, transform_indices = @transform_2, window_bounds = array<i64: 128, 128>}, {transform_indices = @transform_3, window_bounds = array<i64: 1024, 128>}, {transform_indices = @transform_4, window_bounds = array<i64: 1024, 1>}]} {
    %get3A = arith.constant 0 : index
    %get3A_0 = arith.constant 0 : index
    %get3A_1 = vector.load %arg1[%get3A, %get3A_0] : memref<1024x1xf32, #tpu.memory_space<vmem>>, vector<1024x1xf32>
    %add3A = arith.constant 1.000000e+00 : f32
    %add3A_2 = vector.broadcast %add3A : f32 to vector<1024x1xf32>
    %add3A_3 = arith.addf %add3A_2, %get3A_1 : vector<1024x1xf32>
    %rsqrt3A = math.rsqrt %add3A_3 : vector<1024x1xf32>
    %get3A_4 = arith.constant 0 : index
    %get3A_5 = arith.constant 0 : index
    %get3A_6 = vector.load %arg2[%get3A_4, %get3A_5] : memref<1024x128xf32, #tpu.memory_space<vmem>>, vector<1024x128xf32>
    %get3A_7 = arith.constant 0 : index
    %get3A_8 = arith.constant 0 : index
    %get3A_9 = vector.load %arg3[%get3A_7, %get3A_8] : memref<128x128xf32, #tpu.memory_space<vmem>>, vector<128x128xf32>
    %dot_general3A = arith.constant dense<0.000000e+00> : vector<1024x128xf32>
    %dot_general3A_10 = tpu.matmul %get3A_6, %get3A_9, %dot_general3A {dimension_numbers = #tpu.dot_dimension_numbers<[1], [0], [0], [1], [0, 0, 1, 1], [], []>, transpose_lhs_hint = false} : vector<1024x128xf32>, vector<128x128xf32>, vector<1024x128xf32> -> vector<1024x128xf32>
    %mul3A = vector.broadcast %rsqrt3A : vector<1024x1xf32> to vector<1024x128xf32>
    %mul3A_11 = arith.mulf %dot_general3A_10, %mul3A : vector<1024x128xf32>
    %swap3A = arith.constant 0 : index
    %swap3A_12 = arith.constant 0 : index
    %swap3A_13 = vector.load %arg4[%swap3A, %swap3A_12] : memref<1024x128xf32, #tpu.memory_space<vmem>>, vector<1024x128xf32>
    tpu.vector_store %arg4[%swap3A, %swap3A_12], %mul3A_11 {strides = array<i32>} : memref<1024x128xf32, #tpu.memory_space<vmem>>, vector<1024x128xf32>,
    %swap3A_14 = arith.constant 0 : index
    %swap3A_15 = arith.constant 0 : index
    %swap3A_16 = vector.load %arg5[%swap3A_14, %swap3A_15] : memref<1024x1xf32, #tpu.memory_space<vmem>>, vector<1024x1xf32>
    tpu.vector_store %arg5[%swap3A_14, %swap3A_15], %rsqrt3A {strides = array<i32>} : memref<1024x1xf32, #tpu.memory_space<vmem>>, vector<1024x1xf32>,
    return
  }
  func.func @transform_0(%arg0: i32) -> (i32, i32) {
    %c0_i32 = arith.constant 0 : i32
    %c0_i32_0 = arith.constant 0 : i32
    return %arg0, %c0_i32 : i32, i32
  }
  func.func @transform_1(%arg0: i32) -> (i32, i32) {
    %c0_i32 = arith.constant 0 : i32
    %c0_i32_0 = arith.constant 0 : i32
    return %arg0, %c0_i32 : i32, i32
  }
  func.func @transform_2(%arg0: i32) -> (i32, i32) {
    %c0_i32 = arith.constant 0 : i32
    %c0_i32_0 = arith.constant 0 : i32
    %c0_i32_1 = arith.constant 0 : i32
    return %c0_i32, %c0_i32_0 : i32, i32
  }
  func.func @transform_3(%arg0: i32) -> (i32, i32) {
    %c0_i32 = arith.constant 0 : i32
    %c0_i32_0 = arith.constant 0 : i32
    return %arg0, %c0_i32 : i32, i32
  }
  func.func @transform_4(%arg0: i32) -> (i32, i32) {
    %c0_i32 = arith.constant 0 : i32
    %c0_i32_0 = arith.constant 0 : i32
    return %arg0, %c0_i32 : i32, i32
  }
}

module attributes {stable_mosaic.version = 14 : i64} {
  func.func @_t2_body(%arg0: i32, %arg1: memref<1024x128xf32, #tpu.memory_space<vmem>>, %arg2: memref<1024x128xf32, #tpu.memory_space<vmem>>, %arg3: memref<1024x1xf32, #tpu.memory_space<vmem>>, %arg4: memref<1x128xf32, #tpu.memory_space<vmem>>, %arg5: memref<128x128xf32, #tpu.memory_space<vmem>>, %arg6: memref<1024x128xf32, #tpu.memory_space<vmem>>) attributes {dimension_semantics = [#tpu.dimension_semantics<arbitrary>], iteration_bounds = array<i64: 10>, scalar_prefetch = 0 : i64, scratch_operands = 0 : i64, tpu.core_type = #tpu.core_type<tc>, window_params = [{transform_indices = @transform_0, window_bounds = array<i64: 1024, 128>}, {transform_indices = @transform_1, window_bounds = array<i64: 1024, 128>}, {transform_indices = @transform_2, window_bounds = array<i64: 1024, 1>}, {pipeline_mode = #tpu.pipeline_mode<synchronous>, transform_indices = @transform_3, window_bounds = array<i64: 1, 128>}, {pipeline_mode = #tpu.pipeline_mode<synchronous>, transform_indices = @transform_4, window_bounds = array<i64: 128, 128>}, {transform_indices = @transform_5, window_bounds = array<i64: 1024, 128>}]} {
    %get3A = arith.constant 0 : index
    %get3A_0 = arith.constant 0 : index
    %get3A_1 = vector.load %arg3[%get3A, %get3A_0] : memref<1024x1xf32, #tpu.memory_space<vmem>>, vector<1024x1xf32>
    %get3A_2 = arith.constant 0 : index
    %get3A_3 = arith.constant 0 : index
    %get3A_4 = vector.load %arg1[%get3A_2, %get3A_3] : memref<1024x128xf32, #tpu.memory_space<vmem>>, vector<1024x128xf32>
    %get3A_5 = arith.constant 0 : index
    %get3A_6 = arith.constant 0 : index
    %get3A_7 = vector.load %arg2[%get3A_5, %get3A_6] : memref<1024x128xf32, #tpu.memory_space<vmem>>, vector<1024x128xf32>
    %add3A = arith.addf %get3A_4, %get3A_7 : vector<1024x128xf32>
    %mul3A = vector.broadcast %get3A_1 : vector<1024x1xf32> to vector<1024x128xf32>
    %mul3A_8 = arith.mulf %mul3A, %add3A : vector<1024x128xf32>
    %get3A_9 = arith.constant 0 : index
    %get3A_10 = arith.constant 0 : index
    %get3A_11 = vector.load %arg4[%get3A_9, %get3A_10] : memref<1x128xf32, #tpu.memory_space<vmem>>, vector<1x128xf32>
    %add3A_12 = vector.broadcast %get3A_11 : vector<1x128xf32> to vector<1024x128xf32>
    %add3A_13 = arith.addf %mul3A_8, %add3A_12 : vector<1024x128xf32>
    %max3A = arith.constant 0.000000e+00 : f32
    %max3A_14 = vector.broadcast %max3A : f32 to vector<1024x128xf32>
    %max3A_15 = arith.maximumf %add3A_13, %max3A_14 : vector<1024x128xf32>
    %get3A_16 = arith.constant 0 : index
    %get3A_17 = arith.constant 0 : index
    %get3A_18 = vector.load %arg5[%get3A_16, %get3A_17] : memref<128x128xf32, #tpu.memory_space<vmem>>, vector<128x128xf32>
    %dot_general3A = arith.constant dense<0.000000e+00> : vector<1024x128xf32>
    %dot_general3A_19 = tpu.matmul %max3A_15, %get3A_18, %dot_general3A {dimension_numbers = #tpu.dot_dimension_numbers<[1], [0], [0], [1], [0, 0, 1, 1], [], []>, transpose_lhs_hint = false} : vector<1024x128xf32>, vector<128x128xf32>, vector<1024x128xf32> -> vector<1024x128xf32>
    %get3A_20 = arith.constant 0 : index
    %get3A_21 = arith.constant 0 : index
    %get3A_22 = vector.load %arg3[%get3A_20, %get3A_21] : memref<1024x1xf32, #tpu.memory_space<vmem>>, vector<1024x1xf32>
    %mul3A_23 = vector.broadcast %get3A_22 : vector<1024x1xf32> to vector<1024x128xf32>
    %mul3A_24 = arith.mulf %dot_general3A_19, %mul3A_23 : vector<1024x128xf32>
    %swap3A = arith.constant 0 : index
    %swap3A_25 = arith.constant 0 : index
    %swap3A_26 = vector.load %arg6[%swap3A, %swap3A_25] : memref<1024x128xf32, #tpu.memory_space<vmem>>, vector<1024x128xf32>
    tpu.vector_store %arg6[%swap3A, %swap3A_25], %mul3A_24 {strides = array<i32>} : memref<1024x128xf32, #tpu.memory_space<vmem>>, vector<1024x128xf32>,
    return
  }
  func.func @transform_0(%arg0: i32) -> (i32, i32) {
    %c0_i32 = arith.constant 0 : i32
    %c0_i32_0 = arith.constant 0 : i32
    return %arg0, %c0_i32 : i32, i32
  }
  func.func @transform_1(%arg0: i32) -> (i32, i32) {
    %c0_i32 = arith.constant 0 : i32
    %c0_i32_0 = arith.constant 0 : i32
    return %arg0, %c0_i32 : i32, i32
  }
  func.func @transform_2(%arg0: i32) -> (i32, i32) {
    %c0_i32 = arith.constant 0 : i32
    %c0_i32_0 = arith.constant 0 : i32
    return %arg0, %c0_i32 : i32, i32
  }
  func.func @transform_3(%arg0: i32) -> (i32, i32) {
    %c0_i32 = arith.constant 0 : i32
    %c0_i32_0 = arith.constant 0 : i32
    %c0_i32_1 = arith.constant 0 : i32
    return %c0_i32, %c0_i32_0 : i32, i32
  }
  func.func @transform_4(%arg0: i32) -> (i32, i32) {
    %c0_i32 = arith.constant 0 : i32
    %c0_i32_0 = arith.constant 0 : i32
    %c0_i32_1 = arith.constant 0 : i32
    return %c0_i32, %c0_i32_0 : i32, i32
  }
  func.func @transform_5(%arg0: i32) -> (i32, i32) {
    %c0_i32 = arith.constant 0 : i32
    %c0_i32_0 = arith.constant 0 : i32
    return %arg0, %c0_i32 : i32, i32
  }
}

module attributes {stable_mosaic.version = 14 : i64} {
  func.func @_t3_body(%arg0: i32, %arg1: memref<1024x128xf32, #tpu.memory_space<vmem>>, %arg2: memref<1024x128xf32, #tpu.memory_space<vmem>>, %arg3: memref<1024x1xf32, #tpu.memory_space<vmem>>, %arg4: memref<1024x1xi32, #tpu.memory_space<vmem>>, %arg5: memref<1x128xf32, #tpu.memory_space<vmem>>, %arg6: memref<128x1xf32, #tpu.memory_space<vmem>>, %arg7: memref<1x1xf32, #tpu.memory_space<smem>>, %arg8: memref<64x1xf32, #tpu.memory_space<vmem>>, %arg9: memref<64x128xf32, #tpu.memory_space<vmem>>, %arg10: memref<64x128xf32, #tpu.memory_space<vmem>>) attributes {dimension_semantics = [#tpu.dimension_semantics<arbitrary>], iteration_bounds = array<i64: 10>, scalar_prefetch = 0 : i64, scratch_operands = 2 : i64, tpu.core_type = #tpu.core_type<tc>, window_params = [{transform_indices = @transform_0, window_bounds = array<i64: 1024, 128>}, {transform_indices = @transform_1, window_bounds = array<i64: 1024, 128>}, {transform_indices = @transform_2, window_bounds = array<i64: 1024, 1>}, {transform_indices = @transform_3, window_bounds = array<i64: 1024, 1>}, {pipeline_mode = #tpu.pipeline_mode<synchronous>, transform_indices = @transform_4, window_bounds = array<i64: 1, 128>}, {pipeline_mode = #tpu.pipeline_mode<synchronous>, transform_indices = @transform_5, window_bounds = array<i64: 128, 1>}, {transform_indices = @transform_6, window_bounds = array<i64: 1, 1>}, {pipeline_mode = #tpu.pipeline_mode<synchronous>, transform_indices = @transform_7, window_bounds = array<i64: 64, 1>}]} {
    %eq3A = arith.constant 0 : i32
    %eq3A_0 = arith.cmpi eq, %arg0, %eq3A : i32
    %convert_element_type3A = arith.extui %eq3A_0 : i1 to i32
    %cond3A = arith.constant 0 : i32
    %cond3A_1 = arith.cmpi ne, %convert_element_type3A, %cond3A : i32
    scf.if %cond3A_1 {
      %broadcast_in_dim3A_40 = arith.constant 0.000000e+00 : f32
      %broadcast_in_dim3A_41 = vector.broadcast %broadcast_in_dim3A_40 : f32 to vector<64x128xf32>
      %swap3A_42 = arith.constant 0 : index
      %swap3A_43 = arith.constant 0 : index
      %swap3A_44 = vector.load %arg9[%swap3A_42, %swap3A_43] : memref<64x128xf32, #tpu.memory_space<vmem>>, vector<64x128xf32>
      tpu.vector_store %arg9[%swap3A_42, %swap3A_43], %broadcast_in_dim3A_41 {strides = array<i32>} : memref<64x128xf32, #tpu.memory_space<vmem>>, vector<64x128xf32>,
      %broadcast_in_dim3A_45 = arith.constant 0.000000e+00 : f32
      %broadcast_in_dim3A_46 = vector.broadcast %broadcast_in_dim3A_45 : f32 to vector<64x128xf32>
      %swap3A_47 = arith.constant 0 : index
      %swap3A_48 = arith.constant 0 : index
      %swap3A_49 = vector.load %arg10[%swap3A_47, %swap3A_48] : memref<64x128xf32, #tpu.memory_space<vmem>>, vector<64x128xf32>
      tpu.vector_store %arg10[%swap3A_47, %swap3A_48], %broadcast_in_dim3A_46 {strides = array<i32>} : memref<64x128xf32, #tpu.memory_space<vmem>>, vector<64x128xf32>,
    } else {
    }
    %get3A = arith.constant 0 : index
    %get3A_2 = arith.constant 0 : index
    %get3A_3 = vector.load %arg3[%get3A, %get3A_2] : memref<1024x1xf32, #tpu.memory_space<vmem>>, vector<1024x1xf32>
    %get3A_4 = arith.constant 0 : index
    %get3A_5 = arith.constant 0 : index
    %get3A_6 = vector.load %arg1[%get3A_4, %get3A_5] : memref<1024x128xf32, #tpu.memory_space<vmem>>, vector<1024x128xf32>
    %get3A_7 = arith.constant 0 : index
    %get3A_8 = arith.constant 0 : index
    %get3A_9 = vector.load %arg2[%get3A_7, %get3A_8] : memref<1024x128xf32, #tpu.memory_space<vmem>>, vector<1024x128xf32>
    %add3A = arith.addf %get3A_6, %get3A_9 : vector<1024x128xf32>
    %mul3A = vector.broadcast %get3A_3 : vector<1024x1xf32> to vector<1024x128xf32>
    %mul3A_10 = arith.mulf %mul3A, %add3A : vector<1024x128xf32>
    %get3A_11 = arith.constant 0 : index
    %get3A_12 = arith.constant 0 : index
    %get3A_13 = vector.load %arg4[%get3A_11, %get3A_12] : memref<1024x1xi32, #tpu.memory_space<vmem>>, vector<1024x1xi32>
    %iota3A = tpu.iota {dimensions = array<i32: 1>} : vector<1024x64xi32>
    %eq3A_14 = vector.broadcast %get3A_13 : vector<1024x1xi32> to vector<1024x64xi32>
    %eq3A_15 = arith.cmpi eq, %eq3A_14, %iota3A : vector<1024x64xi32>
    %convert_element_type3A_16 = arith.extui %eq3A_15 : vector<1024x64xi1> to vector<1024x64xi32>
    %convert_element_type3A_17 = arith.sitofp %convert_element_type3A_16 : vector<1024x64xi32> to vector<1024x64xf32>
    %get3A_18 = arith.constant 0 : index
    %get3A_19 = arith.constant 0 : index
    %get3A_20 = vector.load %arg9[%get3A_18, %get3A_19] : memref<64x128xf32, #tpu.memory_space<vmem>>, vector<64x128xf32>
    %dot_general3A = arith.constant dense<0.000000e+00> : vector<64x128xf32>
    %dot_general3A_21 = tpu.matmul %convert_element_type3A_17, %mul3A_10, %dot_general3A {dimension_numbers = #tpu.dot_dimension_numbers<[0], [0], [1], [1], [0, 1, 1, 1], [], []>, transpose_lhs_hint = false} : vector<1024x64xf32>, vector<1024x128xf32>, vector<64x128xf32> -> vector<64x128xf32>
    %add3A_22 = arith.addf %get3A_20, %dot_general3A_21 : vector<64x128xf32>
    %swap3A = arith.constant 0 : index
    %swap3A_23 = arith.constant 0 : index
    %swap3A_24 = vector.load %arg9[%swap3A, %swap3A_23] : memref<64x128xf32, #tpu.memory_space<vmem>>, vector<64x128xf32>
    tpu.vector_store %arg9[%swap3A, %swap3A_23], %add3A_22 {strides = array<i32>} : memref<64x128xf32, #tpu.memory_space<vmem>>, vector<64x128xf32>,
    %get3A_25 = arith.constant 0 : index
    %get3A_26 = arith.constant 0 : index
    %get3A_27 = vector.load %arg10[%get3A_25, %get3A_26] : memref<64x128xf32, #tpu.memory_space<vmem>>, vector<64x128xf32>
    %broadcast_in_dim3A = arith.constant 1.000000e+00 : f32
    %broadcast_in_dim3A_28 = vector.broadcast %broadcast_in_dim3A : f32 to vector<1024x128xf32>
    %dot_general3A_29 = arith.constant dense<0.000000e+00> : vector<64x128xf32>
    %dot_general3A_30 = tpu.matmul %convert_element_type3A_17, %broadcast_in_dim3A_28, %dot_general3A_29 {dimension_numbers = #tpu.dot_dimension_numbers<[0], [0], [1], [1], [0, 1, 1, 1], [], []>, transpose_lhs_hint = false} : vector<1024x64xf32>, vector<1024x128xf32>, vector<64x128xf32> -> vector<64x128xf32>
    %add3A_31 = arith.addf %get3A_27, %dot_general3A_30 : vector<64x128xf32>
    %swap3A_32 = arith.constant 0 : index
    %swap3A_33 = arith.constant 0 : index
    %swap3A_34 = vector.load %arg10[%swap3A_32, %swap3A_33] : memref<64x128xf32, #tpu.memory_space<vmem>>, vector<64x128xf32>
    tpu.vector_store %arg10[%swap3A_32, %swap3A_33], %add3A_31 {strides = array<i32>} : memref<64x128xf32, #tpu.memory_space<vmem>>, vector<64x128xf32>,
    %eq3A_35 = arith.constant 9 : i32
    %eq3A_36 = arith.cmpi eq, %arg0, %eq3A_35 : i32
    %convert_element_type3A_37 = arith.extui %eq3A_36 : i1 to i32
    %cond3A_38 = arith.constant 0 : i32
    %cond3A_39 = arith.cmpi ne, %convert_element_type3A_37, %cond3A_38 : i32
    scf.if %cond3A_39 {
      %get3A_40 = arith.constant 0 : index
      %get3A_41 = arith.constant 0 : index
      %get3A_42 = vector.load %arg10[%get3A_40, %get3A_41] : memref<64x128xf32, #tpu.memory_space<vmem>>, vector<64x128xf32>
      %get3A_43 = arith.constant 0 : index
      %get3A_44 = arith.constant 0 : index
      %get3A_45 = vector.load %arg9[%get3A_43, %get3A_44] : memref<64x128xf32, #tpu.memory_space<vmem>>, vector<64x128xf32>
      %get3A_46 = arith.constant 0 : index
      %get3A_47 = arith.constant 0 : index
      %get3A_48 = vector.load %arg5[%get3A_46, %get3A_47] : memref<1x128xf32, #tpu.memory_space<vmem>>, vector<1x128xf32>
      %mul3A_49 = vector.broadcast %get3A_48 : vector<1x128xf32> to vector<64x128xf32>
      %mul3A_50 = arith.mulf %get3A_42, %mul3A_49 : vector<64x128xf32>
      %add3A_51 = arith.addf %get3A_45, %mul3A_50 : vector<64x128xf32>
      %max3A = arith.constant 1.000000e+00 : f32
      %max3A_52 = vector.broadcast %max3A : f32 to vector<64x128xf32>
      %max3A_53 = arith.maximumf %get3A_42, %max3A_52 : vector<64x128xf32>
      %div3A = arith.divf %add3A_51, %max3A_53 : vector<64x128xf32>
      %get3A_54 = arith.constant 0 : index
      %get3A_55 = arith.constant 0 : index
      %get3A_56 = vector.load %arg6[%get3A_54, %get3A_55] : memref<128x1xf32, #tpu.memory_space<vmem>>, vector<128x1xf32>
      %dot_general3A_57 = arith.constant dense<0.000000e+00> : vector<64x1xf32>
      %dot_general3A_58 = tpu.matmul %div3A, %get3A_56, %dot_general3A_57 {dimension_numbers = #tpu.dot_dimension_numbers<[1], [0], [0], [1], [0, 0, 1, 1], [], []>, transpose_lhs_hint = false} : vector<64x128xf32>, vector<128x1xf32>, vector<64x1xf32> -> vector<64x1xf32>
      %get3A_59 = arith.constant 0 : index
      %get3A_60 = arith.constant 0 : index
      %get3A_61 = memref.load %arg7[%get3A_59, %get3A_60] : memref<1x1xf32, #tpu.memory_space<smem>>
      %add3A_62 = vector.broadcast %get3A_61 : f32 to vector<64x1xf32>
      %add3A_63 = arith.addf %dot_general3A_58, %add3A_62 : vector<64x1xf32>
      %swap3A_64 = arith.constant 0 : index
      %swap3A_65 = arith.constant 0 : index
      %swap3A_66 = vector.load %arg8[%swap3A_64, %swap3A_65] : memref<64x1xf32, #tpu.memory_space<vmem>>, vector<64x1xf32>
      tpu.vector_store %arg8[%swap3A_64, %swap3A_65], %add3A_63 {strides = array<i32>} : memref<64x1xf32, #tpu.memory_space<vmem>>, vector<64x1xf32>,
    } else {
    }
    return
  }
  func.func @transform_0(%arg0: i32) -> (i32, i32) {
    %c0_i32 = arith.constant 0 : i32
    %c0_i32_0 = arith.constant 0 : i32
    return %arg0, %c0_i32 : i32, i32
  }
  func.func @transform_1(%arg0: i32) -> (i32, i32) {
    %c0_i32 = arith.constant 0 : i32
    %c0_i32_0 = arith.constant 0 : i32
    return %arg0, %c0_i32 : i32, i32
  }
  func.func @transform_2(%arg0: i32) -> (i32, i32) {
    %c0_i32 = arith.constant 0 : i32
    %c0_i32_0 = arith.constant 0 : i32
    return %arg0, %c0_i32 : i32, i32
  }
  func.func @transform_3(%arg0: i32) -> (i32, i32) {
    %c0_i32 = arith.constant 0 : i32
    %c0_i32_0 = arith.constant 0 : i32
    return %arg0, %c0_i32 : i32, i32
  }
  func.func @transform_4(%arg0: i32) -> (i32, i32) {
    %c0_i32 = arith.constant 0 : i32
    %c0_i32_0 = arith.constant 0 : i32
    %c0_i32_1 = arith.constant 0 : i32
    return %c0_i32, %c0_i32_0 : i32, i32
  }
  func.func @transform_5(%arg0: i32) -> (i32, i32) {
    %c0_i32 = arith.constant 0 : i32
    %c0_i32_0 = arith.constant 0 : i32
    %c0_i32_1 = arith.constant 0 : i32
    return %c0_i32, %c0_i32_0 : i32, i32
  }
  func.func @transform_6(%arg0: i32) -> (i32, i32) {
    %c0_i32 = arith.constant 0 : i32
    %c0_i32_0 = arith.constant 0 : i32
    %c0_i32_1 = arith.constant 0 : i32
    return %c0_i32, %c0_i32_0 : i32, i32
  }
  func.func @transform_7(%arg0: i32) -> (i32, i32) {
    %c0_i32 = arith.constant 0 : i32
    %c0_i32_0 = arith.constant 0 : i32
    %c0_i32_1 = arith.constant 0 : i32
    return %c0_i32, %c0_i32_0 : i32, i32
  }
}

</mosaic_0001>

<sc_bundles>
// kernel: kernel.12.cloned.1.call-start
scs
__scs_entry_jumppad:
0x0: {  	(pc) =	sbr.rel $0x88, $3  }
0x1: {  	(tag) =	ssettag $0x0;
	lr =	simm.s32 $0x1  }
0x2: {  	[smem:$0x3F98] =	sst lr;
	_ =	strace $0xD0000000  }
0x3: {  	_ = 	snop  }
0x4: {  	_ = 	snop  }
0x5: {  	_ = 	snop  }
0x6: {  	_ = 	snop  }
0x7: {  	_ = 	snop  }
__scs_overlays_trampoline_lowered:
0x8: {  	[smem:$0x3FA7] =	sst s0  }
0x9: {  	[smem:$0x3FA8] =	sst s1  }
0xa: {  	[smem:$0x3FA9] =	sst s2  }
0xb: {  	[smem:$0x3FAA] =	sst s3  }
0xc: {  	[smem:$0x3FAB] =	sst s4  }
0xd: {  	[smem:$0x3FAC] =	sst s5  }
0xe: {  	[smem:$0x3FAD] =	sst s6  }
0xf: {  	[smem:$0x3FAE] =	sst s7  }
0x10: {  	[smem:$0x3FAF] =	sst s8  }
0x11: {  	[smem:$0x3FB0] =	sst s9;
	s0 =	simm.s32 @!p0 $0x0  }
0x12: {  	s1 =	sld [smem:$0x3F96];
	s0 =	simm.s32 @p0 $0x1  }
0x13: {  	[smem:$0x3FB1] =	sst s0;
	s0 =	simm.s32 @!p1 $0x0  }
0x14: {  	s2 =	sld [smem:$0x3F95];
	s0 =	simm.s32 @p1 $0x1  }
0x15: {  	[smem:$0x3FB2] =	sst s0;
	s0 =	simm.s32 @!p2 $0x0  }
0x16: {  	s3 =	sld [smem:$0x3FDB];
	s0 =	simm.s32 @p2 $0x1  }
0x17: {  	s4 =	simm.s32 $0x1BF5;
	[smem:$0x3FB4] =	sst s0  }
0x18: {  	s0 =	sld [smem:$0x3F97];
	_ =	swait.ge [sflag:s4], $0x0  }
0x19: {  	s7 =	sld [smem:$0x3F98]  }
0x1a: {  	s8 =	sadd.s32 $0xFFFFE003, lr  }
0x1b: {  	s9 =	sadd.s32 $0xFFFFFEF7, lr;
	s5 =	simm.s32 $0xFFFFFFFF;
	p2 =	slt.u32 s8, $0xFFFFF086  }
0x1c: {  	p1 =	slt.u32 s9, $0xF7A;
	s5 =	simm.s32 @!p2 $0x0  }
0x1d: {  	s5 =	simm.s32 @p1 $0x1;
	p0 =	seq.s32 s7, s2  }
0x1e: {  	s7 =	smul.u32 @!p0 $0xF7A, s2;
	p2 =	seq.s32 @!p0 s5, $0x0  }
0x1f: {  	s9 =	smul.u32 $0xF7A, s1;
	s8 =	simm.s32 @!p0 $0x1BF5;
	p2 =	por !p2, p0  }
0x20: {  	[sflag:s8] =	ssyncset.s32 @!p0 $0xFFFFF086;
	s6 =	sadd.s32 @!p0 s3, s7;
	s7 =	simm.s32 @!p0 $0x108  }
0x21: {  	s3 =	sadd.s32 s3, s9;
	s6 =	sadd.s32 @!p0 $0x88, s6;
	s7 =	simm.s32 @p2 $0x1082  }
0x22: {  	[simem:s7], [sflag:s8] =	dma.local @!p0 [hbm:s6], $0xF7A  }
0x23: {  	s9 =	sor.u32 $0xD0000000, s2;
	s6 =	simm.s32 $0x108;
	_ =	swait.ge @!p0 [sflag:s8], $0x0  }
0x24: {  	s3 =	sadd.s32 $0x88, s3;
	s6 =	simm.s32 @!p1 $0x1082;
	[sflag:s4] =	ssyncset.s32 $0xFFFFF086  }
0x25: {  	[simem:s6], [sflag:s4] =	dma.local [hbm:s3], $0xF7A  }
0x26: {  	[smem:$0x3F98] =	sst s1;
	(tag) =	ssettag s2;
	_ =	strace s9  }
0x27: {  	s1 =	sld [smem:$0x3FA8]  }
0x28: {  	s2 =	sld [smem:$0x3FA9]  }
0x29: {  	s4 =	sld [smem:$0x3FAB]  }
0x2a: {  	p0 =	seq.s32 s5, $0x0;
	s5 =	sld [smem:$0x3FAC]  }
0x2b: {  	s6 =	sld [smem:$0x3FAD]  }
0x2c: {  	s7 =	sld [smem:$0x3FAE]  }
0x2d: {  	s3 =	simm.s32 $0x108;
	s8 =	sld [smem:$0x3FAF]  }
0x2e: {  	s3 =	simm.s32 @!p0 $0x1082;
	s9 =	sld [smem:$0x3FB0]  }
0x2f: {  	lr =	sadd.s32 s0, s3;
	s0 =	sld [smem:$0x3FA7]  }
0x30: {  	s3 =	sld [smem:$0x3FAA]  }
0x31: {  	[smem:$0x3FB3] =	sst s10  }
0x32: {  	s10 =	sld [smem:$0x3FB1];
	_ =	sdelay $0x3  }
0x33: {  	p0 =	seq.s32 s10, $0x1;
	s10 =	sld [smem:$0x3FB3];
	_ =	sdelay $0x3  }
0x34: {  	[smem:$0x3FB3] =	sst s10  }
0x35: {  	s10 =	sld [smem:$0x3FB2];
	_ =	sdelay $0x3  }
0x36: {  	p1 =	seq.s32 s10, $0x1;
	s10 =	sld [smem:$0x3FB3];
	_ =	sdelay $0x3  }
0x37: {  	[smem:$0x3FB3] =	sst s10  }
0x38: {  	s10 =	sld [smem:$0x3FB4]  }
0x39: {  	_ = 	snop;
	(pc) =	sbr.ind lr, $3  }
0x3a: {  	_ = 	snop  }
0x3b: {  	_ = 	snop  }
0x3c: {  	p2 =	seq.s32 s10, $0x1;
	s10 =	sld [smem:$0x3FB3]  }
0x3d: {  	_ =	shalt  }
0x3e: {  	_ =	shalt  }
0x3f: {  	_ =	shalt  }
0x40: {  	_ =	shalt  }
0x41: {  	_ =	shalt  }
0x42: {  	_ =	shalt  }
0x43: {  	_ =	shalt  }
0x44: {  	_ =	shalt  }
0x45: {  	_ =	shalt  }
0x46: {  	_ =	shalt  }
0x47: {  	_ =	shalt  }
0x48: {  	_ =	shalt  }
0x49: {  	_ =	shalt  }
0x4a: {  	_ =	shalt  }
0x4b: {  	_ =	shalt  }
0x4c: {  	_ =	shalt  }
0x4d: {  	_ =	shalt  }
0x4e: {  	_ =	shalt  }
0x4f: {  	_ =	shalt  }
0x50: {  	_ =	shalt  }
0x51: {  	_ =	shalt  }
0x52: {  	_ =	shalt  }
0x53: {  	_ =	shalt  }
0x54: {  	_ =	shalt  }
0x55: {  	_ =	shalt  }
0x56: {  	_ =	shalt  }
0x57: {  	_ =	shalt  }
0x58: {  	_ =	shalt  }
0x59: {  	_ =	shalt  }
0x5a: {  	_ =	shalt  }
0x5b: {  	_ =	shalt  }
0x5c: {  	_ =	shalt  }
0x5d: {  	_ =	shalt  }
0x5e: {  	_ =	shalt  }
0x5f: {  	_ =	shalt  }
0x60: {  	_ =	shalt  }
0x61: {  	_ =	shalt  }
0x62: {  	_ =	shalt  }
0x63: {  	_ =	shalt  }
0x64: {  	_ =	shalt  }
0x65: {  	_ =	shalt  }
0x66: {  	_ =	shalt  }
0x67: {  	_ =	shalt  }
0x68: {  	_ =	shalt  }
0x69: {  	_ =	shalt  }
0x6a: {  	_ =	shalt  }
0x6b: {  	_ =	shalt  }
0x6c: {  	_ =	shalt  }
0x6d: {  	_ =	shalt  }
0x6e: {  	_ =	shalt  }
0x6f: {  	_ =	shalt  }
0x70: {  	_ =	shalt  }
0x71: {  	_ =	shalt  }
0x72: {  	_ =	shalt  }
0x73: {  	_ =	shalt  }
0x74: {  	_ =	shalt  }
0x75: {  	_ =	shalt  }
0x76: {  	_ =	shalt  }
0x77: {  	_ =	shalt  }
0x78: {  	_ =	shalt  }
0x79: {  	_ =	shalt  }
0x7a: {  	_ =	shalt  }
0x7b: {  	_ =	shalt  }
0x7c: {  	_ =	shalt  }
0x7d: {  	_ =	shalt  }
0x7e: {  	_ =	shalt  }
0x7f: {  	_ =	shalt  }
0x80: {  	_ =	shalt  }
0x81: {  	_ =	shalt  }
0x82: {  	_ =	shalt  }
0x83: {  	_ =	shalt  }
0x84: {  	_ =	shalt  }
0x85: {  	_ =	shalt  }
0x86: {  	_ =	shalt  }
0x87: {  	_ =	shalt  }
.Lfunc_end0:
.L_simem_size_0:
called_computation.1_lowered:
.L_overlay_start_0:
0x88: {  	s2 =	sld [smem:$0x3FD9]  }
0x89: {  	s3 =	sld [smem:$0x3FFE];
	_ =	sdelay $0x1  }
0x8a: {  	s1 =	srdreg.scid  }
0x8b: {  	s0 =	sand.u32 $0x1, s1  }
0x8c: {  	s16 =	sshll.u32 s0, $0xA;
	s2 =	sadd.s32 s3, s2  }
0x8d: {  	s2 =	sadd.s32 s2, s16  }
0x8e: {  	[smem:$0x3FBF] =	sst s2  }
0x8f: {  	_ = 	snop  }
0x90: {  	(tm) =	ssettm $0x1  }
0x91: {  	s17 =	sld [smem:$0x3FFB];
	_ =	sdelay $0x3  }
0x92: {  	_ =	strace s17  }
0x93: {  	s2 =	sld [smem:$0x3FFC];
	_ =	sdelay $0x3  }
0x94: {  	_ =	strace s2  }
0x95: {  	s2 =	sld [smem:$0x3FFD];
	_ =	sdelay $0x3  }
0x96: {  	_ =	strace s2  }
0x97: {  	_ =	strace $0x8FFFFFFF  }
0x98: {  	s18 =	sld [smem:$0x3FDB];
	_ =	sdelay $0x1  }
0x99: {  	s19 =	simm.s32 $_scs_section_size  }
0x9a: {  	s4 =	simm.s32 $_size__tile_overlayer_lowered;
	s5 =	simm.s32 $_tile_overlayer_lowered  }
0x9b: {  	s22 =	simm.s32 $0x1BFF;
	s21 =	sshll.u32 s5, $0x1;
	s2 =	sadd.s32 s19, s18  }
0x9c: {  	s6 =	simm.s32 $0x0;
	s20 =	sshll.u32 s4, $0x1;
	s4 =	sadd.s32 s21, s2  }
0x9d: {  	[timem:s6], [sflag:s22] =	dma.local [hbm:s4], s20  }
0x9e: {  	_ =	swait.ge [sflag:s22], s20  }
0x9f: {  	s3 =	ssub.s32 $0x0, s20;
	[sflag:s22] =	ssyncset.done $0x0  }
0xa0: {  	[sflag:s22] =	ssyncadd.s32 s3;
	_ =	sdelay $0x1  }
0xa1: {  	s23 =	simm.s32 $0x1B8B  }
0xa2: {  	_ =	swait.ge [sflag:s23], $0x1  }
0xa3: {  	[sflag:s23] =	ssyncset.done $0x0  }
0xa4: {  	s25 =	simm.s32 $0x1B8E;
	s24 =	sld [smem:$0x3FFE];
	[sflag:s23] =	ssyncadd.s32 $0xFFFFFFFF  }
0xa5: {  	s26 =	simm.s32 $execute0_lowered;
	[smem:$0x3FD2] =	sst s25  }
0xa6: {  	s4 =	sshll.u32 s26, $0x1;
	_ =	strace $0x80000049;
	[dreg:$0x1] =	wrdreg $0xFFFFFFFF  }
0xa7: {  	s28 =	simm.s32 $_size_execute0_lowered;
	s2 =	sadd.s32 s2, s4;
	[dreg:$0x0] =	wrdreg $0x0  }
0xa8: {  	s4 =	sshll.u32 s28, $0x1;
	[dreg:$0x2] =	wrdreg s2  }
0xa9: {  	[dreg:$0x3] =	wrdreg s4  }
0xaa: {  	[dreg:$0x4] =	wrdreg $0xC0  }
0xab: {  	_ =	task [dreg:s6], $0x5FFFF  }
0xac: {  	[dreg:$0x1] =	wrdreg $0xFFFFFFFF  }
0xad: {  	[dreg:$0x0] =	wrdreg $0x60  }
0xae: {  	[dreg:$0x2] =	wrdreg s24  }
0xaf: {  	[dreg:$0x3] =	wrdreg $0x9  }
0xb0: {  	_ =	task.clear_ibuf [dreg:s6], $0x4FFFF;
	_ =	strace $0x90000049  }
0xb1: {  	s29 =	simm.s32 $0x9;
	_ =	strace $0x8000004B  }
0xb2: {  	_ =	swait.ge [sflag:s29], $0x1  }
0xb3: {  	[sflag:s29] =	ssyncadd.s32 $0xFFFFFFFF  }
0xb4: {  	_ =	strace $0x9000004B  }
0xb5: {  	_ =	sfence  }
0xb6: {  	s30 =	sld [smem:$0x0];
	_ =	sdelay $0x2  }
0xb7: {  	s31 =	sshll.u32 s1, $0xD;
	s1 =	sshrl.u32 s1, $0x2  }
0xb8: {  	s3 =	sand.u32 $0x4000, s31;
	s1 =	sadd.s32 s1, s30  }
0xb9: {  	s0 =	sor.u32 s3, s0;
	s1 =	sshll.u32 s1, $0x11  }
0xba: {  	s0 =	sor.u32 s1, s0  }
0xbb: {  	s0 =	sadd.s32 $0x8F2B, s0  }
0xbc: {  	[sflag:s0] =	ssyncadd.remote.s32 $0x1  }
0xbd: {  	_ =	sfence.sel $0xFFFF  }
0xbe: {  	[dreg:$0x0] =	wrdreg $0xFFFFFFFF;
	(pc) =	sbr.abs _section_cstart, $3  }
0xbf: {  	[dreg:$0x1] =	wrdreg $0xFFFFFFFF  }
0xc0: {  	_ =	task.clear_ibuf [dreg:s6], $0x2FFFF;
	_ =	strace $0x9FFFFFFF  }
0xc1: {  	(tm) =	ssettm $0x7FFFFFFF  }
tec
execute0_lowered:
.L_overlay_start_1:
0x0: {  	(tag) =	ssettag $0x1  }
0x1: {  	s1 =	srdreg.scid;
	s0 =	stileid.u32  }
0x2: {  	s4 =	rddreg [dreg:$0x0];
	s3 =	sand.u32 $0x1, s1;
	s30 =	sshll.u32 s0, $0x1  }
0x3: {  	s2 =	simm.s32 $0x0;
	s8 =	simm.s32 $0x0;
	s5 =	sor.u32 s3, s30  }
0x4: {  	s1 =	rddreg [dreg:$0x1];
	s3 =	ssub.s32 $0x2, s3;
	s6 =	smul.u32 $0x500, s5  }
0x5: {  	[smem:$0x7FF] =	sst s2;
	s5 =	smul.u32 $0x28, s5;
	s7 =	sshrl.u32 s3, $0x1  }
0x6: {  	_ =	strace $0x8000004A;
	s31 =	ssub.s32 s3, s7;
	s7 =	simm.s32 $0x2800  }
0x7: {  	s6 =	sadd.s32 s6, s4;
	s4 =	sadd.s32 s5, s4;
	s5 =	smax.u32 s31, $0x1  }
0x8: {  	s3 =	sadd.s32 $0x13000, s6;
	s4 =	sadd.s32 $0x1D000, s4;
	s6 =	simm.s32 $0x1  }
.LBB2_1:
0x9: {  	[tilespmem:s2], [sflag:$0x1] =	stream.linear.gather [hbm4b:s3+s2], $0x2800, $0x38;
	[tilespmem:$0x2980] =	vst v63  }
0xa: {  	_ =	swait.ge [sflag:s6], $0x2800  }
0xb: {  	[sflag:s6] =	ssyncset.done $0x0  }
0xc: {  	s9 =	simm.s32 $0x1540;
	[sflag:s6] =	ssyncadd.s32 $0xFFFFD800  }
0xd: {  	v0 =	vld [tilespmem:s9+$0xFFFFEC00]  }
0xe: {  	v1 =	vld [tilespmem:s9+$0xFFFFEAC0]  }
0xf: {  	s10 =	sand.u32 $0x1F0, s2  }
0x10: {  	v2 =	vld [tilespmem:s10+$0x280];
	_ =	sdelay $0x1  }
0x11: {  	v3 =	vld [tilespmem:s9+$0xFFFFEE80]  }
0x12: {  	v0 =	vadd.f32 v0, v1  }
0x13: {  	v1 =	vld [tilespmem:s10+$0x500]  }
0x14: {  	v0 =	vadd.f32 v2, v0  }
0x15: {  	v2 =	vld [tilespmem:s9+$0xFFFFF100]  }
0x16: {  	v0 =	vadd.f32 v3, v0  }
0x17: {  	v3 =	vld [tilespmem:s10+$0x780]  }
0x18: {  	v0 =	vadd.f32 v1, v0  }
0x19: {  	v1 =	vld [tilespmem:s9+$0xFFFFF380]  }
0x1a: {  	v0 =	vadd.f32 v2, v0  }
0x1b: {  	v2 =	vld [tilespmem:s10+$0xA00]  }
0x1c: {  	v0 =	vadd.f32 v3, v0  }
0x1d: {  	v3 =	vld [tilespmem:s9+$0xFFFFF600]  }
0x1e: {  	v0 =	vadd.f32 v1, v0  }
0x1f: {  	v1 =	vld [tilespmem:s10+$0xC80]  }
0x20: {  	v0 =	vadd.f32 v2, v0  }
0x21: {  	v2 =	vld [tilespmem:s9+$0xFFFFF880]  }
0x22: {  	v0 =	vadd.f32 v3, v0  }
0x23: {  	v3 =	vld [tilespmem:s10+$0xF00]  }
0x24: {  	v0 =	vadd.f32 v1, v0  }
0x25: {  	v1 =	vld [tilespmem:s9+$0xFFFFFB00]  }
0x26: {  	v0 =	vadd.f32 v2, v0  }
0x27: {  	v2 =	vld [tilespmem:s10+$0x1180]  }
0x28: {  	v0 =	vadd.f32 v3, v0  }
0x29: {  	v3 =	vld [tilespmem:s9+$0xFFFFFD80]  }
0x2a: {  	v0 =	vadd.f32 v1, v0  }
0x2b: {  	v1 =	vld [tilespmem:s10+$0x1400]  }
0x2c: {  	v0 =	vadd.f32 v2, v0  }
0x2d: {  	v2 =	vld [tilespmem:s9+$0x0]  }
0x2e: {  	v0 =	vadd.f32 v3, v0  }
0x2f: {  	v3 =	vld [tilespmem:s10+$0x1680]  }
0x30: {  	v0 =	vadd.f32 v1, v0  }
0x31: {  	v1 =	vld [tilespmem:s9+$0x280]  }
0x32: {  	v0 =	vadd.f32 v2, v0  }
0x33: {  	v2 =	vld [tilespmem:s10+$0x1900]  }
0x34: {  	v0 =	vadd.f32 v3, v0  }
0x35: {  	v3 =	vld [tilespmem:s9+$0x500]  }
0x36: {  	v0 =	vadd.f32 v1, v0  }
0x37: {  	v1 =	vld [tilespmem:s10+$0x1B80]  }
0x38: {  	v0 =	vadd.f32 v2, v0  }
0x39: {  	v2 =	vld [tilespmem:s9+$0x780]  }
0x3a: {  	v0 =	vadd.f32 v3, v0  }
0x3b: {  	v3 =	vld [tilespmem:s10+$0x1E00]  }
0x3c: {  	v0 =	vadd.f32 v1, v0  }
0x3d: {  	v1 =	vld [tilespmem:s9+$0xA00]  }
0x3e: {  	v0 =	vadd.f32 v2, v0  }
0x3f: {  	v2 =	vld [tilespmem:s10+$0x2080]  }
0x40: {  	v0 =	vadd.f32 v3, v0  }
0x41: {  	v3 =	vld [tilespmem:s9+$0xC80]  }
0x42: {  	v0 =	vadd.f32 v1, v0  }
0x43: {  	v1 =	vld [tilespmem:s10+$0x2300]  }
0x44: {  	v0 =	vadd.f32 v2, v0  }
0x45: {  	v2 =	vld [tilespmem:s9+$0xF00]  }
0x46: {  	v0 =	vadd.f32 v3, v0  }
0x47: {  	v3 =	vld [tilespmem:s10+$0x2580]  }
0x48: {  	v0 =	vadd.f32 v1, v0  }
0x49: {  	v1 =	vld [tilespmem:s9+$0x1180]  }
0x4a: {  	v0 =	vadd.f32 v2, v0;
	_ =	sdelay $0x1  }
0x4b: {  	v0 =	vadd.f32 v3, v0;
	_ =	sdelay $0x1  }
0x4c: {  	v0 =	vadd.f32 v1, v0;
	_ =	sdelay $0x1  }
0x4d: {  	s9 =	simm.s32 $0x1550;
	[tilespmem:s7+$0x0] =	vst v0  }
0x4e: {  	v0 =	vld [tilespmem:s9+$0xFFFFEC00]  }
0x4f: {  	s11 =	simm.s32 $0x10;
	s12 =	simm.s32 $0x20;
	s10 =	simm.s32 $0x2800;
	v1 =	vld [tilespmem:s9+$0xFFFFEAC0]  }
.LBB2_2:
0x50: {  	p0 =	sne.s32 s12, $0x130;
	s13 =	sand.u32 $0x1F0, s11;
	s11 =	smov.u32 s12  }
0x51: {  	v2 =	vld [tilespmem:s13+$0x280];
	_ =	sdelay $0x1  }
0x52: {  	v3 =	vld [tilespmem:s9+$0xFFFFEE80]  }
0x53: {  	v0 =	vadd.f32 v0, v1  }
0x54: {  	v1 =	vld [tilespmem:s13+$0x500]  }
0x55: {  	v0 =	vadd.f32 v2, v0  }
0x56: {  	v2 =	vld [tilespmem:s9+$0xFFFFF100]  }
0x57: {  	v0 =	vadd.f32 v3, v0  }
0x58: {  	v3 =	vld [tilespmem:s13+$0x780]  }
0x59: {  	v0 =	vadd.f32 v1, v0  }
0x5a: {  	v1 =	vld [tilespmem:s9+$0xFFFFF380]  }
0x5b: {  	v0 =	vadd.f32 v2, v0  }
0x5c: {  	v2 =	vld [tilespmem:s13+$0xA00]  }
0x5d: {  	v0 =	vadd.f32 v3, v0  }
0x5e: {  	v3 =	vld [tilespmem:s9+$0xFFFFF600]  }
0x5f: {  	v0 =	vadd.f32 v1, v0  }
0x60: {  	v1 =	vld [tilespmem:s13+$0xC80]  }
0x61: {  	v0 =	vadd.f32 v2, v0  }
0x62: {  	v2 =	vld [tilespmem:s9+$0xFFFFF880]  }
0x63: {  	v0 =	vadd.f32 v3, v0  }
0x64: {  	v3 =	vld [tilespmem:s13+$0xF00]  }
0x65: {  	v0 =	vadd.f32 v1, v0  }
0x66: {  	v1 =	vld [tilespmem:s9+$0xFFFFFB00]  }
0x67: {  	v0 =	vadd.f32 v2, v0  }
0x68: {  	v2 =	vld [tilespmem:s13+$0x1180]  }
0x69: {  	v0 =	vadd.f32 v3, v0  }
0x6a: {  	v3 =	vld [tilespmem:s9+$0xFFFFFD80]  }
0x6b: {  	v0 =	vadd.f32 v1, v0  }
0x6c: {  	v1 =	vld [tilespmem:s13+$0x1400]  }
0x6d: {  	v0 =	vadd.f32 v2, v0  }
0x6e: {  	v2 =	vld [tilespmem:s9+$0x0]  }
0x6f: {  	v0 =	vadd.f32 v3, v0  }
0x70: {  	v3 =	vld [tilespmem:s13+$0x1680]  }
0x71: {  	v0 =	vadd.f32 v1, v0  }
0x72: {  	v1 =	vld [tilespmem:s9+$0x280]  }
0x73: {  	v0 =	vadd.f32 v2, v0  }
0x74: {  	v2 =	vld [tilespmem:s13+$0x1900]  }
0x75: {  	v0 =	vadd.f32 v3, v0  }
0x76: {  	v3 =	vld [tilespmem:s9+$0x500]  }
0x77: {  	v0 =	vadd.f32 v1, v0  }
0x78: {  	v1 =	vld [tilespmem:s13+$0x1B80]  }
0x79: {  	v0 =	vadd.f32 v2, v0  }
0x7a: {  	v2 =	vld [tilespmem:s9+$0x780]  }
0x7b: {  	v0 =	vadd.f32 v3, v0  }
0x7c: {  	v3 =	vld [tilespmem:s13+$0x1E00]  }
0x7d: {  	v0 =	vadd.f32 v1, v0  }
0x7e: {  	v1 =	vld [tilespmem:s9+$0xA00]  }
0x7f: {  	v0 =	vadd.f32 v2, v0  }
0x80: {  	v2 =	vld [tilespmem:s13+$0x2080]  }
0x81: {  	v0 =	vadd.f32 v3, v0  }
0x82: {  	v3 =	vld [tilespmem:s9+$0xC80]  }
0x83: {  	v0 =	vadd.f32 v1, v0  }
0x84: {  	v1 =	vld [tilespmem:s13+$0x2300]  }
0x85: {  	v0 =	vadd.f32 v2, v0  }
0x86: {  	v2 =	vld [tilespmem:s9+$0xF00]  }
0x87: {  	v0 =	vadd.f32 v3, v0  }
0x88: {  	v3 =	vld [tilespmem:s13+$0x2580]  }
0x89: {  	v0 =	vadd.f32 v1, v0  }
0x8a: {  	v1 =	vld [tilespmem:s9+$0x1180]  }
0x8b: {  	v0 =	vadd.f32 v2, v0;
	_ =	sdelay $0x1  }
0x8c: {  	v0 =	vadd.f32 v3, v0;
	_ =	sdelay $0x1  }
.Ltmp0:
0x8d: {  	v0 =	vadd.f32 v1, v0;
	(pc) =	sbr.rel @p0 .LBB2_2-.Ltmp0, $4  }
0x8e: {  	s10 =	sadd.s32 $0x10, s10  }
0x8f: {  	s9 =	sadd.s32 $0x10, s9;
	[tilespmem:s10+$0x0] =	vst v0  }
0x90: {  	v0 =	vld [tilespmem:s9+$0xFFFFEC00]  }
0x91: {  	s12 =	sadd.s32 $0x10, s12;
	v1 =	vld [tilespmem:s9+$0xFFFFEAC0]  }
0x92: {  	s11 =	sand.u32 $0x1F0, s11  }
0x93: {  	v2 =	vld [tilespmem:s11+$0x280];
	_ =	sdelay $0x1  }
0x94: {  	v3 =	vld [tilespmem:s9+$0xFFFFEE80]  }
0x95: {  	v0 =	vadd.f32 v0, v1  }
0x96: {  	v36 =	vld [tilespmem:s11+$0x500]  }
0x97: {  	v0 =	vadd.f32 v2, v0  }
0x98: {  	v37 =	vld [tilespmem:s9+$0xFFFFF100]  }
0x99: {  	v0 =	vadd.f32 v3, v0  }
0x9a: {  	v38 =	vld [tilespmem:s11+$0x780]  }
0x9b: {  	v0 =	vadd.f32 v36, v0  }
0x9c: {  	v39 =	vld [tilespmem:s9+$0xFFFFF380]  }
0x9d: {  	v0 =	vadd.f32 v37, v0  }
0x9e: {  	v40 =	vld [tilespmem:s11+$0xA00]  }
0x9f: {  	v0 =	vadd.f32 v38, v0  }
0xa0: {  	v41 =	vld [tilespmem:s9+$0xFFFFF600]  }
0xa1: {  	v0 =	vadd.f32 v39, v0  }
0xa2: {  	v42 =	vld [tilespmem:s11+$0xC80]  }
0xa3: {  	v0 =	vadd.f32 v40, v0  }
0xa4: {  	v43 =	vld [tilespmem:s9+$0xFFFFF880]  }
0xa5: {  	v0 =	vadd.f32 v41, v0  }
0xa6: {  	v44 =	vld [tilespmem:s11+$0xF00]  }
0xa7: {  	v0 =	vadd.f32 v42, v0  }
0xa8: {  	v45 =	vld [tilespmem:s9+$0xFFFFFB00]  }
0xa9: {  	v0 =	vadd.f32 v43, v0  }
0xaa: {  	v46 =	vld [tilespmem:s11+$0x1180]  }
0xab: {  	v0 =	vadd.f32 v44, v0  }
0xac: {  	v47 =	vld [tilespmem:s9+$0xFFFFFD80]  }
0xad: {  	v0 =	vadd.f32 v45, v0  }
0xae: {  	v48 =	vld [tilespmem:s11+$0x1400]  }
0xaf: {  	v0 =	vadd.f32 v46, v0  }
0xb0: {  	v49 =	vld [tilespmem:s9+$0x0]  }
0xb1: {  	v0 =	vadd.f32 v47, v0  }
0xb2: {  	v50 =	vld [tilespmem:s11+$0x1680]  }
0xb3: {  	v0 =	vadd.f32 v48, v0  }
0xb4: {  	v51 =	vld [tilespmem:s9+$0x280]  }
0xb5: {  	v0 =	vadd.f32 v49, v0  }
0xb6: {  	v52 =	vld [tilespmem:s11+$0x1900]  }
0xb7: {  	v0 =	vadd.f32 v50, v0  }
0xb8: {  	v53 =	vld [tilespmem:s9+$0x500]  }
0xb9: {  	v0 =	vadd.f32 v51, v0  }
0xba: {  	v54 =	vld [tilespmem:s11+$0x1B80]  }
0xbb: {  	v0 =	vadd.f32 v52, v0  }
0xbc: {  	v55 =	vld [tilespmem:s9+$0x780]  }
0xbd: {  	v0 =	vadd.f32 v53, v0  }
0xbe: {  	v56 =	vld [tilespmem:s11+$0x1E00]  }
0xbf: {  	v0 =	vadd.f32 v54, v0  }
0xc0: {  	v57 =	vld [tilespmem:s9+$0xA00]  }
0xc1: {  	v0 =	vadd.f32 v55, v0  }
0xc2: {  	v58 =	vld [tilespmem:s11+$0x2080]  }
0xc3: {  	v0 =	vadd.f32 v56, v0  }
0xc4: {  	v59 =	vld [tilespmem:s9+$0xC80]  }
0xc5: {  	v0 =	vadd.f32 v57, v0  }
0xc6: {  	v60 =	vld [tilespmem:s11+$0x2300]  }
0xc7: {  	v0 =	vadd.f32 v58, v0  }
0xc8: {  	v61 =	vld [tilespmem:s9+$0xF00]  }
0xc9: {  	v0 =	vadd.f32 v59, v0  }
0xca: {  	v62 =	vld [tilespmem:s11+$0x2580]  }
0xcb: {  	v0 =	vadd.f32 v60, v0  }
0xcc: {  	v63 =	vld [tilespmem:s9+$0x1180]  }
0xcd: {  	v0 =	vadd.f32 v61, v0;
	_ =	sdelay $0x1  }
0xce: {  	v0 =	vadd.f32 v62, v0;
	_ =	sdelay $0x1  }
0xcf: {  	s8 =	sadd.s32 $0x1, s8;
	v0 =	vadd.f32 v63, v0  }
0xd0: {  	s31 =	sadd.s32 $0x10, s10;
	p0 =	sne.s32 s8, s5  }
.Ltmp1:
0xd1: {  	[tilespmem:s31+$0x0] =	vst v0;
	(pc) =	sbr.rel @p0 .LBB2_1-.Ltmp1, $4  }
0xd2: {  	[hbm4b:s4+s2] =	stream.linear.scatter [tilespmem:s7], [sflag:$0x1], $0x140, $0x38;
	[tilespmem:$0x2980] =	vst v63  }
0xd3: {  	_ =	swait.ge [sflag:s6], $0x140  }
0xd4: {  	[sflag:s6] =	ssyncset.done $0x0  }
0xd5: {  	[sflag:s6] =	ssyncadd.s32 $0xFFFFFEC0  }
0xd6: {  	_ =	sfence.sel $0x180000  }
0xd7: {  	[bflag:$0x0] =	sbarrier.arrive $0xFFFF  }
0xd8: {  	p0 =	sne.s32 s0, $0x0;
	_ =	strace $0x9000004A  }
0xd9: {  	s0 =	sadd.s32 @!p0 $0x100000, s1;
	[bflag:$0x2] =	sbarrier.arrive $0xFFFF  }
0xda: {  	[sflag:s0] =	ssyncadd.tile.s32 @!p0 $0x1;
	_ =	shalt  }
.Lfunc_end2:
_tile_overlayer_lowered:
.L_overlay_start_2:
0xdb: {  	(tag) =	ssettag $0x2  }
0xdc: {  	s0 =	rddreg [dreg:$0x0];
	s2 =	stileid.u32  }
0xdd: {  	s1 =	rddreg [dreg:$0x1];
	p0 =	sne.s32 s2, $0x0  }
0xde: {  	s3 =	rddreg [dreg:$0x2];
	[bflag:$0x3] =	sbarrier.arrive $0xFFFF;
	s2 =	simm.s32 @!p0 $0x1C01  }
0xdf: {  	[timem:s3], [sflag:s2] =	dma.local @!p0 [hbm:s0], s1  }
0xe0: {  	s0 =	simm.s32 @!p0 $0x1  }
0xe1: {  	_ =	swait.ge @!p0 [sflag:s0], s1  }
0xe2: {  	s1 =	ssub.s32 @!p0 $0x0, s1;
	[sflag:s0] =	ssyncset.done @!p0 $0x0  }
0xe3: {  	[sflag:s0] =	ssyncadd.s32 @!p0 s1  }
0xe4: {  	[bflag:$0x3] =	sbarrier.arrive $0xFFFF  }
0xe5: {  	_ =	shalt  }

// kernel: kernel.15.cloned.1.call-start
scs
__scs_entry_jumppad:
0x0: {  	(pc) =	sbr.rel $0x88, $3  }
0x1: {  	(tag) =	ssettag $0x0;
	lr =	simm.s32 $0x1  }
0x2: {  	[smem:$0x3F98] =	sst lr;
	_ =	strace $0xD0000000  }
0x3: {  	_ = 	snop  }
0x4: {  	_ = 	snop  }
0x5: {  	_ = 	snop  }
0x6: {  	_ = 	snop  }
0x7: {  	_ = 	snop  }
__scs_overlays_trampoline_lowered:
0x8: {  	[smem:$0x3FA7] =	sst s0  }
0x9: {  	[smem:$0x3FA8] =	sst s1  }
0xa: {  	[smem:$0x3FA9] =	sst s2  }
0xb: {  	[smem:$0x3FAA] =	sst s3  }
0xc: {  	[smem:$0x3FAB] =	sst s4  }
0xd: {  	[smem:$0x3FAC] =	sst s5  }
0xe: {  	[smem:$0x3FAD] =	sst s6  }
0xf: {  	[smem:$0x3FAE] =	sst s7  }
0x10: {  	[smem:$0x3FAF] =	sst s8  }
0x11: {  	[smem:$0x3FB0] =	sst s9;
	s0 =	simm.s32 @!p0 $0x0  }
0x12: {  	s1 =	sld [smem:$0x3F96];
	s0 =	simm.s32 @p0 $0x1  }
0x13: {  	[smem:$0x3FB1] =	sst s0;
	s0 =	simm.s32 @!p1 $0x0  }
0x14: {  	s2 =	sld [smem:$0x3F95];
	s0 =	simm.s32 @p1 $0x1  }
0x15: {  	[smem:$0x3FB2] =	sst s0;
	s0 =	simm.s32 @!p2 $0x0  }
0x16: {  	s3 =	sld [smem:$0x3FDB];
	s0 =	simm.s32 @p2 $0x1  }
0x17: {  	s4 =	simm.s32 $0x1BF5;
	[smem:$0x3FB4] =	sst s0  }
0x18: {  	s0 =	sld [smem:$0x3F97];
	_ =	swait.ge [sflag:s4], $0x0  }
0x19: {  	s7 =	sld [smem:$0x3F98]  }
0x1a: {  	s8 =	sadd.s32 $0xFFFFE003, lr  }
0x1b: {  	s9 =	sadd.s32 $0xFFFFFEF7, lr;
	s5 =	simm.s32 $0xFFFFFFFF;
	p2 =	slt.u32 s8, $0xFFFFF086  }
0x1c: {  	p1 =	slt.u32 s9, $0xF7A;
	s5 =	simm.s32 @!p2 $0x0  }
0x1d: {  	s5 =	simm.s32 @p1 $0x1;
	p0 =	seq.s32 s7, s2  }
0x1e: {  	s7 =	smul.u32 @!p0 $0xF7A, s2;
	p2 =	seq.s32 @!p0 s5, $0x0  }
0x1f: {  	s9 =	smul.u32 $0xF7A, s1;
	s8 =	simm.s32 @!p0 $0x1BF5;
	p2 =	por !p2, p0  }
0x20: {  	[sflag:s8] =	ssyncset.s32 @!p0 $0xFFFFF086;
	s6 =	sadd.s32 @!p0 s3, s7;
	s7 =	simm.s32 @!p0 $0x108  }
0x21: {  	s3 =	sadd.s32 s3, s9;
	s6 =	sadd.s32 @!p0 $0x88, s6;
	s7 =	simm.s32 @p2 $0x1082  }
0x22: {  	[simem:s7], [sflag:s8] =	dma.local @!p0 [hbm:s6], $0xF7A  }
0x23: {  	s9 =	sor.u32 $0xD0000000, s2;
	s6 =	simm.s32 $0x108;
	_ =	swait.ge @!p0 [sflag:s8], $0x0  }
0x24: {  	s3 =	sadd.s32 $0x88, s3;
	s6 =	simm.s32 @!p1 $0x1082;
	[sflag:s4] =	ssyncset.s32 $0xFFFFF086  }
0x25: {  	[simem:s6], [sflag:s4] =	dma.local [hbm:s3], $0xF7A  }
0x26: {  	[smem:$0x3F98] =	sst s1;
	(tag) =	ssettag s2;
	_ =	strace s9  }
0x27: {  	s1 =	sld [smem:$0x3FA8]  }
0x28: {  	s2 =	sld [smem:$0x3FA9]  }
0x29: {  	s4 =	sld [smem:$0x3FAB]  }
0x2a: {  	p0 =	seq.s32 s5, $0x0;
	s5 =	sld [smem:$0x3FAC]  }
0x2b: {  	s6 =	sld [smem:$0x3FAD]  }
0x2c: {  	s7 =	sld [smem:$0x3FAE]  }
0x2d: {  	s3 =	simm.s32 $0x108;
	s8 =	sld [smem:$0x3FAF]  }
0x2e: {  	s3 =	simm.s32 @!p0 $0x1082;
	s9 =	sld [smem:$0x3FB0]  }
0x2f: {  	lr =	sadd.s32 s0, s3;
	s0 =	sld [smem:$0x3FA7]  }
0x30: {  	s3 =	sld [smem:$0x3FAA]  }
0x31: {  	[smem:$0x3FB3] =	sst s10  }
0x32: {  	s10 =	sld [smem:$0x3FB1];
	_ =	sdelay $0x3  }
0x33: {  	p0 =	seq.s32 s10, $0x1;
	s10 =	sld [smem:$0x3FB3];
	_ =	sdelay $0x3  }
0x34: {  	[smem:$0x3FB3] =	sst s10  }
0x35: {  	s10 =	sld [smem:$0x3FB2];
	_ =	sdelay $0x3  }
0x36: {  	p1 =	seq.s32 s10, $0x1;
	s10 =	sld [smem:$0x3FB3];
	_ =	sdelay $0x3  }
0x37: {  	[smem:$0x3FB3] =	sst s10  }
0x38: {  	s10 =	sld [smem:$0x3FB4]  }
0x39: {  	_ = 	snop;
	(pc) =	sbr.ind lr, $3  }
0x3a: {  	_ = 	snop  }
0x3b: {  	_ = 	snop  }
0x3c: {  	p2 =	seq.s32 s10, $0x1;
	s10 =	sld [smem:$0x3FB3]  }
0x3d: {  	_ =	shalt  }
0x3e: {  	_ =	shalt  }
0x3f: {  	_ =	shalt  }
0x40: {  	_ =	shalt  }
0x41: {  	_ =	shalt  }
0x42: {  	_ =	shalt  }
0x43: {  	_ =	shalt  }
0x44: {  	_ =	shalt  }
0x45: {  	_ =	shalt  }
0x46: {  	_ =	shalt  }
0x47: {  	_ =	shalt  }
0x48: {  	_ =	shalt  }
0x49: {  	_ =	shalt  }
0x4a: {  	_ =	shalt  }
0x4b: {  	_ =	shalt  }
0x4c: {  	_ =	shalt  }
0x4d: {  	_ =	shalt  }
0x4e: {  	_ =	shalt  }
0x4f: {  	_ =	shalt  }
0x50: {  	_ =	shalt  }
0x51: {  	_ =	shalt  }
0x52: {  	_ =	shalt  }
0x53: {  	_ =	shalt  }
0x54: {  	_ =	shalt  }
0x55: {  	_ =	shalt  }
0x56: {  	_ =	shalt  }
0x57: {  	_ =	shalt  }
0x58: {  	_ =	shalt  }
0x59: {  	_ =	shalt  }
0x5a: {  	_ =	shalt  }
0x5b: {  	_ =	shalt  }
0x5c: {  	_ =	shalt  }
0x5d: {  	_ =	shalt  }
0x5e: {  	_ =	shalt  }
0x5f: {  	_ =	shalt  }
0x60: {  	_ =	shalt  }
0x61: {  	_ =	shalt  }
0x62: {  	_ =	shalt  }
0x63: {  	_ =	shalt  }
0x64: {  	_ =	shalt  }
0x65: {  	_ =	shalt  }
0x66: {  	_ =	shalt  }
0x67: {  	_ =	shalt  }
0x68: {  	_ =	shalt  }
0x69: {  	_ =	shalt  }
0x6a: {  	_ =	shalt  }
0x6b: {  	_ =	shalt  }
0x6c: {  	_ =	shalt  }
0x6d: {  	_ =	shalt  }
0x6e: {  	_ =	shalt  }
0x6f: {  	_ =	shalt  }
0x70: {  	_ =	shalt  }
0x71: {  	_ =	shalt  }
0x72: {  	_ =	shalt  }
0x73: {  	_ =	shalt  }
0x74: {  	_ =	shalt  }
0x75: {  	_ =	shalt  }
0x76: {  	_ =	shalt  }
0x77: {  	_ =	shalt  }
0x78: {  	_ =	shalt  }
0x79: {  	_ =	shalt  }
0x7a: {  	_ =	shalt  }
0x7b: {  	_ =	shalt  }
0x7c: {  	_ =	shalt  }
0x7d: {  	_ =	shalt  }
0x7e: {  	_ =	shalt  }
0x7f: {  	_ =	shalt  }
0x80: {  	_ =	shalt  }
0x81: {  	_ =	shalt  }
0x82: {  	_ =	shalt  }
0x83: {  	_ =	shalt  }
0x84: {  	_ =	shalt  }
0x85: {  	_ =	shalt  }
0x86: {  	_ =	shalt  }
0x87: {  	_ =	shalt  }
.Lfunc_end0:
.L_simem_size_0:
called_computation.2_lowered:
.L_overlay_start_0:
0x88: {  	s2 =	sld [smem:$0x3FD9]  }
0x89: {  	s3 =	sld [smem:$0x3FFE];
	_ =	sdelay $0x1  }
0x8a: {  	s1 =	srdreg.scid  }
0x8b: {  	s0 =	sand.u32 $0x1, s1  }
0x8c: {  	s16 =	sshll.u32 s0, $0xA;
	s2 =	sadd.s32 s3, s2  }
0x8d: {  	s2 =	sadd.s32 s2, s16  }
0x8e: {  	[smem:$0x3FBF] =	sst s2  }
0x8f: {  	_ = 	snop  }
0x90: {  	(tm) =	ssettm $0x1  }
0x91: {  	s17 =	sld [smem:$0x3FFB];
	_ =	sdelay $0x3  }
0x92: {  	_ =	strace s17  }
0x93: {  	s2 =	sld [smem:$0x3FFC];
	_ =	sdelay $0x3  }
0x94: {  	_ =	strace s2  }
0x95: {  	s2 =	sld [smem:$0x3FFD];
	_ =	sdelay $0x3  }
0x96: {  	_ =	strace s2  }
0x97: {  	_ =	strace $0x8FFFFFFF  }
0x98: {  	s18 =	sld [smem:$0x3FDB];
	_ =	sdelay $0x1  }
0x99: {  	s19 =	simm.s32 $_scs_section_size  }
0x9a: {  	s4 =	simm.s32 $_size__tile_overlayer_lowered;
	s5 =	simm.s32 $_tile_overlayer_lowered  }
0x9b: {  	s22 =	simm.s32 $0x1BFF;
	s21 =	sshll.u32 s5, $0x1;
	s2 =	sadd.s32 s19, s18  }
0x9c: {  	s6 =	simm.s32 $0x0;
	s20 =	sshll.u32 s4, $0x1;
	s4 =	sadd.s32 s21, s2  }
0x9d: {  	[timem:s6], [sflag:s22] =	dma.local [hbm:s4], s20  }
0x9e: {  	_ =	swait.ge [sflag:s22], s20  }
0x9f: {  	s3 =	ssub.s32 $0x0, s20;
	[sflag:s22] =	ssyncset.done $0x0  }
0xa0: {  	[sflag:s22] =	ssyncadd.s32 s3;
	_ =	sdelay $0x1  }
0xa1: {  	s23 =	simm.s32 $0x1B8B  }
0xa2: {  	_ =	swait.ge [sflag:s23], $0x1  }
0xa3: {  	[sflag:s23] =	ssyncset.done $0x0  }
0xa4: {  	s25 =	simm.s32 $0x1B8E;
	s24 =	sld [smem:$0x3FFE];
	[sflag:s23] =	ssyncadd.s32 $0xFFFFFFFF  }
0xa5: {  	s26 =	simm.s32 $execute0_lowered;
	[smem:$0x3FD2] =	sst s25  }
0xa6: {  	s4 =	sshll.u32 s26, $0x1;
	_ =	strace $0x8000004C;
	[dreg:$0x1] =	wrdreg $0xFFFFFFFF  }
0xa7: {  	s28 =	simm.s32 $_size_execute0_lowered;
	s2 =	sadd.s32 s2, s4;
	[dreg:$0x0] =	wrdreg $0x0  }
0xa8: {  	s4 =	sshll.u32 s28, $0x1;
	[dreg:$0x2] =	wrdreg s2  }
0xa9: {  	[dreg:$0x3] =	wrdreg s4  }
0xaa: {  	[dreg:$0x4] =	wrdreg $0xC0  }
0xab: {  	_ =	task [dreg:s6], $0x5FFFF  }
0xac: {  	[dreg:$0x1] =	wrdreg $0xFFFFFFFF  }
0xad: {  	[dreg:$0x0] =	wrdreg $0x60  }
0xae: {  	[dreg:$0x2] =	wrdreg s24  }
0xaf: {  	[dreg:$0x3] =	wrdreg $0x150000  }
0xb0: {  	[dreg:$0x4] =	wrdreg $0x9  }
0xb1: {  	_ =	task.clear_ibuf [dreg:s6], $0x5FFFF;
	_ =	strace $0x9000004C  }
0xb2: {  	s29 =	simm.s32 $0x9;
	_ =	strace $0x8000004E  }
0xb3: {  	_ =	swait.ge [sflag:s29], $0x1  }
0xb4: {  	[sflag:s29] =	ssyncadd.s32 $0xFFFFFFFF  }
0xb5: {  	_ =	strace $0x9000004E  }
0xb6: {  	_ =	sfence  }
0xb7: {  	s30 =	sld [smem:$0x0];
	_ =	sdelay $0x2  }
0xb8: {  	s31 =	sshll.u32 s1, $0xD;
	s1 =	sshrl.u32 s1, $0x2  }
0xb9: {  	s3 =	sand.u32 $0x4000, s31;
	s1 =	sadd.s32 s1, s30  }
0xba: {  	s0 =	sor.u32 s3, s0;
	s1 =	sshll.u32 s1, $0x11  }
0xbb: {  	s0 =	sor.u32 s1, s0  }
0xbc: {  	s0 =	sadd.s32 $0x8F2B, s0  }
0xbd: {  	[sflag:s0] =	ssyncadd.remote.s32 $0x1  }
0xbe: {  	_ =	sfence.sel $0xFFFF  }
0xbf: {  	[dreg:$0x0] =	wrdreg $0xFFFFFFFF;
	(pc) =	sbr.abs _section_cstart, $3  }
0xc0: {  	[dreg:$0x1] =	wrdreg $0xFFFFFFFF  }
0xc1: {  	_ =	task.clear_ibuf [dreg:s6], $0x2FFFF;
	_ =	strace $0x9FFFFFFF  }
0xc2: {  	(tm) =	ssettm $0x7FFFFFFF  }
0xc3: {  	_ =	shalt  }
tec
execute0_lowered:
.L_overlay_start_1:
0x0: {  	(tag) =	ssettag $0x1  }
0x1: {  	s5 =	rddreg [dreg:$0x0];
	s0 =	stileid.u32  }
0x2: {  	s1 =	srdreg.scid;
	s2 =	rddreg [dreg:$0x1];
	s3 =	simm.s32 $0x0  }
0x3: {  	s15 =	simm.s32 $0x10000;
	s16 =	simm.s32 $0x80;
	s17 =	simm.s32 $0x12800  }
0x4: {  	s18 =	simm.s32 $0x1;
	s19 =	simm.s32 $0x3;
	s20 =	simm.s32 $0x2  }
0x5: {  	s21 =	simm.s32 $0x4;
	s22 =	simm.s32 $0xFC00;
	s6 =	smul.u32 $0x1480, s0  }
0x6: {  	s7 =	sand.u32 $0x1, s1;
	s1 =	rddreg [dreg:$0x2];
	s8 =	smul.u32 $0x140, s0  }
0x7: {  	[smem:$0x7FF] =	sst s3;
	s4 =	sadd.s32 $0x2D600, s5;
	s26 =	smul.u32 $0x29000, s0  }
0x8: {  	s9 =	sshll.u32 s0, $0xC;
	s12 =	smul.u32 $0x28000, s0;
	s31 =	sshll.u32 s0, $0x6  }
0x9: {  	s23 =	smul.u32 $0x1400, s7;
	_ =	strace $0x8000004D;
	s7 =	ssub.s32 $0x2, s7  }
0xa: {  	s9 =	sadd.s32 s9, s5;
	s10 =	sadd.s32 s6, s5;
	s28 =	sshrl.u32 s7, $0x1  }
0xb: {  	s29 =	sshrl.u32 s26, $0x2;
	s30 =	sshrl.u32 s12, $0x2;
	s12 =	sor.u32 $0x1C05, s31  }
0xc: {  	s25 =	sadd.s32 s8, s23;
	s13 =	ssub.s32 s7, s28;
	s14 =	sadd.s32 s29, s2  }
0xd: {  	s7 =	sadd.s32 $0x55600, s10;
	s24 =	sadd.s32 s30, s2;
	s10 =	simm.s32 $0x5  }
0xe: {  	v0 =	vmov s23;
	s23 =	simm.s32 $0xFC80;
	s6 =	sshll.u32 s25, $0x4;
	s24 =	sshrl.u32 s24, $0x3  }
0xf: {  	s25 =	simm.s32 $0x0;
	s11 =	sadd.s32 s6, s5;
	s5 =	sadd.s32 $0x1D600, s9  }
0x10: {  	s6 =	sadd.s32 $0x3000, s9;
	s9 =	smax.u32 s13, $0x1;
	s13 =	sshrl.u32 s14, $0x3  }
0x11: {  	s14 =	simm.s32 $0x50;
	s8 =	sadd.s32 $0x69E00, s11;
	s11 =	simm.s32 $0x8000  }
.LBB2_1:
0x12: {  	[tilespmem:s3], [sflag:$0x5] =	stream.linear.gather [hbm4b:s5+s3], $0x7D00, $0x38;
	[tilespmem:$0x1F400] =	vst v63  }
0x13: {  	_ =	swait.ge [sflag:s10], $0x7D00  }
0x14: {  	[sflag:s10] =	ssyncset.done $0x0  }
0x15: {  	[sflag:s10] =	ssyncadd.s32 $0xFFFF8300  }
0x16: {  	[tilespmem:s11], [sflag:$0x5] =	stream.linear.gather [hbm4b:s6+s3], $0x7D00, $0x38;
	[tilespmem:$0x1F400] =	vst v63  }
0x17: {  	_ =	swait.ge [sflag:s10], $0x7D00  }
0x18: {  	[sflag:s10] =	ssyncset.done $0x0  }
0x19: {  	s26 =	simm.s32 $0x40;
	[sflag:s10] =	ssyncadd.s32 $0xFFFF8300  }
0x1a: {  	v3 =	vld [tilespmem:s26+$0x7FC0]  }
0x1b: {  	v4 =	vld [tilespmem:s26+$0x7FD0]  }
0x1c: {  	v2 =	vld [tilespmem:s26+$0x7FE0]  }
0x1d: {  	s28 =	simm.s32 $0x300;
	v1 =	vld [tilespmem:s26+$0x7FF0]  }
.LBB2_2:
0x1e: {  	p0 =	sne.s32 s28, $0x1F300;
	v5 =	vld [tilespmem:s26+$0x8000]  }
0x1f: {  	v3 =	vsub.s32 v3, v0  }
0x20: {  	v3 =	vmin.u32 v3, $0x1400;
	v4 =	vsub.s32 v4, v0  }
.Ltmp0:
0x21: {  	s29 =	sshra.s32 s28, $0x2;
	[tilespmem:s26+$0x7FC0] =	vst v3;
	v4 =	vmin.u32 v4, $0x1400;
	v2 =	vsub.s32 v2, v0;
	(pc) =	sbr.rel @p0 .LBB2_2-.Ltmp0, $4  }
0x22: {  	v3 =	vld [tilespmem:s29+$0x7FC0];
	[tilespmem:s26+$0x7FD0] =	vst v4;
	v2 =	vmin.u32 v2, $0x1400;
	v1 =	vsub.s32 v1, v0  }
0x23: {  	v4 =	vld [tilespmem:s29+$0x7FD0];
	[tilespmem:s26+$0x7FE0] =	vst v2;
	v1 =	vmin.u32 v1, $0x1400;
	v5 =	vsub.s32 v5, v0  }
0x24: {  	v2 =	vld [tilespmem:s29+$0x7FE0];
	[tilespmem:s26+$0x7FF0] =	vst v1;
	v5 =	vmin.u32 v5, $0x1400  }
0x25: {  	s28 =	sadd.s32 $0x200, s28;
	v1 =	vld [tilespmem:s29+$0x7FF0];
	[tilespmem:s26+$0x8000] =	vst v5;
	s26 =	smov.u32 s29  }
0x26: {  	v5 =	vld [tilespmem:s26+$0x8000]  }
0x27: {  	v3 =	vsub.s32 v3, v0  }
0x28: {  	v3 =	vmin.u32 v3, $0x1400;
	v4 =	vsub.s32 v4, v0  }
0x29: {  	[tilespmem:s26+$0x7FC0] =	vst v3;
	v3 =	vmin.u32 v4, $0x1400;
	v2 =	vsub.s32 v2, v0  }
0x2a: {  	[tilespmem:s26+$0x7FD0] =	vst v3;
	v2 =	vmin.u32 v2, $0x1400;
	v1 =	vsub.s32 v1, v0  }
0x2b: {  	[tilespmem:s26+$0x7FE0] =	vst v2;
	v1 =	vmin.u32 v1, $0x1400;
	v2 =	vsub.s32 v5, v0  }
0x2c: {  	[tilespmem:s26+$0x7FF0] =	vst v1;
	v1 =	vmin.u32 v2, $0x1400  }
0x2d: {  	[tilespmem:s26+$0x8000] =	vst v1  }
0x2e: {  	[spmem:s13], [sflag:s12] =	dma.local [hbm:s7], $0x1480  }
0x2f: {  	_ =	swait.ge [sflag:s10], $0x1480  }
0x30: {  	[sflag:s10] =	ssyncset.done $0x0  }
0x31: {  	[sflag:s10] =	ssyncadd.s32 $0xFFFFEB80  }
0x32: {  	s31 =	simm.s32 $0x0;
	[bflag:$0x0] =	sbarrier.arrive $0xFFFF  }
0x33: {  	[tilespmem:s15], [sflag:$0x1] =	stream.indirect.gather [hbm4b:s4+s14], $0x80, s31, s14, $0xb8;
	[tilespmem:$0x1F400] =	vst v63  }
0x34: {  	_ = 	snop  }
0x35: {  	[tilespmem:s17], [sflag:$0x2] =	stream.indirect.gather [hbm4b:s4+s14], $0x80, s16, s14, $0xb8;
	[tilespmem:$0x1F400] =	vst v63  }
0x36: {  	_ =	swait.ge [sflag:s18], $0x2800  }
0x37: {  	[sflag:s18] =	ssyncset.done $0x0  }
0x38: {  	s29 =	simm.s32 $0x8000;
	[sflag:s18] =	ssyncadd.s32 $0xFFFFD800  }
0x39: {  	[spmem:s2] =	stream.indirect.scatter.add.f32 [tilespmem:s15], [sflag:$0x3], $0x80, s29, s14, $0xb8;
	[tilespmem:$0x1F400] =	vst v63  }
0x3a: {  	_ =	swait.ge [sflag:s19], $0x2800  }
0x3b: {  	[sflag:s19] =	ssyncset.done $0x0  }
0x3c: {  	s30 =	simm.s32 $0x100;
	[sflag:s19] =	ssyncadd.s32 $0xFFFFD800  }
0x3d: {  	[tilespmem:s15], [sflag:$0x1] =	stream.indirect.gather [hbm4b:s4+s14], $0x80, s30, s14, $0xb8;
	[tilespmem:$0x1F400] =	vst v63  }
0x3e: {  	_ =	swait.ge [sflag:s20], $0x2800  }
0x3f: {  	[sflag:s20] =	ssyncset.done $0x0  }
0x40: {  	s31 =	simm.s32 $0x8080;
	[sflag:s20] =	ssyncadd.s32 $0xFFFFD800  }
0x41: {  	[spmem:s2] =	stream.indirect.scatter.add.f32 [tilespmem:s17], [sflag:$0x4], $0x80, s31, s14, $0xb8;
	[tilespmem:$0x1F400] =	vst v63  }
0x42: {  	_ =	swait.ge [sflag:s21], $0x2800  }
0x43: {  	[sflag:s21] =	ssyncset.done $0x0  }
0x44: {  	s28 =	simm.s32 $0x180;
	s26 =	simm.s32 $0x400;
	[sflag:s21] =	ssyncadd.s32 $0xFFFFD800  }
.LBB2_4:
0x45: {  	[tilespmem:s17], [sflag:$0x2] =	stream.indirect.gather [hbm4b:s4+s14], $0x80, s28, s14, $0xb8;
	[tilespmem:$0x1F400] =	vst v63  }
0x46: {  	s28 =	smov.u32 s26  }
0x47: {  	p0 =	sne.s32 s26, $0x1EC00;
	s26 =	sadd.s32 $0x400, s26;
	_ =	swait.ge [sflag:s18], $0x2800  }
0x48: {  	s28 =	sshra.s32 s28, $0x2;
	[sflag:s18] =	ssyncset.done $0x0  }
0x49: {  	s29 =	sadd.s32 $0x8000, s28;
	[sflag:s18] =	ssyncadd.s32 $0xFFFFD800  }
0x4a: {  	[spmem:s2] =	stream.indirect.scatter.add.f32 [tilespmem:s15], [sflag:$0x3], $0x80, s29, s14, $0xb8;
	[tilespmem:$0x1F400] =	vst v63  }
0x4b: {  	_ =	swait.ge [sflag:s19], $0x2800  }
0x4c: {  	[sflag:s19] =	ssyncset.done $0x0  }
0x4d: {  	s29 =	sadd.s32 $0x100, s28;
	[sflag:s19] =	ssyncadd.s32 $0xFFFFD800  }
0x4e: {  	[tilespmem:s15], [sflag:$0x1] =	stream.indirect.gather [hbm4b:s4+s14], $0x80, s29, s14, $0xb8;
	[tilespmem:$0x1F400] =	vst v63  }
0x4f: {  	_ =	swait.ge [sflag:s20], $0x2800  }
0x50: {  	[sflag:s20] =	ssyncset.done $0x0  }
.Ltmp1:
0x51: {  	s29 =	sadd.s32 $0x8080, s28;
	[sflag:s20] =	ssyncadd.s32 $0xFFFFD800;
	(pc) =	sbr.rel @p0 .LBB2_4-.Ltmp1, $4  }
0x52: {  	[spmem:s2] =	stream.indirect.scatter.add.f32 [tilespmem:s17], [sflag:$0x4], $0x80, s29, s14, $0xb8;
	[tilespmem:$0x1F400] =	vst v63  }
0x53: {  	_ =	swait.ge [sflag:s21], $0x2800  }
0x54: {  	[sflag:s21] =	ssyncset.done $0x0  }
0x55: {  	s28 =	sadd.s32 $0x180, s28;
	[sflag:s21] =	ssyncadd.s32 $0xFFFFD800  }
0x56: {  	[tilespmem:s17], [sflag:$0x2] =	stream.indirect.gather [hbm4b:s4+s14], $0x80, s28, s14, $0xb8;
	[tilespmem:$0x1F400] =	vst v63  }
0x57: {  	_ =	swait.ge [sflag:s18], $0x2800  }
0x58: {  	[sflag:s18] =	ssyncset.done $0x0  }
0x59: {  	[sflag:s18] =	ssyncadd.s32 $0xFFFFD800  }
0x5a: {  	[spmem:s2] =	stream.indirect.scatter.add.f32 [tilespmem:s15], [sflag:$0x3], $0x80, s22, s14, $0xb8;
	[tilespmem:$0x1F400] =	vst v63  }
0x5b: {  	_ =	swait.ge [sflag:s19], $0x2800  }
0x5c: {  	[sflag:s19] =	ssyncset.done $0x0  }
0x5d: {  	[sflag:s19] =	ssyncadd.s32 $0xFFFFD800  }
0x5e: {  	_ =	swait.ge [sflag:s20], $0x2800  }
0x5f: {  	[sflag:s20] =	ssyncset.done $0x0  }
0x60: {  	[sflag:s20] =	ssyncadd.s32 $0xFFFFD800  }
0x61: {  	[spmem:s2] =	stream.indirect.scatter.add.f32 [tilespmem:s17], [sflag:$0x4], $0x80, s23, s14, $0xb8;
	[tilespmem:$0x1F400] =	vst v63  }
0x62: {  	_ =	swait.ge [sflag:s21], $0x2800  }
0x63: {  	s25 =	sadd.s32 $0x1, s25;
	[sflag:s21] =	ssyncset.done $0x0  }
0x64: {  	p0 =	sne.s32 s25, s9;
	[sflag:s21] =	ssyncadd.s32 $0xFFFFD800  }
.Ltmp2:
0x65: {  	[bflag:$0x0] =	sbarrier.arrive $0xFFFF;
	(pc) =	sbr.rel @p0 .LBB2_1-.Ltmp2, $4  }
0x66: {  	[hbm:s8], [sflag:s12] =	dma.local [spmem:s24], $0x1400  }
0x67: {  	_ =	swait.ge [sflag:s10], $0x1400  }
0x68: {  	[sflag:s10] =	ssyncset.done $0x0  }
0x69: {  	[sflag:s10] =	ssyncadd.s32 $0xFFFFEC00  }
0x6a: {  	_ =	sfence.sel $0x180000  }
0x6b: {  	[bflag:$0x0] =	sbarrier.arrive $0xFFFF  }
0x6c: {  	p0 =	sne.s32 s0, $0x0;
	_ =	strace $0x9000004D  }
0x6d: {  	s0 =	sadd.s32 @!p0 $0x100000, s1;
	[bflag:$0x2] =	sbarrier.arrive $0xFFFF  }
0x6e: {  	[sflag:s0] =	ssyncadd.tile.s32 @!p0 $0x1;
	_ =	shalt  }
.Lfunc_end2:
_tile_overlayer_lowered:
.L_overlay_start_2:
0x6f: {  	(tag) =	ssettag $0x2  }
0x70: {  	s0 =	rddreg [dreg:$0x0];
	s2 =	stileid.u32  }
0x71: {  	s1 =	rddreg [dreg:$0x1];
	p0 =	sne.s32 s2, $0x0  }
0x72: {  	s3 =	rddreg [dreg:$0x2];
	[bflag:$0x3] =	sbarrier.arrive $0xFFFF;
	s2 =	simm.s32 @!p0 $0x1C05  }
0x73: {  	[timem:s3], [sflag:s2] =	dma.local @!p0 [hbm:s0], s1  }
0x74: {  	s0 =	simm.s32 @!p0 $0x5  }
0x75: {  	_ =	swait.ge @!p0 [sflag:s0], s1  }
0x76: {  	s1 =	ssub.s32 @!p0 $0x0, s1;
	[sflag:s0] =	ssyncset.done @!p0 $0x0  }
0x77: {  	[sflag:s0] =	ssyncadd.s32 @!p0 s1  }
0x78: {  	[bflag:$0x3] =	sbarrier.arrive $0xFFFF  }
0x79: {  	_ =	shalt  }

// kernel: kernel.18.cloned.1.call-start
scs
__scs_entry_jumppad:
0x0: {  	(pc) =	sbr.rel $0x88, $3  }
0x1: {  	(tag) =	ssettag $0x0;
	lr =	simm.s32 $0x1  }
0x2: {  	[smem:$0x3F98] =	sst lr;
	_ =	strace $0xD0000000  }
0x3: {  	_ = 	snop  }
0x4: {  	_ = 	snop  }
0x5: {  	_ = 	snop  }
0x6: {  	_ = 	snop  }
0x7: {  	_ = 	snop  }
__scs_overlays_trampoline_lowered:
0x8: {  	[smem:$0x3FA7] =	sst s0  }
0x9: {  	[smem:$0x3FA8] =	sst s1  }
0xa: {  	[smem:$0x3FA9] =	sst s2  }
0xb: {  	[smem:$0x3FAA] =	sst s3  }
0xc: {  	[smem:$0x3FAB] =	sst s4  }
0xd: {  	[smem:$0x3FAC] =	sst s5  }
0xe: {  	[smem:$0x3FAD] =	sst s6  }
0xf: {  	[smem:$0x3FAE] =	sst s7  }
0x10: {  	[smem:$0x3FAF] =	sst s8  }
0x11: {  	[smem:$0x3FB0] =	sst s9;
	s0 =	simm.s32 @!p0 $0x0  }
0x12: {  	s1 =	sld [smem:$0x3F96];
	s0 =	simm.s32 @p0 $0x1  }
0x13: {  	[smem:$0x3FB1] =	sst s0;
	s0 =	simm.s32 @!p1 $0x0  }
0x14: {  	s2 =	sld [smem:$0x3F95];
	s0 =	simm.s32 @p1 $0x1  }
0x15: {  	[smem:$0x3FB2] =	sst s0;
	s0 =	simm.s32 @!p2 $0x0  }
0x16: {  	s3 =	sld [smem:$0x3FDB];
	s0 =	simm.s32 @p2 $0x1  }
0x17: {  	s4 =	simm.s32 $0x1BF5;
	[smem:$0x3FB4] =	sst s0  }
0x18: {  	s0 =	sld [smem:$0x3F97];
	_ =	swait.ge [sflag:s4], $0x0  }
0x19: {  	s7 =	sld [smem:$0x3F98]  }
0x1a: {  	s8 =	sadd.s32 $0xFFFFE003, lr  }
0x1b: {  	s9 =	sadd.s32 $0xFFFFFEF7, lr;
	s5 =	simm.s32 $0xFFFFFFFF;
	p2 =	slt.u32 s8, $0xFFFFF086  }
0x1c: {  	p1 =	slt.u32 s9, $0xF7A;
	s5 =	simm.s32 @!p2 $0x0  }
0x1d: {  	s5 =	simm.s32 @p1 $0x1;
	p0 =	seq.s32 s7, s2  }
0x1e: {  	s7 =	smul.u32 @!p0 $0xF7A, s2;
	p2 =	seq.s32 @!p0 s5, $0x0  }
0x1f: {  	s9 =	smul.u32 $0xF7A, s1;
	s8 =	simm.s32 @!p0 $0x1BF5;
	p2 =	por !p2, p0  }
0x20: {  	[sflag:s8] =	ssyncset.s32 @!p0 $0xFFFFF086;
	s6 =	sadd.s32 @!p0 s3, s7;
	s7 =	simm.s32 @!p0 $0x108  }
0x21: {  	s3 =	sadd.s32 s3, s9;
	s6 =	sadd.s32 @!p0 $0x88, s6;
	s7 =	simm.s32 @p2 $0x1082  }
0x22: {  	[simem:s7], [sflag:s8] =	dma.local @!p0 [hbm:s6], $0xF7A  }
0x23: {  	s9 =	sor.u32 $0xD0000000, s2;
	s6 =	simm.s32 $0x108;
	_ =	swait.ge @!p0 [sflag:s8], $0x0  }
0x24: {  	s3 =	sadd.s32 $0x88, s3;
	s6 =	simm.s32 @!p1 $0x1082;
	[sflag:s4] =	ssyncset.s32 $0xFFFFF086  }
0x25: {  	[simem:s6], [sflag:s4] =	dma.local [hbm:s3], $0xF7A  }
0x26: {  	[smem:$0x3F98] =	sst s1;
	(tag) =	ssettag s2;
	_ =	strace s9  }
0x27: {  	s1 =	sld [smem:$0x3FA8]  }
0x28: {  	s2 =	sld [smem:$0x3FA9]  }
0x29: {  	s4 =	sld [smem:$0x3FAB]  }
0x2a: {  	p0 =	seq.s32 s5, $0x0;
	s5 =	sld [smem:$0x3FAC]  }
0x2b: {  	s6 =	sld [smem:$0x3FAD]  }
0x2c: {  	s7 =	sld [smem:$0x3FAE]  }
0x2d: {  	s3 =	simm.s32 $0x108;
	s8 =	sld [smem:$0x3FAF]  }
0x2e: {  	s3 =	simm.s32 @!p0 $0x1082;
	s9 =	sld [smem:$0x3FB0]  }
0x2f: {  	lr =	sadd.s32 s0, s3;
	s0 =	sld [smem:$0x3FA7]  }
0x30: {  	s3 =	sld [smem:$0x3FAA]  }
0x31: {  	[smem:$0x3FB3] =	sst s10  }
0x32: {  	s10 =	sld [smem:$0x3FB1];
	_ =	sdelay $0x3  }
0x33: {  	p0 =	seq.s32 s10, $0x1;
	s10 =	sld [smem:$0x3FB3];
	_ =	sdelay $0x3  }
0x34: {  	[smem:$0x3FB3] =	sst s10  }
0x35: {  	s10 =	sld [smem:$0x3FB2];
	_ =	sdelay $0x3  }
0x36: {  	p1 =	seq.s32 s10, $0x1;
	s10 =	sld [smem:$0x3FB3];
	_ =	sdelay $0x3  }
0x37: {  	[smem:$0x3FB3] =	sst s10  }
0x38: {  	s10 =	sld [smem:$0x3FB4]  }
0x39: {  	_ = 	snop;
	(pc) =	sbr.ind lr, $3  }
0x3a: {  	_ = 	snop  }
0x3b: {  	_ = 	snop  }
0x3c: {  	p2 =	seq.s32 s10, $0x1;
	s10 =	sld [smem:$0x3FB3]  }
0x3d: {  	_ =	shalt  }
0x3e: {  	_ =	shalt  }
0x3f: {  	_ =	shalt  }
0x40: {  	_ =	shalt  }
0x41: {  	_ =	shalt  }
0x42: {  	_ =	shalt  }
0x43: {  	_ =	shalt  }
0x44: {  	_ =	shalt  }
0x45: {  	_ =	shalt  }
0x46: {  	_ =	shalt  }
0x47: {  	_ =	shalt  }
0x48: {  	_ =	shalt  }
0x49: {  	_ =	shalt  }
0x4a: {  	_ =	shalt  }
0x4b: {  	_ =	shalt  }
0x4c: {  	_ =	shalt  }
0x4d: {  	_ =	shalt  }
0x4e: {  	_ =	shalt  }
0x4f: {  	_ =	shalt  }
0x50: {  	_ =	shalt  }
0x51: {  	_ =	shalt  }
0x52: {  	_ =	shalt  }
0x53: {  	_ =	shalt  }
0x54: {  	_ =	shalt  }
0x55: {  	_ =	shalt  }
0x56: {  	_ =	shalt  }
0x57: {  	_ =	shalt  }
0x58: {  	_ =	shalt  }
0x59: {  	_ =	shalt  }
0x5a: {  	_ =	shalt  }
0x5b: {  	_ =	shalt  }
0x5c: {  	_ =	shalt  }
0x5d: {  	_ =	shalt  }
0x5e: {  	_ =	shalt  }
0x5f: {  	_ =	shalt  }
0x60: {  	_ =	shalt  }
0x61: {  	_ =	shalt  }
0x62: {  	_ =	shalt  }
0x63: {  	_ =	shalt  }
0x64: {  	_ =	shalt  }
0x65: {  	_ =	shalt  }
0x66: {  	_ =	shalt  }
0x67: {  	_ =	shalt  }
0x68: {  	_ =	shalt  }
0x69: {  	_ =	shalt  }
0x6a: {  	_ =	shalt  }
0x6b: {  	_ =	shalt  }
0x6c: {  	_ =	shalt  }
0x6d: {  	_ =	shalt  }
0x6e: {  	_ =	shalt  }
0x6f: {  	_ =	shalt  }
0x70: {  	_ =	shalt  }
0x71: {  	_ =	shalt  }
0x72: {  	_ =	shalt  }
0x73: {  	_ =	shalt  }
0x74: {  	_ =	shalt  }
0x75: {  	_ =	shalt  }
0x76: {  	_ =	shalt  }
0x77: {  	_ =	shalt  }
0x78: {  	_ =	shalt  }
0x79: {  	_ =	shalt  }
0x7a: {  	_ =	shalt  }
0x7b: {  	_ =	shalt  }
0x7c: {  	_ =	shalt  }
0x7d: {  	_ =	shalt  }
0x7e: {  	_ =	shalt  }
0x7f: {  	_ =	shalt  }
0x80: {  	_ =	shalt  }
0x81: {  	_ =	shalt  }
0x82: {  	_ =	shalt  }
0x83: {  	_ =	shalt  }
0x84: {  	_ =	shalt  }
0x85: {  	_ =	shalt  }
0x86: {  	_ =	shalt  }
0x87: {  	_ =	shalt  }
.Lfunc_end0:
.L_simem_size_0:
called_computation.3_lowered:
.L_overlay_start_0:
0x88: {  	s2 =	sld [smem:$0x3FD9]  }
0x89: {  	s3 =	sld [smem:$0x3FFE];
	_ =	sdelay $0x1  }
0x8a: {  	s1 =	srdreg.scid  }
0x8b: {  	s0 =	sand.u32 $0x1, s1  }
0x8c: {  	s16 =	sshll.u32 s0, $0xA;
	s2 =	sadd.s32 s3, s2  }
0x8d: {  	s2 =	sadd.s32 s2, s16  }
0x8e: {  	[smem:$0x3FBF] =	sst s2  }
0x8f: {  	_ = 	snop  }
0x90: {  	(tm) =	ssettm $0x1  }
0x91: {  	s17 =	sld [smem:$0x3FFB];
	_ =	sdelay $0x3  }
0x92: {  	_ =	strace s17  }
0x93: {  	s2 =	sld [smem:$0x3FFC];
	_ =	sdelay $0x3  }
0x94: {  	_ =	strace s2  }
0x95: {  	s2 =	sld [smem:$0x3FFD];
	_ =	sdelay $0x3  }
0x96: {  	_ =	strace s2  }
0x97: {  	_ =	strace $0x8FFFFFFF  }
0x98: {  	s18 =	sld [smem:$0x3FDB];
	_ =	sdelay $0x1  }
0x99: {  	s19 =	simm.s32 $_scs_section_size  }
0x9a: {  	s4 =	simm.s32 $_size__tile_overlayer_lowered;
	s5 =	simm.s32 $_tile_overlayer_lowered  }
0x9b: {  	s22 =	simm.s32 $0x1BFF;
	s21 =	sshll.u32 s5, $0x1;
	s2 =	sadd.s32 s19, s18  }
0x9c: {  	s6 =	simm.s32 $0x0;
	s20 =	sshll.u32 s4, $0x1;
	s4 =	sadd.s32 s21, s2  }
0x9d: {  	[timem:s6], [sflag:s22] =	dma.local [hbm:s4], s20  }
0x9e: {  	_ =	swait.ge [sflag:s22], s20  }
0x9f: {  	s3 =	ssub.s32 $0x0, s20;
	[sflag:s22] =	ssyncset.done $0x0  }
0xa0: {  	[sflag:s22] =	ssyncadd.s32 s3;
	_ =	sdelay $0x1  }
0xa1: {  	s23 =	simm.s32 $0x1B8B  }
0xa2: {  	_ =	swait.ge [sflag:s23], $0x1  }
0xa3: {  	[sflag:s23] =	ssyncset.done $0x0  }
0xa4: {  	s25 =	simm.s32 $0x1B8E;
	s24 =	sld [smem:$0x3FFE];
	[sflag:s23] =	ssyncadd.s32 $0xFFFFFFFF  }
0xa5: {  	s26 =	simm.s32 $execute0_lowered;
	[smem:$0x3FD2] =	sst s25  }
0xa6: {  	s4 =	sshll.u32 s26, $0x1;
	_ =	strace $0x8000004F;
	[dreg:$0x1] =	wrdreg $0xFFFFFFFF  }
0xa7: {  	s28 =	simm.s32 $_size_execute0_lowered;
	s2 =	sadd.s32 s2, s4;
	[dreg:$0x0] =	wrdreg $0x0  }
0xa8: {  	s4 =	sshll.u32 s28, $0x1;
	[dreg:$0x2] =	wrdreg s2  }
0xa9: {  	[dreg:$0x3] =	wrdreg s4  }
0xaa: {  	[dreg:$0x4] =	wrdreg $0xC0  }
0xab: {  	_ =	task [dreg:s6], $0x5FFFF  }
0xac: {  	[dreg:$0x1] =	wrdreg $0xFFFFFFFF  }
0xad: {  	[dreg:$0x0] =	wrdreg $0x60  }
0xae: {  	[dreg:$0x2] =	wrdreg s24  }
0xaf: {  	[dreg:$0x3] =	wrdreg $0x150000  }
0xb0: {  	[dreg:$0x4] =	wrdreg $0x9  }
0xb1: {  	_ =	task.clear_ibuf [dreg:s6], $0x5FFFF;
	_ =	strace $0x9000004F  }
0xb2: {  	s29 =	simm.s32 $0x9;
	_ =	strace $0x80000051  }
0xb3: {  	_ =	swait.ge [sflag:s29], $0x1  }
0xb4: {  	[sflag:s29] =	ssyncadd.s32 $0xFFFFFFFF  }
0xb5: {  	_ =	strace $0x90000051  }
0xb6: {  	_ =	sfence  }
0xb7: {  	s30 =	sld [smem:$0x0];
	_ =	sdelay $0x2  }
0xb8: {  	s31 =	sshll.u32 s1, $0xD;
	s1 =	sshrl.u32 s1, $0x2  }
0xb9: {  	s3 =	sand.u32 $0x4000, s31;
	s1 =	sadd.s32 s1, s30  }
0xba: {  	s0 =	sor.u32 s3, s0;
	s1 =	sshll.u32 s1, $0x11  }
0xbb: {  	s0 =	sor.u32 s1, s0  }
0xbc: {  	s0 =	sadd.s32 $0x8F2B, s0  }
0xbd: {  	[sflag:s0] =	ssyncadd.remote.s32 $0x1  }
0xbe: {  	_ =	sfence.sel $0xFFFF  }
0xbf: {  	[dreg:$0x0] =	wrdreg $0xFFFFFFFF;
	(pc) =	sbr.abs _section_cstart, $3  }
0xc0: {  	[dreg:$0x1] =	wrdreg $0xFFFFFFFF  }
0xc1: {  	_ =	task.clear_ibuf [dreg:s6], $0x2FFFF;
	_ =	strace $0x9FFFFFFF  }
0xc2: {  	(tm) =	ssettm $0x7FFFFFFF  }
0xc3: {  	_ =	shalt  }
tec
execute0_lowered:
.L_overlay_start_1:
0x0: {  	(tag) =	ssettag $0x1  }
0x1: {  	s5 =	rddreg [dreg:$0x0];
	s0 =	stileid.u32  }
0x2: {  	s1 =	srdreg.scid;
	s2 =	rddreg [dreg:$0x1];
	s3 =	simm.s32 $0x0  }
0x3: {  	s15 =	simm.s32 $0x10000;
	s16 =	simm.s32 $0x80;
	s17 =	simm.s32 $0x12800  }
0x4: {  	s18 =	simm.s32 $0x1;
	s19 =	simm.s32 $0x3;
	s20 =	simm.s32 $0x2  }
0x5: {  	s21 =	simm.s32 $0x4;
	s22 =	simm.s32 $0xFC00;
	s6 =	smul.u32 $0x1480, s0  }
0x6: {  	s7 =	sand.u32 $0x1, s1;
	s1 =	rddreg [dreg:$0x2];
	s8 =	smul.u32 $0x140, s0  }
0x7: {  	[smem:$0x7FF] =	sst s3;
	s4 =	sadd.s32 $0x2D600, s5;
	s26 =	smul.u32 $0x29000, s0  }
0x8: {  	s9 =	sshll.u32 s0, $0xC;
	s12 =	smul.u32 $0x28000, s0;
	s31 =	sshll.u32 s0, $0x6  }
0x9: {  	s23 =	smul.u32 $0x1400, s7;
	_ =	strace $0x80000050;
	s7 =	ssub.s32 $0x2, s7  }
0xa: {  	s9 =	sadd.s32 s9, s5;
	s10 =	sadd.s32 s6, s5;
	s28 =	sshrl.u32 s7, $0x1  }
0xb: {  	s29 =	sshrl.u32 s26, $0x2;
	s30 =	sshrl.u32 s12, $0x2;
	s12 =	sor.u32 $0x1C05, s31  }
0xc: {  	s25 =	sadd.s32 s8, s23;
	s13 =	ssub.s32 s7, s28;
	s14 =	sadd.s32 s29, s2  }
0xd: {  	s7 =	sadd.s32 $0x55600, s10;
	s24 =	sadd.s32 s30, s2;
	s10 =	simm.s32 $0x5  }
0xe: {  	v0 =	vmov s23;
	s23 =	simm.s32 $0xFC80;
	s6 =	sshll.u32 s25, $0x4;
	s24 =	sshrl.u32 s24, $0x3  }
0xf: {  	s25 =	simm.s32 $0x0;
	s11 =	sadd.s32 s6, s5;
	s5 =	sadd.s32 $0x1D600, s9  }
0x10: {  	s6 =	sadd.s32 $0x3000, s9;
	s9 =	smax.u32 s13, $0x1;
	s13 =	sshrl.u32 s14, $0x3  }
0x11: {  	s14 =	simm.s32 $0x50;
	s8 =	sadd.s32 $0x69E00, s11;
	s11 =	simm.s32 $0x8000  }
.LBB2_1:
0x12: {  	[tilespmem:s3], [sflag:$0x5] =	stream.linear.gather [hbm4b:s5+s3], $0x7D00, $0x38;
	[tilespmem:$0x1F400] =	vst v63  }
0x13: {  	_ =	swait.ge [sflag:s10], $0x7D00  }
0x14: {  	[sflag:s10] =	ssyncset.done $0x0  }
0x15: {  	[sflag:s10] =	ssyncadd.s32 $0xFFFF8300  }
0x16: {  	[tilespmem:s11], [sflag:$0x5] =	stream.linear.gather [hbm4b:s6+s3], $0x7D00, $0x38;
	[tilespmem:$0x1F400] =	vst v63  }
0x17: {  	_ =	swait.ge [sflag:s10], $0x7D00  }
0x18: {  	[sflag:s10] =	ssyncset.done $0x0  }
0x19: {  	s26 =	simm.s32 $0x40;
	[sflag:s10] =	ssyncadd.s32 $0xFFFF8300  }
0x1a: {  	v3 =	vld [tilespmem:s26+$0x7FC0]  }
0x1b: {  	v4 =	vld [tilespmem:s26+$0x7FD0]  }
0x1c: {  	v2 =	vld [tilespmem:s26+$0x7FE0]  }
0x1d: {  	s28 =	simm.s32 $0x300;
	v1 =	vld [tilespmem:s26+$0x7FF0]  }
.LBB2_2:
0x1e: {  	p0 =	sne.s32 s28, $0x1F300;
	v5 =	vld [tilespmem:s26+$0x8000]  }
0x1f: {  	v3 =	vsub.s32 v3, v0  }
0x20: {  	v3 =	vmin.u32 v3, $0x1400;
	v4 =	vsub.s32 v4, v0  }
.Ltmp0:
0x21: {  	s29 =	sshra.s32 s28, $0x2;
	[tilespmem:s26+$0x7FC0] =	vst v3;
	v4 =	vmin.u32 v4, $0x1400;
	v2 =	vsub.s32 v2, v0;
	(pc) =	sbr.rel @p0 .LBB2_2-.Ltmp0, $4  }
0x22: {  	v3 =	vld [tilespmem:s29+$0x7FC0];
	[tilespmem:s26+$0x7FD0] =	vst v4;
	v2 =	vmin.u32 v2, $0x1400;
	v1 =	vsub.s32 v1, v0  }
0x23: {  	v4 =	vld [tilespmem:s29+$0x7FD0];
	[tilespmem:s26+$0x7FE0] =	vst v2;
	v1 =	vmin.u32 v1, $0x1400;
	v5 =	vsub.s32 v5, v0  }
0x24: {  	v2 =	vld [tilespmem:s29+$0x7FE0];
	[tilespmem:s26+$0x7FF0] =	vst v1;
	v5 =	vmin.u32 v5, $0x1400  }
0x25: {  	s28 =	sadd.s32 $0x200, s28;
	v1 =	vld [tilespmem:s29+$0x7FF0];
	[tilespmem:s26+$0x8000] =	vst v5;
	s26 =	smov.u32 s29  }
0x26: {  	v5 =	vld [tilespmem:s26+$0x8000]  }
0x27: {  	v3 =	vsub.s32 v3, v0  }
0x28: {  	v3 =	vmin.u32 v3, $0x1400;
	v4 =	vsub.s32 v4, v0  }
0x29: {  	[tilespmem:s26+$0x7FC0] =	vst v3;
	v3 =	vmin.u32 v4, $0x1400;
	v2 =	vsub.s32 v2, v0  }
0x2a: {  	[tilespmem:s26+$0x7FD0] =	vst v3;
	v2 =	vmin.u32 v2, $0x1400;
	v1 =	vsub.s32 v1, v0  }
0x2b: {  	[tilespmem:s26+$0x7FE0] =	vst v2;
	v1 =	vmin.u32 v1, $0x1400;
	v2 =	vsub.s32 v5, v0  }
0x2c: {  	[tilespmem:s26+$0x7FF0] =	vst v1;
	v1 =	vmin.u32 v2, $0x1400  }
0x2d: {  	[tilespmem:s26+$0x8000] =	vst v1  }
0x2e: {  	[spmem:s13], [sflag:s12] =	dma.local [hbm:s7], $0x1480  }
0x2f: {  	_ =	swait.ge [sflag:s10], $0x1480  }
0x30: {  	[sflag:s10] =	ssyncset.done $0x0  }
0x31: {  	[sflag:s10] =	ssyncadd.s32 $0xFFFFEB80  }
0x32: {  	s31 =	simm.s32 $0x0;
	[bflag:$0x0] =	sbarrier.arrive $0xFFFF  }
0x33: {  	[tilespmem:s15], [sflag:$0x1] =	stream.indirect.gather [hbm4b:s4+s14], $0x80, s31, s14, $0xb8;
	[tilespmem:$0x1F400] =	vst v63  }
0x34: {  	_ = 	snop  }
0x35: {  	[tilespmem:s17], [sflag:$0x2] =	stream.indirect.gather [hbm4b:s4+s14], $0x80, s16, s14, $0xb8;
	[tilespmem:$0x1F400] =	vst v63  }
0x36: {  	_ =	swait.ge [sflag:s18], $0x2800  }
0x37: {  	[sflag:s18] =	ssyncset.done $0x0  }
0x38: {  	s29 =	simm.s32 $0x8000;
	[sflag:s18] =	ssyncadd.s32 $0xFFFFD800  }
0x39: {  	[spmem:s2] =	stream.indirect.scatter.add.f32 [tilespmem:s15], [sflag:$0x3], $0x80, s29, s14, $0xb8;
	[tilespmem:$0x1F400] =	vst v63  }
0x3a: {  	_ =	swait.ge [sflag:s19], $0x2800  }
0x3b: {  	[sflag:s19] =	ssyncset.done $0x0  }
0x3c: {  	s30 =	simm.s32 $0x100;
	[sflag:s19] =	ssyncadd.s32 $0xFFFFD800  }
0x3d: {  	[tilespmem:s15], [sflag:$0x1] =	stream.indirect.gather [hbm4b:s4+s14], $0x80, s30, s14, $0xb8;
	[tilespmem:$0x1F400] =	vst v63  }
0x3e: {  	_ =	swait.ge [sflag:s20], $0x2800  }
0x3f: {  	[sflag:s20] =	ssyncset.done $0x0  }
0x40: {  	s31 =	simm.s32 $0x8080;
	[sflag:s20] =	ssyncadd.s32 $0xFFFFD800  }
0x41: {  	[spmem:s2] =	stream.indirect.scatter.add.f32 [tilespmem:s17], [sflag:$0x4], $0x80, s31, s14, $0xb8;
	[tilespmem:$0x1F400] =	vst v63  }
0x42: {  	_ =	swait.ge [sflag:s21], $0x2800  }
0x43: {  	[sflag:s21] =	ssyncset.done $0x0  }
0x44: {  	s28 =	simm.s32 $0x180;
	s26 =	simm.s32 $0x400;
	[sflag:s21] =	ssyncadd.s32 $0xFFFFD800  }
.LBB2_4:
0x45: {  	[tilespmem:s17], [sflag:$0x2] =	stream.indirect.gather [hbm4b:s4+s14], $0x80, s28, s14, $0xb8;
	[tilespmem:$0x1F400] =	vst v63  }
0x46: {  	s28 =	smov.u32 s26  }
0x47: {  	p0 =	sne.s32 s26, $0x1EC00;
	s26 =	sadd.s32 $0x400, s26;
	_ =	swait.ge [sflag:s18], $0x2800  }
0x48: {  	s28 =	sshra.s32 s28, $0x2;
	[sflag:s18] =	ssyncset.done $0x0  }
0x49: {  	s29 =	sadd.s32 $0x8000, s28;
	[sflag:s18] =	ssyncadd.s32 $0xFFFFD800  }
0x4a: {  	[spmem:s2] =	stream.indirect.scatter.add.f32 [tilespmem:s15], [sflag:$0x3], $0x80, s29, s14, $0xb8;
	[tilespmem:$0x1F400] =	vst v63  }
0x4b: {  	_ =	swait.ge [sflag:s19], $0x2800  }
0x4c: {  	[sflag:s19] =	ssyncset.done $0x0  }
0x4d: {  	s29 =	sadd.s32 $0x100, s28;
	[sflag:s19] =	ssyncadd.s32 $0xFFFFD800  }
0x4e: {  	[tilespmem:s15], [sflag:$0x1] =	stream.indirect.gather [hbm4b:s4+s14], $0x80, s29, s14, $0xb8;
	[tilespmem:$0x1F400] =	vst v63  }
0x4f: {  	_ =	swait.ge [sflag:s20], $0x2800  }
0x50: {  	[sflag:s20] =	ssyncset.done $0x0  }
.Ltmp1:
0x51: {  	s29 =	sadd.s32 $0x8080, s28;
	[sflag:s20] =	ssyncadd.s32 $0xFFFFD800;
	(pc) =	sbr.rel @p0 .LBB2_4-.Ltmp1, $4  }
0x52: {  	[spmem:s2] =	stream.indirect.scatter.add.f32 [tilespmem:s17], [sflag:$0x4], $0x80, s29, s14, $0xb8;
	[tilespmem:$0x1F400] =	vst v63  }
0x53: {  	_ =	swait.ge [sflag:s21], $0x2800  }
0x54: {  	[sflag:s21] =	ssyncset.done $0x0  }
0x55: {  	s28 =	sadd.s32 $0x180, s28;
	[sflag:s21] =	ssyncadd.s32 $0xFFFFD800  }
0x56: {  	[tilespmem:s17], [sflag:$0x2] =	stream.indirect.gather [hbm4b:s4+s14], $0x80, s28, s14, $0xb8;
	[tilespmem:$0x1F400] =	vst v63  }
0x57: {  	_ =	swait.ge [sflag:s18], $0x2800  }
0x58: {  	[sflag:s18] =	ssyncset.done $0x0  }
0x59: {  	[sflag:s18] =	ssyncadd.s32 $0xFFFFD800  }
0x5a: {  	[spmem:s2] =	stream.indirect.scatter.add.f32 [tilespmem:s15], [sflag:$0x3], $0x80, s22, s14, $0xb8;
	[tilespmem:$0x1F400] =	vst v63  }
0x5b: {  	_ =	swait.ge [sflag:s19], $0x2800  }
0x5c: {  	[sflag:s19] =	ssyncset.done $0x0  }
0x5d: {  	[sflag:s19] =	ssyncadd.s32 $0xFFFFD800  }
0x5e: {  	_ =	swait.ge [sflag:s20], $0x2800  }
0x5f: {  	[sflag:s20] =	ssyncset.done $0x0  }
0x60: {  	[sflag:s20] =	ssyncadd.s32 $0xFFFFD800  }
0x61: {  	[spmem:s2] =	stream.indirect.scatter.add.f32 [tilespmem:s17], [sflag:$0x4], $0x80, s23, s14, $0xb8;
	[tilespmem:$0x1F400] =	vst v63  }
0x62: {  	_ =	swait.ge [sflag:s21], $0x2800  }
0x63: {  	s25 =	sadd.s32 $0x1, s25;
	[sflag:s21] =	ssyncset.done $0x0  }
0x64: {  	p0 =	sne.s32 s25, s9;
	[sflag:s21] =	ssyncadd.s32 $0xFFFFD800  }
.Ltmp2:
0x65: {  	[bflag:$0x0] =	sbarrier.arrive $0xFFFF;
	(pc) =	sbr.rel @p0 .LBB2_1-.Ltmp2, $4  }
0x66: {  	[hbm:s8], [sflag:s12] =	dma.local [spmem:s24], $0x1400  }
0x67: {  	_ =	swait.ge [sflag:s10], $0x1400  }
0x68: {  	[sflag:s10] =	ssyncset.done $0x0  }
0x69: {  	[sflag:s10] =	ssyncadd.s32 $0xFFFFEC00  }
0x6a: {  	_ =	sfence.sel $0x180000  }
0x6b: {  	[bflag:$0x0] =	sbarrier.arrive $0xFFFF  }
0x6c: {  	p0 =	sne.s32 s0, $0x0;
	_ =	strace $0x90000050  }
0x6d: {  	s0 =	sadd.s32 @!p0 $0x100000, s1;
	[bflag:$0x2] =	sbarrier.arrive $0xFFFF  }
0x6e: {  	[sflag:s0] =	ssyncadd.tile.s32 @!p0 $0x1;
	_ =	shalt  }
.Lfunc_end2:
_tile_overlayer_lowered:
.L_overlay_start_2:
0x6f: {  	(tag) =	ssettag $0x2  }
0x70: {  	s0 =	rddreg [dreg:$0x0];
	s2 =	stileid.u32  }
0x71: {  	s1 =	rddreg [dreg:$0x1];
	p0 =	sne.s32 s2, $0x0  }
0x72: {  	s3 =	rddreg [dreg:$0x2];
	[bflag:$0x3] =	sbarrier.arrive $0xFFFF;
	s2 =	simm.s32 @!p0 $0x1C05  }
0x73: {  	[timem:s3], [sflag:s2] =	dma.local @!p0 [hbm:s0], s1  }
0x74: {  	s0 =	simm.s32 @!p0 $0x5  }
0x75: {  	_ =	swait.ge @!p0 [sflag:s0], s1  }
0x76: {  	s1 =	ssub.s32 @!p0 $0x0, s1;
	[sflag:s0] =	ssyncset.done @!p0 $0x0  }
0x77: {  	[sflag:s0] =	ssyncadd.s32 @!p0 s1  }
0x78: {  	[bflag:$0x3] =	sbarrier.arrive $0xFFFF  }
0x79: {  	_ =	shalt  }

// kernel: kernel.9.cloned.1.call-start
scs
__scs_entry_jumppad:
0x0: {  	(pc) =	sbr.rel $0x88, $3  }
0x1: {  	(tag) =	ssettag $0x0;
	lr =	simm.s32 $0x1  }
0x2: {  	[smem:$0x3F98] =	sst lr;
	_ =	strace $0xD0000000  }
0x3: {  	_ = 	snop  }
0x4: {  	_ = 	snop  }
0x5: {  	_ = 	snop  }
0x6: {  	_ = 	snop  }
0x7: {  	_ = 	snop  }
__scs_overlays_trampoline_lowered:
0x8: {  	[smem:$0x3FA7] =	sst s0  }
0x9: {  	[smem:$0x3FA8] =	sst s1  }
0xa: {  	[smem:$0x3FA9] =	sst s2  }
0xb: {  	[smem:$0x3FAA] =	sst s3  }
0xc: {  	[smem:$0x3FAB] =	sst s4  }
0xd: {  	[smem:$0x3FAC] =	sst s5  }
0xe: {  	[smem:$0x3FAD] =	sst s6  }
0xf: {  	[smem:$0x3FAE] =	sst s7  }
0x10: {  	[smem:$0x3FAF] =	sst s8  }
0x11: {  	[smem:$0x3FB0] =	sst s9;
	s0 =	simm.s32 @!p0 $0x0  }
0x12: {  	s1 =	sld [smem:$0x3F96];
	s0 =	simm.s32 @p0 $0x1  }
0x13: {  	[smem:$0x3FB1] =	sst s0;
	s0 =	simm.s32 @!p1 $0x0  }
0x14: {  	s2 =	sld [smem:$0x3F95];
	s0 =	simm.s32 @p1 $0x1  }
0x15: {  	[smem:$0x3FB2] =	sst s0;
	s0 =	simm.s32 @!p2 $0x0  }
0x16: {  	s3 =	sld [smem:$0x3FDB];
	s0 =	simm.s32 @p2 $0x1  }
0x17: {  	s4 =	simm.s32 $0x1BF5;
	[smem:$0x3FB4] =	sst s0  }
0x18: {  	s0 =	sld [smem:$0x3F97];
	_ =	swait.ge [sflag:s4], $0x0  }
0x19: {  	s7 =	sld [smem:$0x3F98]  }
0x1a: {  	s8 =	sadd.s32 $0xFFFFE003, lr  }
0x1b: {  	s9 =	sadd.s32 $0xFFFFFEF7, lr;
	s5 =	simm.s32 $0xFFFFFFFF;
	p2 =	slt.u32 s8, $0xFFFFF086  }
0x1c: {  	p1 =	slt.u32 s9, $0xF7A;
	s5 =	simm.s32 @!p2 $0x0  }
0x1d: {  	s5 =	simm.s32 @p1 $0x1;
	p0 =	seq.s32 s7, s2  }
0x1e: {  	s7 =	smul.u32 @!p0 $0xF7A, s2;
	p2 =	seq.s32 @!p0 s5, $0x0  }
0x1f: {  	s9 =	smul.u32 $0xF7A, s1;
	s8 =	simm.s32 @!p0 $0x1BF5;
	p2 =	por !p2, p0  }
0x20: {  	[sflag:s8] =	ssyncset.s32 @!p0 $0xFFFFF086;
	s6 =	sadd.s32 @!p0 s3, s7;
	s7 =	simm.s32 @!p0 $0x108  }
0x21: {  	s3 =	sadd.s32 s3, s9;
	s6 =	sadd.s32 @!p0 $0x88, s6;
	s7 =	simm.s32 @p2 $0x1082  }
0x22: {  	[simem:s7], [sflag:s8] =	dma.local @!p0 [hbm:s6], $0xF7A  }
0x23: {  	s9 =	sor.u32 $0xD0000000, s2;
	s6 =	simm.s32 $0x108;
	_ =	swait.ge @!p0 [sflag:s8], $0x0  }
0x24: {  	s3 =	sadd.s32 $0x88, s3;
	s6 =	simm.s32 @!p1 $0x1082;
	[sflag:s4] =	ssyncset.s32 $0xFFFFF086  }
0x25: {  	[simem:s6], [sflag:s4] =	dma.local [hbm:s3], $0xF7A  }
0x26: {  	[smem:$0x3F98] =	sst s1;
	(tag) =	ssettag s2;
	_ =	strace s9  }
0x27: {  	s1 =	sld [smem:$0x3FA8]  }
0x28: {  	s2 =	sld [smem:$0x3FA9]  }
0x29: {  	s4 =	sld [smem:$0x3FAB]  }
0x2a: {  	p0 =	seq.s32 s5, $0x0;
	s5 =	sld [smem:$0x3FAC]  }
0x2b: {  	s6 =	sld [smem:$0x3FAD]  }
0x2c: {  	s7 =	sld [smem:$0x3FAE]  }
0x2d: {  	s3 =	simm.s32 $0x108;
	s8 =	sld [smem:$0x3FAF]  }
0x2e: {  	s3 =	simm.s32 @!p0 $0x1082;
	s9 =	sld [smem:$0x3FB0]  }
0x2f: {  	lr =	sadd.s32 s0, s3;
	s0 =	sld [smem:$0x3FA7]  }
0x30: {  	s3 =	sld [smem:$0x3FAA]  }
0x31: {  	[smem:$0x3FB3] =	sst s10  }
0x32: {  	s10 =	sld [smem:$0x3FB1];
	_ =	sdelay $0x3  }
0x33: {  	p0 =	seq.s32 s10, $0x1;
	s10 =	sld [smem:$0x3FB3];
	_ =	sdelay $0x3  }
0x34: {  	[smem:$0x3FB3] =	sst s10  }
0x35: {  	s10 =	sld [smem:$0x3FB2];
	_ =	sdelay $0x3  }
0x36: {  	p1 =	seq.s32 s10, $0x1;
	s10 =	sld [smem:$0x3FB3];
	_ =	sdelay $0x3  }
0x37: {  	[smem:$0x3FB3] =	sst s10  }
0x38: {  	s10 =	sld [smem:$0x3FB4]  }
0x39: {  	_ = 	snop;
	(pc) =	sbr.ind lr, $3  }
0x3a: {  	_ = 	snop  }
0x3b: {  	_ = 	snop  }
0x3c: {  	p2 =	seq.s32 s10, $0x1;
	s10 =	sld [smem:$0x3FB3]  }
0x3d: {  	_ =	shalt  }
0x3e: {  	_ =	shalt  }
0x3f: {  	_ =	shalt  }
0x40: {  	_ =	shalt  }
0x41: {  	_ =	shalt  }
0x42: {  	_ =	shalt  }
0x43: {  	_ =	shalt  }
0x44: {  	_ =	shalt  }
0x45: {  	_ =	shalt  }
0x46: {  	_ =	shalt  }
0x47: {  	_ =	shalt  }
0x48: {  	_ =	shalt  }
0x49: {  	_ =	shalt  }
0x4a: {  	_ =	shalt  }
0x4b: {  	_ =	shalt  }
0x4c: {  	_ =	shalt  }
0x4d: {  	_ =	shalt  }
0x4e: {  	_ =	shalt  }
0x4f: {  	_ =	shalt  }
0x50: {  	_ =	shalt  }
0x51: {  	_ =	shalt  }
0x52: {  	_ =	shalt  }
0x53: {  	_ =	shalt  }
0x54: {  	_ =	shalt  }
0x55: {  	_ =	shalt  }
0x56: {  	_ =	shalt  }
0x57: {  	_ =	shalt  }
0x58: {  	_ =	shalt  }
0x59: {  	_ =	shalt  }
0x5a: {  	_ =	shalt  }
0x5b: {  	_ =	shalt  }
0x5c: {  	_ =	shalt  }
0x5d: {  	_ =	shalt  }
0x5e: {  	_ =	shalt  }
0x5f: {  	_ =	shalt  }
0x60: {  	_ =	shalt  }
0x61: {  	_ =	shalt  }
0x62: {  	_ =	shalt  }
0x63: {  	_ =	shalt  }
0x64: {  	_ =	shalt  }
0x65: {  	_ =	shalt  }
0x66: {  	_ =	shalt  }
0x67: {  	_ =	shalt  }
0x68: {  	_ =	shalt  }
0x69: {  	_ =	shalt  }
0x6a: {  	_ =	shalt  }
0x6b: {  	_ =	shalt  }
0x6c: {  	_ =	shalt  }
0x6d: {  	_ =	shalt  }
0x6e: {  	_ =	shalt  }
0x6f: {  	_ =	shalt  }
0x70: {  	_ =	shalt  }
0x71: {  	_ =	shalt  }
0x72: {  	_ =	shalt  }
0x73: {  	_ =	shalt  }
0x74: {  	_ =	shalt  }
0x75: {  	_ =	shalt  }
0x76: {  	_ =	shalt  }
0x77: {  	_ =	shalt  }
0x78: {  	_ =	shalt  }
0x79: {  	_ =	shalt  }
0x7a: {  	_ =	shalt  }
0x7b: {  	_ =	shalt  }
0x7c: {  	_ =	shalt  }
0x7d: {  	_ =	shalt  }
0x7e: {  	_ =	shalt  }
0x7f: {  	_ =	shalt  }
0x80: {  	_ =	shalt  }
0x81: {  	_ =	shalt  }
0x82: {  	_ =	shalt  }
0x83: {  	_ =	shalt  }
0x84: {  	_ =	shalt  }
0x85: {  	_ =	shalt  }
0x86: {  	_ =	shalt  }
0x87: {  	_ =	shalt  }
.Lfunc_end0:
.L_simem_size_0:
called_computation_lowered:
.L_overlay_start_0:
0x88: {  	s2 =	sld [smem:$0x3FD9]  }
0x89: {  	s3 =	sld [smem:$0x3FFE];
	_ =	sdelay $0x1  }
0x8a: {  	s1 =	srdreg.scid  }
0x8b: {  	s0 =	sand.u32 $0x1, s1  }
0x8c: {  	s16 =	sshll.u32 s0, $0xA;
	s2 =	sadd.s32 s3, s2  }
0x8d: {  	s2 =	sadd.s32 s2, s16  }
0x8e: {  	[smem:$0x3FBF] =	sst s2  }
0x8f: {  	_ = 	snop  }
0x90: {  	(tm) =	ssettm $0x1  }
0x91: {  	s17 =	sld [smem:$0x3FFB];
	_ =	sdelay $0x3  }
0x92: {  	_ =	strace s17  }
0x93: {  	s2 =	sld [smem:$0x3FFC];
	_ =	sdelay $0x3  }
0x94: {  	_ =	strace s2  }
0x95: {  	s2 =	sld [smem:$0x3FFD];
	_ =	sdelay $0x3  }
0x96: {  	_ =	strace s2  }
0x97: {  	_ =	strace $0x8FFFFFFF  }
0x98: {  	s18 =	sld [smem:$0x3FDB];
	_ =	sdelay $0x1  }
0x99: {  	s19 =	simm.s32 $_scs_section_size  }
0x9a: {  	s4 =	simm.s32 $_size__tile_overlayer_lowered;
	s5 =	simm.s32 $_tile_overlayer_lowered  }
0x9b: {  	s22 =	simm.s32 $0x1BFF;
	s21 =	sshll.u32 s5, $0x1;
	s2 =	sadd.s32 s19, s18  }
0x9c: {  	s6 =	simm.s32 $0x0;
	s20 =	sshll.u32 s4, $0x1;
	s4 =	sadd.s32 s21, s2  }
0x9d: {  	[timem:s6], [sflag:s22] =	dma.local [hbm:s4], s20  }
0x9e: {  	_ =	swait.ge [sflag:s22], s20  }
0x9f: {  	s3 =	ssub.s32 $0x0, s20;
	[sflag:s22] =	ssyncset.done $0x0  }
0xa0: {  	[sflag:s22] =	ssyncadd.s32 s3;
	_ =	sdelay $0x1  }
0xa1: {  	s23 =	simm.s32 $0x1B8B  }
0xa2: {  	_ =	swait.ge [sflag:s23], $0x1  }
0xa3: {  	[sflag:s23] =	ssyncset.done $0x0  }
0xa4: {  	s25 =	simm.s32 $0x1B8E;
	s24 =	sld [smem:$0x3FFE];
	[sflag:s23] =	ssyncadd.s32 $0xFFFFFFFF  }
0xa5: {  	s26 =	simm.s32 $execute0_lowered;
	[smem:$0x3FD2] =	sst s25  }
0xa6: {  	s4 =	sshll.u32 s26, $0x1;
	_ =	strace $0x80000046;
	[dreg:$0x1] =	wrdreg $0xFFFFFFFF  }
0xa7: {  	s28 =	simm.s32 $_size_execute0_lowered;
	s2 =	sadd.s32 s2, s4;
	[dreg:$0x0] =	wrdreg $0x0  }
0xa8: {  	s4 =	sshll.u32 s28, $0x1;
	[dreg:$0x2] =	wrdreg s2  }
0xa9: {  	[dreg:$0x3] =	wrdreg s4  }
0xaa: {  	[dreg:$0x4] =	wrdreg $0xC0  }
0xab: {  	_ =	task [dreg:s6], $0x5FFFF  }
0xac: {  	[dreg:$0x1] =	wrdreg $0xFFFFFFFF  }
0xad: {  	[dreg:$0x0] =	wrdreg $0x60  }
0xae: {  	[dreg:$0x2] =	wrdreg s24  }
0xaf: {  	[dreg:$0x3] =	wrdreg $0x9  }
0xb0: {  	_ =	task.clear_ibuf [dreg:s6], $0x4FFFF;
	_ =	strace $0x90000046  }
0xb1: {  	s29 =	simm.s32 $0x9;
	_ =	strace $0x80000048  }
0xb2: {  	_ =	swait.ge [sflag:s29], $0x1  }
0xb3: {  	[sflag:s29] =	ssyncadd.s32 $0xFFFFFFFF  }
0xb4: {  	_ =	strace $0x90000048  }
0xb5: {  	_ =	sfence  }
0xb6: {  	s30 =	sld [smem:$0x0];
	_ =	sdelay $0x2  }
0xb7: {  	s31 =	sshll.u32 s1, $0xD;
	s1 =	sshrl.u32 s1, $0x2  }
0xb8: {  	s3 =	sand.u32 $0x4000, s31;
	s1 =	sadd.s32 s1, s30  }
0xb9: {  	s0 =	sor.u32 s3, s0;
	s1 =	sshll.u32 s1, $0x11  }
0xba: {  	s0 =	sor.u32 s1, s0  }
0xbb: {  	s0 =	sadd.s32 $0x8F2B, s0  }
0xbc: {  	[sflag:s0] =	ssyncadd.remote.s32 $0x1  }
0xbd: {  	_ =	sfence.sel $0xFFFF  }
0xbe: {  	[dreg:$0x0] =	wrdreg $0xFFFFFFFF;
	(pc) =	sbr.abs _section_cstart, $3  }
0xbf: {  	[dreg:$0x1] =	wrdreg $0xFFFFFFFF  }
0xc0: {  	_ =	task.clear_ibuf [dreg:s6], $0x2FFFF;
	_ =	strace $0x9FFFFFFF  }
0xc1: {  	(tm) =	ssettm $0x7FFFFFFF  }
tec
execute0_lowered:
.L_overlay_start_1:
0x0: {  	(tag) =	ssettag $0x1  }
0x1: {  	s4 =	stileid.u32  }
0x2: {  	s0 =	srdreg.scid;
	s1 =	rddreg [dreg:$0x0];
	s2 =	simm.s32 $0x0  }
0x3: {  	s10 =	simm.s32 $0x0;
	s0 =	sand.u32 $0x1, s0;
	s3 =	sshll.u32 s4, $0x1  }
0x4: {  	[smem:$0x7FF] =	sst s2;
	s4 =	sshll.u32 s4, $0xC;
	s3 =	sor.u32 s0, s3  }
0x5: {  	_ =	strace $0x80000047;
	s5 =	ssub.s32 $0x2, s0;
	s3 =	smul.u32 $0x140, s3  }
0x6: {  	s4 =	sadd.s32 s4, s1;
	s8 =	smul.u32 $0xFA00, s0;
	s16 =	sshrl.u32 s5, $0x1  }
0x7: {  	s17 =	sadd.s32 $0x3000, s4;
	s7 =	ssub.s32 s5, s16;
	s3 =	sshrl.u32 s3, $0x3  }
0x8: {  	[dreg:$0x2] =	wrdreg s17;
	s9 =	sshrl.u32 s8, $0x2;
	s6 =	sadd.s32 s3, s1  }
0x9: {  	s8 =	simm.s32 $0x8000;
	v0 =	vmov s9;
	s9 =	simm.s32 $0x1;
	s18 =	sadd.s32 $0x13000, s6  }
0xa: {  	s19 =	sadd.s32 $0x13500, s6;
	s20 =	sadd.s32 $0x13A00, s6;
	s21 =	sadd.s32 $0x13F00, s6  }
0xb: {  	s22 =	sadd.s32 $0x14400, s6;
	s23 =	sadd.s32 $0x14900, s6;
	s24 =	sadd.s32 $0x14E00, s6  }
0xc: {  	s25 =	sadd.s32 $0x15300, s6;
	s26 =	sadd.s32 $0x15800, s6;
	[dreg:$0x3] =	wrdreg s18  }
0xd: {  	s13 =	sadd.s32 $0x15D00, s6;
	s14 =	sadd.s32 $0x16200, s6;
	[dreg:$0x4] =	wrdreg s19  }
0xe: {  	s15 =	sadd.s32 $0x16700, s6;
	s16 =	sadd.s32 $0x16C00, s6;
	[dreg:$0x5] =	wrdreg s20  }
0xf: {  	s17 =	sadd.s32 $0x17100, s6;
	s28 =	sadd.s32 $0x1A300, s6;
	[dreg:$0x6] =	wrdreg s21  }
0x10: {  	s29 =	sadd.s32 $0x1A800, s6;
	s30 =	sadd.s32 $0x1AD00, s6;
	[dreg:$0x7] =	wrdreg s22  }
0x11: {  	s31 =	sadd.s32 $0x1B200, s6;
	s1 =	sadd.s32 $0x1B700, s6;
	[dreg:$0x8] =	wrdreg s23  }
0x12: {  	s0 =	sadd.s32 $0x1BC00, s6;
	s3 =	sadd.s32 $0x1C100, s6;
	[dreg:$0x9] =	wrdreg s24  }
0x13: {  	s4 =	sadd.s32 $0x1C600, s6;
	s5 =	sadd.s32 $0x1CB00, s6;
	[dreg:$0xa] =	wrdreg s25  }
0x14: {  	[dreg:$0xb] =	wrdreg s26;
	s18 =	sadd.s32 $0x17600, s6;
	s19 =	sadd.s32 $0x17B00, s6  }
0x15: {  	s20 =	sadd.s32 $0x18000, s6;
	s21 =	sadd.s32 $0x18500, s6;
	s22 =	sadd.s32 $0x18A00, s6  }
0x16: {  	s23 =	sadd.s32 $0x18F00, s6;
	s24 =	sadd.s32 $0x19400, s6;
	s25 =	sadd.s32 $0x19900, s6  }
0x17: {  	v1 =	vimm.f32 $0.0e+00;
	v2 =	vimm.f32 $1.000000000e+00;
	s26 =	sadd.s32 $0x19E00, s6;
	s6 =	smax.u32 s7, $0x1;
	s7 =	simm.s32 $0x2  }
.LBB2_1:
0x18: {  	s11 =	rddreg [dreg:$0x2]  }
0x19: {  	[tilespmem:s2], [sflag:$0x2] =	stream.linear.gather [hbm4b:s11+s2], $0x7D00, $0x38;
	[tilespmem:$0xA800] =	vst v63  }
0x1a: {  	_ =	swait.ge [sflag:s7], $0x7D00  }
0x1b: {  	[sflag:s7] =	ssyncset.done $0x0  }
0x1c: {  	s11 =	simm.s32 $0x0;
	[sflag:s7] =	ssyncadd.s32 $0xFFFF8300  }
.LBB2_2:
0x1d: {  	p0 =	sne.s32 s11, $0x9FC0  }
.Ltmp0:
0x1e: {  	_ = 	snop;
	(pc) =	sbr.rel @p0 .LBB2_2-.Ltmp0, $3  }
0x1f: {  	_ =	sdelay $0x1  }
0x20: {  	s12 =	sshra.s32 s11, $0x2  }
0x21: {  	s11 =	sadd.s32 $0x40, s11;
	[tilespmem:s12+$0x8000] =	vst v1  }
0x22: {  	s11 =	simm.s32 $0x100  }
.LBB2_4:
0x23: {  	s12 =	sshra.s32 s11, $0x2  }
0x24: {  	v3 =	vld.idx.msk [tilespmem:v0+s12+$0xFFFFFFC0 ss:$0x1], $0xffff;
	_ =	sdelay $0x7  }
0x25: {  	[tilespmem:v3+s8+$0x0] =	vst.idx.add.f32.msk $0xffff, v2  }
0x26: {  	v3 =	vld.idx.msk [tilespmem:v0+s12+$0xFFFFFFD0 ss:$0x1], $0xffff;
	_ =	sdelay $0x7  }
0x27: {  	[tilespmem:v3+s8+$0x0] =	vst.idx.add.f32.msk $0xffff, v2  }
0x28: {  	v3 =	vld.idx.msk [tilespmem:v0+s12+$0xFFFFFFE0 ss:$0x1], $0xffff;
	_ =	sdelay $0x7  }
0x29: {  	[tilespmem:v3+s8+$0x0] =	vst.idx.add.f32.msk $0xffff, v2  }
0x2a: {  	v3 =	vld.idx.msk [tilespmem:v0+s12+$0xFFFFFFF0 ss:$0x1], $0xffff;
	_ =	sdelay $0x7  }
0x2b: {  	[tilespmem:v3+s8+$0x0] =	vst.idx.add.f32.msk $0xffff, v2  }
0x2c: {  	v3 =	vld.idx.msk [tilespmem:v0+s12+$0x0 ss:$0x1], $0xffff;
	_ =	sdelay $0x2  }
0x2d: {  	p0 =	sne.s32 s11, $0xF900  }
.Ltmp1:
0x2e: {  	_ = 	snop;
	(pc) =	sbr.rel @p0 .LBB2_4-.Ltmp1, $2  }
0x2f: {  	_ =	sdelay $0x2  }
0x30: {  	s11 =	sadd.s32 $0x200, s11;
	[tilespmem:v3+s8+$0x0] =	vst.idx.add.f32.msk $0xffff, v2  }
0x31: {  	s11 =	rddreg [dreg:$0x3]  }
0x32: {  	[hbm4b:s11+s2] =	stream.linear.scatter [tilespmem:s8], [sflag:$0x1], $0x140, $0x38;
	[tilespmem:$0xA800] =	vst v63  }
0x33: {  	s12 =	simm.s32 $0x8140;
	s11 =	rddreg [dreg:$0x4]  }
0x34: {  	[hbm4b:s11+s2] =	stream.linear.scatter [tilespmem:s12], [sflag:$0x1], $0x140, $0x38;
	[tilespmem:$0xA800] =	vst v63  }
0x35: {  	s11 =	rddreg [dreg:$0x5];
	s12 =	simm.s32 $0x8280  }
0x36: {  	[hbm4b:s11+s2] =	stream.linear.scatter [tilespmem:s12], [sflag:$0x1], $0x140, $0x38;
	[tilespmem:$0xA800] =	vst v63  }
0x37: {  	s11 =	rddreg [dreg:$0x6];
	s12 =	simm.s32 $0x83C0  }
0x38: {  	[hbm4b:s11+s2] =	stream.linear.scatter [tilespmem:s12], [sflag:$0x1], $0x140, $0x38;
	[tilespmem:$0xA800] =	vst v63  }
0x39: {  	s11 =	rddreg [dreg:$0x7];
	s12 =	simm.s32 $0x8500  }
0x3a: {  	[hbm4b:s11+s2] =	stream.linear.scatter [tilespmem:s12], [sflag:$0x1], $0x140, $0x38;
	[tilespmem:$0xA800] =	vst v63  }
0x3b: {  	s11 =	rddreg [dreg:$0x8];
	s12 =	simm.s32 $0x8640  }
0x3c: {  	[hbm4b:s11+s2] =	stream.linear.scatter [tilespmem:s12], [sflag:$0x1], $0x140, $0x38;
	[tilespmem:$0xA800] =	vst v63  }
0x3d: {  	s11 =	rddreg [dreg:$0x9];
	s12 =	simm.s32 $0x8780  }
0x3e: {  	[hbm4b:s11+s2] =	stream.linear.scatter [tilespmem:s12], [sflag:$0x1], $0x140, $0x38;
	[tilespmem:$0xA800] =	vst v63  }
0x3f: {  	s11 =	rddreg [dreg:$0xa];
	s12 =	simm.s32 $0x88C0  }
0x40: {  	[hbm4b:s11+s2] =	stream.linear.scatter [tilespmem:s12], [sflag:$0x1], $0x140, $0x38;
	[tilespmem:$0xA800] =	vst v63  }
0x41: {  	s11 =	rddreg [dreg:$0xb];
	s12 =	simm.s32 $0x8A00  }
0x42: {  	[hbm4b:s11+s2] =	stream.linear.scatter [tilespmem:s12], [sflag:$0x1], $0x140, $0x38;
	[tilespmem:$0xA800] =	vst v63  }
0x43: {  	s12 =	simm.s32 $0x8B40  }
0x44: {  	[hbm4b:s13+s2] =	stream.linear.scatter [tilespmem:s12], [sflag:$0x1], $0x140, $0x38;
	[tilespmem:$0xA800] =	vst v63  }
0x45: {  	s12 =	simm.s32 $0x8C80  }
0x46: {  	[hbm4b:s14+s2] =	stream.linear.scatter [tilespmem:s12], [sflag:$0x1], $0x140, $0x38;
	[tilespmem:$0xA800] =	vst v63  }
0x47: {  	s12 =	simm.s32 $0x8DC0  }
0x48: {  	[hbm4b:s15+s2] =	stream.linear.scatter [tilespmem:s12], [sflag:$0x1], $0x140, $0x38;
	[tilespmem:$0xA800] =	vst v63  }
0x49: {  	s12 =	simm.s32 $0x8F00  }
0x4a: {  	[hbm4b:s16+s2] =	stream.linear.scatter [tilespmem:s12], [sflag:$0x1], $0x140, $0x38;
	[tilespmem:$0xA800] =	vst v63  }
0x4b: {  	s12 =	simm.s32 $0x9040  }
0x4c: {  	[hbm4b:s17+s2] =	stream.linear.scatter [tilespmem:s12], [sflag:$0x1], $0x140, $0x38;
	[tilespmem:$0xA800] =	vst v63  }
0x4d: {  	s12 =	simm.s32 $0x9180  }
0x4e: {  	[hbm4b:s18+s2] =	stream.linear.scatter [tilespmem:s12], [sflag:$0x1], $0x140, $0x38;
	[tilespmem:$0xA800] =	vst v63  }
0x4f: {  	s12 =	simm.s32 $0x92C0  }
0x50: {  	[hbm4b:s19+s2] =	stream.linear.scatter [tilespmem:s12], [sflag:$0x1], $0x140, $0x38;
	[tilespmem:$0xA800] =	vst v63  }
0x51: {  	s12 =	simm.s32 $0x9400  }
0x52: {  	[hbm4b:s20+s2] =	stream.linear.scatter [tilespmem:s12], [sflag:$0x1], $0x140, $0x38;
	[tilespmem:$0xA800] =	vst v63  }
0x53: {  	s12 =	simm.s32 $0x9540  }
0x54: {  	[hbm4b:s21+s2] =	stream.linear.scatter [tilespmem:s12], [sflag:$0x1], $0x140, $0x38;
	[tilespmem:$0xA800] =	vst v63  }
0x55: {  	s12 =	simm.s32 $0x9680  }
0x56: {  	[hbm4b:s22+s2] =	stream.linear.scatter [tilespmem:s12], [sflag:$0x1], $0x140, $0x38;
	[tilespmem:$0xA800] =	vst v63  }
0x57: {  	s12 =	simm.s32 $0x97C0  }
0x58: {  	[hbm4b:s23+s2] =	stream.linear.scatter [tilespmem:s12], [sflag:$0x1], $0x140, $0x38;
	[tilespmem:$0xA800] =	vst v63  }
0x59: {  	s12 =	simm.s32 $0x9900  }
0x5a: {  	[hbm4b:s24+s2] =	stream.linear.scatter [tilespmem:s12], [sflag:$0x1], $0x140, $0x38;
	[tilespmem:$0xA800] =	vst v63  }
0x5b: {  	s12 =	simm.s32 $0x9A40  }
0x5c: {  	[hbm4b:s25+s2] =	stream.linear.scatter [tilespmem:s12], [sflag:$0x1], $0x140, $0x38;
	[tilespmem:$0xA800] =	vst v63  }
0x5d: {  	s12 =	simm.s32 $0x9B80  }
0x5e: {  	[hbm4b:s26+s2] =	stream.linear.scatter [tilespmem:s12], [sflag:$0x1], $0x140, $0x38;
	[tilespmem:$0xA800] =	vst v63  }
0x5f: {  	s12 =	simm.s32 $0x9CC0  }
0x60: {  	[hbm4b:s28+s2] =	stream.linear.scatter [tilespmem:s12], [sflag:$0x1], $0x140, $0x38;
	[tilespmem:$0xA800] =	vst v63  }
0x61: {  	s12 =	simm.s32 $0x9E00  }
0x62: {  	[hbm4b:s29+s2] =	stream.linear.scatter [tilespmem:s12], [sflag:$0x1], $0x140, $0x38;
	[tilespmem:$0xA800] =	vst v63  }
0x63: {  	s12 =	simm.s32 $0x9F40  }
0x64: {  	[hbm4b:s30+s2] =	stream.linear.scatter [tilespmem:s12], [sflag:$0x1], $0x140, $0x38;
	[tilespmem:$0xA800] =	vst v63  }
0x65: {  	s12 =	simm.s32 $0xA080  }
0x66: {  	[hbm4b:s31+s2] =	stream.linear.scatter [tilespmem:s12], [sflag:$0x1], $0x140, $0x38;
	[tilespmem:$0xA800] =	vst v63  }
0x67: {  	s12 =	simm.s32 $0xA1C0  }
0x68: {  	[hbm4b:s1+s2] =	stream.linear.scatter [tilespmem:s12], [sflag:$0x1], $0x140, $0x38;
	[tilespmem:$0xA800] =	vst v63  }
0x69: {  	s12 =	simm.s32 $0xA300  }
0x6a: {  	[hbm4b:s0+s2] =	stream.linear.scatter [tilespmem:s12], [sflag:$0x1], $0x140, $0x38;
	[tilespmem:$0xA800] =	vst v63  }
0x6b: {  	s12 =	simm.s32 $0xA440  }
0x6c: {  	[hbm4b:s3+s2] =	stream.linear.scatter [tilespmem:s12], [sflag:$0x1], $0x140, $0x38;
	[tilespmem:$0xA800] =	vst v63  }
0x6d: {  	s12 =	simm.s32 $0xA580  }
0x6e: {  	[hbm4b:s4+s2] =	stream.linear.scatter [tilespmem:s12], [sflag:$0x1], $0x140, $0x38;
	[tilespmem:$0xA800] =	vst v63  }
0x6f: {  	s12 =	simm.s32 $0xA6C0  }
0x70: {  	[hbm4b:s5+s2] =	stream.linear.scatter [tilespmem:s12], [sflag:$0x1], $0x140, $0x38;
	[tilespmem:$0xA800] =	vst v63  }
0x71: {  	_ =	swait.ge [sflag:s9], $0x140  }
0x72: {  	[sflag:s9] =	ssyncset.done $0x0  }
0x73: {  	[sflag:s9] =	ssyncadd.s32 $0xFFFFFEC0  }
0x74: {  	_ =	swait.ge [sflag:s9], $0x140  }
0x75: {  	[sflag:s9] =	ssyncset.done $0x0  }
0x76: {  	[sflag:s9] =	ssyncadd.s32 $0xFFFFFEC0  }
0x77: {  	_ =	swait.ge [sflag:s9], $0x140  }
0x78: {  	[sflag:s9] =	ssyncset.done $0x0  }
0x79: {  	[sflag:s9] =	ssyncadd.s32 $0xFFFFFEC0  }
0x7a: {  	_ =	swait.ge [sflag:s9], $0x140  }
0x7b: {  	[sflag:s9] =	ssyncset.done $0x0  }
0x7c: {  	[sflag:s9] =	ssyncadd.s32 $0xFFFFFEC0  }
0x7d: {  	_ =	swait.ge [sflag:s9], $0x140  }
0x7e: {  	[sflag:s9] =	ssyncset.done $0x0  }
0x7f: {  	[sflag:s9] =	ssyncadd.s32 $0xFFFFFEC0  }
0x80: {  	_ =	swait.ge [sflag:s9], $0x140  }
0x81: {  	[sflag:s9] =	ssyncset.done $0x0  }
0x82: {  	[sflag:s9] =	ssyncadd.s32 $0xFFFFFEC0  }
0x83: {  	_ =	swait.ge [sflag:s9], $0x140  }
0x84: {  	[sflag:s9] =	ssyncset.done $0x0  }
0x85: {  	[sflag:s9] =	ssyncadd.s32 $0xFFFFFEC0  }
0x86: {  	_ =	swait.ge [sflag:s9], $0x140  }
0x87: {  	[sflag:s9] =	ssyncset.done $0x0  }
0x88: {  	[sflag:s9] =	ssyncadd.s32 $0xFFFFFEC0  }
0x89: {  	_ =	swait.ge [sflag:s9], $0x140  }
0x8a: {  	[sflag:s9] =	ssyncset.done $0x0  }
0x8b: {  	[sflag:s9] =	ssyncadd.s32 $0xFFFFFEC0  }
0x8c: {  	_ =	swait.ge [sflag:s9], $0x140  }
0x8d: {  	[sflag:s9] =	ssyncset.done $0x0  }
0x8e: {  	[sflag:s9] =	ssyncadd.s32 $0xFFFFFEC0  }
0x8f: {  	_ =	swait.ge [sflag:s9], $0x140  }
0x90: {  	[sflag:s9] =	ssyncset.done $0x0  }
0x91: {  	[sflag:s9] =	ssyncadd.s32 $0xFFFFFEC0  }
0x92: {  	_ =	swait.ge [sflag:s9], $0x140  }
0x93: {  	[sflag:s9] =	ssyncset.done $0x0  }
0x94: {  	[sflag:s9] =	ssyncadd.s32 $0xFFFFFEC0  }
0x95: {  	_ =	swait.ge [sflag:s9], $0x140  }
0x96: {  	[sflag:s9] =	ssyncset.done $0x0  }
0x97: {  	[sflag:s9] =	ssyncadd.s32 $0xFFFFFEC0  }
0x98: {  	_ =	swait.ge [sflag:s9], $0x140  }
0x99: {  	[sflag:s9] =	ssyncset.done $0x0  }
0x9a: {  	[sflag:s9] =	ssyncadd.s32 $0xFFFFFEC0  }
0x9b: {  	_ =	swait.ge [sflag:s9], $0x140  }
0x9c: {  	[sflag:s9] =	ssyncset.done $0x0  }
0x9d: {  	[sflag:s9] =	ssyncadd.s32 $0xFFFFFEC0  }
0x9e: {  	_ =	swait.ge [sflag:s9], $0x140  }
0x9f: {  	[sflag:s9] =	ssyncset.done $0x0  }
0xa0: {  	[sflag:s9] =	ssyncadd.s32 $0xFFFFFEC0  }
0xa1: {  	_ =	swait.ge [sflag:s9], $0x140  }
0xa2: {  	[sflag:s9] =	ssyncset.done $0x0  }
0xa3: {  	[sflag:s9] =	ssyncadd.s32 $0xFFFFFEC0  }
0xa4: {  	_ =	swait.ge [sflag:s9], $0x140  }
0xa5: {  	[sflag:s9] =	ssyncset.done $0x0  }
0xa6: {  	[sflag:s9] =	ssyncadd.s32 $0xFFFFFEC0  }
0xa7: {  	_ =	swait.ge [sflag:s9], $0x140  }
0xa8: {  	[sflag:s9] =	ssyncset.done $0x0  }
0xa9: {  	[sflag:s9] =	ssyncadd.s32 $0xFFFFFEC0  }
0xaa: {  	_ =	swait.ge [sflag:s9], $0x140  }
0xab: {  	[sflag:s9] =	ssyncset.done $0x0  }
0xac: {  	[sflag:s9] =	ssyncadd.s32 $0xFFFFFEC0  }
0xad: {  	_ =	swait.ge [sflag:s9], $0x140  }
0xae: {  	[sflag:s9] =	ssyncset.done $0x0  }
0xaf: {  	[sflag:s9] =	ssyncadd.s32 $0xFFFFFEC0  }
0xb0: {  	_ =	swait.ge [sflag:s9], $0x140  }
0xb1: {  	[sflag:s9] =	ssyncset.done $0x0  }
0xb2: {  	[sflag:s9] =	ssyncadd.s32 $0xFFFFFEC0  }
0xb3: {  	_ =	swait.ge [sflag:s9], $0x140  }
0xb4: {  	[sflag:s9] =	ssyncset.done $0x0  }
0xb5: {  	[sflag:s9] =	ssyncadd.s32 $0xFFFFFEC0  }
0xb6: {  	_ =	swait.ge [sflag:s9], $0x140  }
0xb7: {  	[sflag:s9] =	ssyncset.done $0x0  }
0xb8: {  	[sflag:s9] =	ssyncadd.s32 $0xFFFFFEC0  }
0xb9: {  	_ =	swait.ge [sflag:s9], $0x140  }
0xba: {  	[sflag:s9] =	ssyncset.done $0x0  }
0xbb: {  	[sflag:s9] =	ssyncadd.s32 $0xFFFFFEC0  }
0xbc: {  	_ =	swait.ge [sflag:s9], $0x140  }
0xbd: {  	[sflag:s9] =	ssyncset.done $0x0  }
0xbe: {  	[sflag:s9] =	ssyncadd.s32 $0xFFFFFEC0  }
0xbf: {  	_ =	swait.ge [sflag:s9], $0x140  }
0xc0: {  	[sflag:s9] =	ssyncset.done $0x0  }
0xc1: {  	[sflag:s9] =	ssyncadd.s32 $0xFFFFFEC0  }
0xc2: {  	_ =	swait.ge [sflag:s9], $0x140  }
0xc3: {  	[sflag:s9] =	ssyncset.done $0x0  }
0xc4: {  	[sflag:s9] =	ssyncadd.s32 $0xFFFFFEC0  }
0xc5: {  	_ =	swait.ge [sflag:s9], $0x140  }
0xc6: {  	[sflag:s9] =	ssyncset.done $0x0  }
0xc7: {  	[sflag:s9] =	ssyncadd.s32 $0xFFFFFEC0  }
0xc8: {  	_ =	swait.ge [sflag:s9], $0x140  }
0xc9: {  	[sflag:s9] =	ssyncset.done $0x0  }
0xca: {  	s10 =	sadd.s32 $0x1, s10;
	[sflag:s9] =	ssyncadd.s32 $0xFFFFFEC0  }
0xcb: {  	p0 =	sne.s32 s10, s6;
	_ =	swait.ge [sflag:s9], $0x140  }
.Ltmp2:
0xcc: {  	[sflag:s9] =	ssyncset.done $0x0;
	(pc) =	sbr.rel @p0 .LBB2_1-.Ltmp2, $4  }
0xcd: {  	[sflag:s9] =	ssyncadd.s32 $0xFFFFFEC0  }
0xce: {  	_ =	swait.ge [sflag:s9], $0x140  }
0xcf: {  	[sflag:s9] =	ssyncset.done $0x0  }
0xd0: {  	[sflag:s9] =	ssyncadd.s32 $0xFFFFFEC0  }
0xd1: {  	_ =	sfence.sel $0x180000  }
0xd2: {  	[bflag:$0x0] =	sbarrier.arrive $0xFFFF  }
0xd3: {  	_ =	strace $0x90000047  }
0xd4: {  	s0 =	stileid.u32;
	[bflag:$0x2] =	sbarrier.arrive $0xFFFF  }
0xd5: {  	p0 =	sne.s32 s0, $0x0;
	s0 =	rddreg [dreg:$0x1]  }
0xd6: {  	s0 =	sadd.s32 @!p0 $0x100000, s0  }
0xd7: {  	[sflag:s0] =	ssyncadd.tile.s32 @!p0 $0x1;
	_ =	shalt  }
.Lfunc_end2:
_tile_overlayer_lowered:
.L_overlay_start_2:
0xd8: {  	(tag) =	ssettag $0x2  }
0xd9: {  	s0 =	rddreg [dreg:$0x0];
	s2 =	stileid.u32  }
0xda: {  	s1 =	rddreg [dreg:$0x1];
	p0 =	sne.s32 s2, $0x0  }
0xdb: {  	s3 =	rddreg [dreg:$0x2];
	[bflag:$0x3] =	sbarrier.arrive $0xFFFF;
	s2 =	simm.s32 @!p0 $0x1C02  }
0xdc: {  	[timem:s3], [sflag:s2] =	dma.local @!p0 [hbm:s0], s1  }
0xdd: {  	s0 =	simm.s32 @!p0 $0x2  }
0xde: {  	_ =	swait.ge @!p0 [sflag:s0], s1  }
0xdf: {  	s1 =	ssub.s32 @!p0 $0x0, s1;
	[sflag:s0] =	ssyncset.done @!p0 $0x0  }
0xe0: {  	[sflag:s0] =	ssyncadd.s32 @!p0 s1  }
0xe1: {  	[bflag:$0x3] =	sbarrier.arrive $0xFFFF  }
0xe2: {  	_ =	shalt  }

</sc_bundles>
